<compile_context>
chip_gen: v7x
topology: tpu7x:2x2x1
jax: 0.10.2.dev20260603
libtpu: 0.0.44.dev20260713+nightly
codegen_flags: <defaults>
</compile_context>

<pallas_src>
import functools

import jax
import jax.numpy as jnp
from jax import lax
from jax.experimental import pallas as pl
from jax.experimental.pallas import tpu as pltpu
from jax.experimental.pallas import tpu_sc as plsc

N = 100000
E = 1600000
D = 48
BLK = 2000
GRID = N // BLK

NC = 2
NS = 16
RANGE = 25000
FLUSH_PER_SUB = 1568
RANGE_PAD = NS * FLUSH_PER_SUB
TRASH = RANGE_PAD
DUMP = 2048
WDEPTH = 2
EU = 1
AGG_ROWS = RANGE_PAD + 8
SPAN = E // NS
CH = 2000
NCHUNK = SPAN // CH
K = 128
OUT_ROWS = 4 * RANGE_PAD


def _dense1_body(x_ref, wi_ref, bi_ref, ws_ref, wd_ref, bd_ref, h_ref, ps_ref, pd_ref):
    xb = x_ref[...]
    h = jnp.maximum(jnp.dot(xb, wi_ref[...], preferred_element_type=jnp.float32) + bi_ref[...], 0.0)
    h_ref[...] = h
    ps_ref[...] = jnp.dot(h, ws_ref[...], preferred_element_type=jnp.float32)
    pd_ref[...] = jnp.dot(h, wd_ref[...], preferred_element_type=jnp.float32) + bd_ref[...]


def _dense1(x, W_init, b_init, W_src, W_dst, b_edge):
    row_spec = pl.BlockSpec((BLK, D), lambda i: (i, 0))
    w_spec = pl.BlockSpec((D, D), lambda i: (0, 0))
    b_spec = pl.BlockSpec((1, D), lambda i: (0, 0))
    return pl.pallas_call(
        _dense1_body,
        grid=(GRID,),
        in_specs=[row_spec, w_spec, b_spec, w_spec, w_spec, b_spec],
        out_specs=[row_spec, row_spec, row_spec],
        out_shape=[jax.ShapeDtypeStruct((N, D), jnp.float32)] * 3,
    )(x, W_init, b_init.reshape(1, D), W_src, W_dst, b_edge.reshape(1, D))


def _dense2_body(h_ref, agg_ref, wt_ref, wb_ref, bn_ref, h2_ref, cs_ref):
    h2 = jnp.maximum(
        jnp.dot(h_ref[...], wt_ref[...], preferred_element_type=jnp.float32)
        + jnp.dot(agg_ref[...], wb_ref[...], preferred_element_type=jnp.float32)
        + bn_ref[...], 0.0)
    h2_ref[...] = h2

    @pl.when(pl.program_id(0) == 0)
    def _():
        cs_ref[...] = jnp.zeros_like(cs_ref)

    cs_ref[...] += jnp.sum(h2, axis=0, keepdims=True)


def _dense2(h, agg, W_top, W_bot, b_node):
    row_spec = pl.BlockSpec((BLK, D), lambda i: (i, 0))
    w_spec = pl.BlockSpec((D, D), lambda i: (0, 0))
    b_spec = pl.BlockSpec((1, D), lambda i: (0, 0))
    return pl.pallas_call(
        _dense2_body,
        grid=(GRID,),
        in_specs=[row_spec, row_spec, w_spec, w_spec, b_spec],
        out_specs=[row_spec, b_spec],
        out_shape=[jax.ShapeDtypeStruct((N, D), jnp.float32),
                   jax.ShapeDtypeStruct((1, D), jnp.float32)],
    )(h, agg, W_top, W_bot, b_node.reshape(1, D))


def _dense3_body(h2_ref, cs_ref, wg_ref, bg_ref, wo_ref, bo_ref, out_ref):
    g = jnp.maximum(
        jnp.dot(cs_ref[...] * (1.0 / N), wg_ref[...], preferred_element_type=jnp.float32)
        + bg_ref[...], 0.0)
    go = jnp.dot(g, wo_ref[...], preferred_element_type=jnp.float32) + bo_ref[...]
    out_ref[...] = jnp.dot(h2_ref[...], wo_ref[...], preferred_element_type=jnp.float32) + go


def _dense3(h2, colsum, W_g, b_g, W_out, b_out):
    row_spec = pl.BlockSpec((BLK, D), lambda i: (i, 0))
    return pl.pallas_call(
        _dense3_body,
        grid=(GRID,),
        in_specs=[row_spec,
                  pl.BlockSpec((1, D), lambda i: (0, 0)),
                  pl.BlockSpec((D, D), lambda i: (0, 0)),
                  pl.BlockSpec((1, D), lambda i: (0, 0)),
                  pl.BlockSpec((D, 1), lambda i: (0, 0)),
                  pl.BlockSpec((1, 1), lambda i: (0, 0))],
        out_specs=pl.BlockSpec((BLK, 1), lambda i: (i, 0)),
        out_shape=jax.ShapeDtypeStruct((N, 1), jnp.float32),
    )(h2, colsum, W_g, b_g.reshape(1, D), W_out, b_out.reshape(1, 1))


def _edge_body(psrc_h, pdst_h, src_h, dst_h, watt_h, zeros_h, agg_h,
               src_v, dst_v, csrc, cgdst, cdst, abufA, abufB, bbufA, bbufB,
               wbufA, wbufB, watt_v, agg_sh, sem_ga, sem_gb, sem_w):
    c = lax.axis_index("c")
    s = lax.axis_index("s")
    pltpu.sync_copy(watt_h, watt_v)
    w0 = watt_v[pl.ds(0, 16)]
    w1 = watt_v[pl.ds(16, 16)]
    w2 = watt_v[pl.ds(32, 16)]
    zero16 = jnp.zeros((16,), jnp.int32)
    trash16 = jnp.full((16,), TRASH, jnp.int32)

    def init_body(j, _):
        csrc[pl.ds(j * 16, 16)] = zero16
        cgdst[pl.ds(j * 16, 16)] = zero16
        return 0
    lax.fori_loop(0, DUMP // 16, init_body, 0)

    def wait_w_one(j, _):
        pltpu.make_async_copy(psrc_h.at[pl.ds(0, K)],
                              agg_sh.at[pl.ds(0, K)], sem_w).wait()
        return 0

    for ri in range(2):
        lo = (2 * c + ri) * RANGE
        pltpu.sync_copy(zeros_h, agg_sh.at[pl.ds(s * FLUSH_PER_SUB, FLUSH_PER_SUB)])
        plsc.subcore_barrier()

        def chunk_body(i, _):
            base = s * SPAN + i * CH
            pltpu.sync_copy(src_h.at[pl.ds(base, CH)], src_v)
            pltpu.sync_copy(dst_h.at[pl.ds(base, CH)], dst_v)

            def pre_body(j, _):
                cdst[j >> 3, pl.ds((j & 7) * 16, 16)] = trash16
                return 0
            lax.fori_loop(0, DUMP // 16, pre_body, 0)

            def comp_body(v, cnt):
                dvec = dst_v[pl.ds(v * 16, 16)]
                svec = src_v[pl.ds(v * 16, 16)]
                d = dvec - jnp.broadcast_to(lo, (16,))
                bad = jax.lax.shift_right_logical(d | (RANGE - 1 - d), 31)
                cum = plsc.cumsum(1 - bad)
                pos = (cnt + cum - 1) * (1 - bad) + DUMP * bad
                plsc.store_scatter(csrc, [pos], svec)
                plsc.store_scatter(cgdst, [pos], dvec)
                plsc.store_scatter(cdst, [pos >> 7, pos & 127],
                                   d * (1 - bad) + TRASH * bad)
                return cnt + cum[15]

            cnt = lax.fori_loop(0, CH // 16, comp_body, jnp.int32(0))
            nblk = (cnt + (K - 1)) // K

            def gather(b, ab, bb, sem):
                pltpu.async_copy(psrc_h.at[csrc.at[pl.ds(b * K, K)]], ab, sem)
                pltpu.async_copy(pdst_h.at[cgdst.at[pl.ds(b * K, K)]], bb, sem)

            def gwait(ab, bb, sem):
                pltpu.make_async_copy(psrc_h.at[pl.ds(0, K)], ab, sem).wait()
                pltpu.make_async_copy(psrc_h.at[pl.ds(0, K)], bb, sem).wait()

            def compute(b, ab, bb, wb):
                def edge_body(e, _):
                    m0 = jnp.maximum(ab[e, pl.ds(0, 16)] + bb[e, pl.ds(0, 16)], 0.0)
                    m1 = jnp.maximum(ab[e, pl.ds(16, 16)] + bb[e, pl.ds(16, 16)], 0.0)
                    m2 = jnp.maximum(ab[e, pl.ds(32, 16)] + bb[e, pl.ds(32, 16)], 0.0)
                    t = m0 * w0 + m1 * w1 + m2 * w2
                    sv = jnp.broadcast_to(jnp.sum(t), (16,))
                    alpha = 1.0 / (1.0 + jnp.exp(-sv))
                    wb[e, pl.ds(0, 16)] = alpha * m0
                    wb[e, pl.ds(16, 16)] = alpha * m1
                    wb[e, pl.ds(32, 16)] = alpha * m2
                    return 0
                lax.fori_loop(0, K, edge_body, 0)

            @pl.when(nblk > 0)
            def _():
                gather(0, abufA, bbufA, sem_ga)

            def pair_body(p, outw):
                b0 = 2 * p
                b1 = b0 + 1

                @pl.when(b1 < nblk)
                def _():
                    gather(b1, abufB, bbufB, sem_gb)
                gwait(abufA, bbufA, sem_ga)

                compute(b0, abufA, bbufA, wbufA)
                outw1 = outw + 1 - jnp.where(p >= 1, 1, 0)

                @pl.when(b1 < nblk)
                def _():
                    @pl.when(b1 + 1 < nblk)
                    def _():
                        gather(b1 + 1, abufA, bbufA, sem_ga)
                    gwait(abufB, bbufB, sem_gb)

                    compute(b1, abufB, bbufB, wbufB)
                outw2 = outw1 + jnp.where(
                    b1 < nblk, 1 - jnp.where(p >= 1, 1, 0), 0)
                return outw2
            outw = lax.fori_loop(0, (nblk + 1) // 2, pair_body, jnp.int32(0))
            return 0
        lax.fori_loop(0, NCHUNK, chunk_body, 0)
        plsc.subcore_barrier()
        out_base = (2 * c + ri) * RANGE_PAD + s * FLUSH_PER_SUB
        pltpu.sync_copy(agg_sh.at[pl.ds(s * FLUSH_PER_SUB, FLUSH_PER_SUB)],
                        agg_h.at[pl.ds(out_base, FLUSH_PER_SUB)])
        plsc.subcore_barrier()


def _edge_stage_sc(p_src, p_dst, src, dst, w_att):
    mesh = plsc.VectorSubcoreMesh(core_axis_name="c", subcore_axis_name="s")
    call = pl.kernel(
        _edge_body,
        mesh=mesh,
        compiler_params=pltpu.CompilerParams(use_tc_tiling_on_sc=False, needs_layout_passes=False),
        out_type=jax.ShapeDtypeStruct((OUT_ROWS, D), jnp.float32),
        scratch_types=[
            pltpu.VMEM((CH,), jnp.int32),
            pltpu.VMEM((CH,), jnp.int32),
            pltpu.VMEM((DUMP + 8,), jnp.int32),
            pltpu.VMEM((DUMP + 8,), jnp.int32),
            pltpu.VMEM((DUMP // K + 1, K), jnp.int32),
            pltpu.VMEM((K, D), jnp.float32),
            pltpu.VMEM((K, D), jnp.float32),
            pltpu.VMEM((K, D), jnp.float32),
            pltpu.VMEM((K, D), jnp.float32),
            pltpu.VMEM((K, D), jnp.float32),
            pltpu.VMEM((K, D), jnp.float32),
            pltpu.VMEM((D,), jnp.float32),
            pltpu.VMEM_SHARED((AGG_ROWS, D), jnp.float32),
            pltpu.SemaphoreType.DMA,
            pltpu.SemaphoreType.DMA,
            pltpu.SemaphoreType.DMA,
        ],
    )
    zeros = jnp.zeros((FLUSH_PER_SUB, D), jnp.float32)
    agg_pad = call(p_src, p_dst, src, dst, w_att.reshape(D), zeros)
    return agg_pad.reshape(4, RANGE_PAD, D)[:, :RANGE].reshape(N, D)


def _edge_stage_xla(p_src, p_dst, src, dst, w_att):
    m = jnp.maximum(jnp.take(p_src, src, axis=0) + jnp.take(p_dst, dst, axis=0), 0.0)
    a = jax.nn.sigmoid(m @ w_att)
    return jax.ops.segment_sum(a * m, dst, num_segments=N)


def kernel(x, edge_index, W_init, b_init, W_edge, b_edge, w_att, W_node, b_node, W_g, b_g, W_out, b_out):
    h, p_src, p_dst = _dense1(x, W_init, b_init, W_edge[:D], W_edge[D:], b_edge)
    src = edge_index[0]
    dst = edge_index[1]
    agg = _edge_stage_sc(p_src, p_dst, src, dst, w_att)
    h2, colsum = _dense2(h, agg, W_node[:D], W_node[D:], b_node)
    return _dense3(h2, colsum, W_g, b_g, W_out, b_out)

# --- scband reference (transcript-rebuilt; emitter-appended) ---
"""Pipeline reference for scband-graph-policy-network-34368328303080 (READ-ONLY COPY).

The authoritative reference and input builder live on the scoring server;
editing this copy changes nothing except your own understanding.
"""

import jax, jax.numpy as jnp
import numpy as np

N = 100000
E = 1600000
D = 48

def setup_inputs(seed: int = 0) -> dict:
    key = jax.random.key(seed)
    ks = jax.random.split(key, 16)
    x = jax.random.normal(ks[0], (N, D), dtype=jnp.float32)
    edge_index = jax.random.randint(ks[1], (2, E), 0, N, dtype=jnp.int32)
    s = 1.0 / np.sqrt(D)
    s2 = 1.0 / np.sqrt(2 * D)
    W_init = jax.random.normal(ks[2], (D, D), dtype=jnp.float32) * s
    b_init = jnp.zeros((D,), dtype=jnp.float32)
    W_edge = jax.random.normal(ks[3], (2 * D, D), dtype=jnp.float32) * s2
    b_edge = jnp.zeros((D,), dtype=jnp.float32)
    w_att = jax.random.normal(ks[4], (D, 1), dtype=jnp.float32) * s
    W_node = jax.random.normal(ks[5], (2 * D, D), dtype=jnp.float32) * s2
    b_node = jnp.zeros((D,), dtype=jnp.float32)
    W_g = jax.random.normal(ks[6], (D, D), dtype=jnp.float32) * s
    b_g = jnp.zeros((D,), dtype=jnp.float32)
    W_out = jax.random.normal(ks[7], (D, 1), dtype=jnp.float32) * s
    b_out = jnp.zeros((1,), dtype=jnp.float32)
    return {"x": x, "edge_index": edge_index, "W_init": W_init, "b_init": b_init,
            "W_edge": W_edge, "b_edge": b_edge, "w_att": w_att,
            "W_node": W_node, "b_node": b_node, "W_g": W_g, "b_g": b_g,
            "W_out": W_out, "b_out": b_out}

def reference(x, edge_index, W_init, b_init, W_edge, b_edge, w_att, W_node, b_node, W_g, b_g, W_out, b_out):
    # init_node (policy_mapping == 'feature_only'): Linear(graph_dim, graph_dim)
    h = jax.nn.relu(x @ W_init + b_init)
    src = edge_index[0]
    dst = edge_index[1]
    # GraphLayer message step: edge MLP over gathered (src, dst) node states
    h_src = jnp.take(h, src, axis=0)
    h_dst = jnp.take(h, dst, axis=0)
    m = jax.nn.relu(jnp.concatenate([h_src, h_dst], axis=-1) @ W_edge + b_edge)
    # sigmoid attention gating (graph_attention_type='sigmoid')
    a = jax.nn.sigmoid(m @ w_att)
    # scatter-add aggregation to destination nodes
    agg = jax.ops.segment_sum(a * m, dst, num_segments=N)
    # node update with node history (concat of previous state and aggregated messages)
    h2 = jax.nn.relu(jnp.concatenate([h, agg], axis=-1) @ W_node + b_node)
    # global update (use_global=True): pooled global state broadcast back to nodes
    g = jax.nn.relu(jnp.mean(h2, axis=0) @ W_g + b_g)
    h3 = h2 + g[None, :]
    # output_net: Linear(graph_dim, 1) producing per-node policy logits
    logits = h3 @ W_out + b_out
    return logits

if __name__ == "__main__":
    import jax
    _d = setup_inputs()
    print(jax.jit(kernel)(*tuple(_d.values())))

</pallas_src>

<mosaic_0001>
#map = affine_map<(d0, d1) -> (0, 0)>
#map1 = affine_map<(d0, d1) -> (0)>
module attributes {stable_mosaic.version = 14 : i64} {
  func.func @_edge_body(%arg0: i32, %arg1: i32, %arg2: memref<100000x48xf32, #tpu.memory_space<hbm>>, %arg3: memref<100000x48xf32, #tpu.memory_space<hbm>>, %arg4: memref<1600000xi32, #tpu.memory_space<hbm>>, %arg5: memref<1600000xi32, #tpu.memory_space<hbm>>, %arg6: memref<48xf32, #tpu.memory_space<hbm>>, %arg7: memref<1568x48xf32, #tpu.memory_space<hbm>>, %arg8: memref<100352x48xf32, #tpu.memory_space<hbm>>, %arg9: memref<2000xi32, #tpu.memory_space<vmem>>, %arg10: memref<2000xi32, #tpu.memory_space<vmem>>, %arg11: memref<2056xi32, #tpu.memory_space<vmem>>, %arg12: memref<2056xi32, #tpu.memory_space<vmem>>, %arg13: memref<17x128xi32, #tpu.memory_space<vmem>>, %arg14: memref<128x48xf32, #tpu.memory_space<vmem>>, %arg15: memref<128x48xf32, #tpu.memory_space<vmem>>, %arg16: memref<128x48xf32, #tpu.memory_space<vmem>>, %arg17: memref<128x48xf32, #tpu.memory_space<vmem>>, %arg18: memref<128x48xf32, #tpu.memory_space<vmem>>, %arg19: memref<128x48xf32, #tpu.memory_space<vmem>>, %arg20: memref<48xf32, #tpu.memory_space<vmem>>, %arg21: memref<25096x48xf32, #tpu.memory_space<vmem_shared>>, %arg22: memref<!tpu.dma_semaphore, #tpu.memory_space<semaphore_mem>>, %arg23: memref<!tpu.dma_semaphore, #tpu.memory_space<semaphore_mem>>, %arg24: memref<!tpu.dma_semaphore, #tpu.memory_space<semaphore_mem>>) attributes {dimension_semantics = [#tpu.dimension_semantics<core_parallel>, #tpu.dimension_semantics<subcore_parallel>], iteration_bounds = array<i64: 2, 16>, scalar_prefetch = 0 : i64, scratch_operands = 16 : i64, tpu.core_type = #tpu.core_type<sc_vector_subcore>, window_params = [{transform_indices = #map}, {transform_indices = #map}, {transform_indices = #map1}, {transform_indices = #map1}, {transform_indices = #map1}, {transform_indices = #map}, {transform_indices = #map}]} {
    "tpu.region"() ({
      %run_scoped3A = tpu.sem_alloc : memref<!tpu.dma_semaphore, #tpu.memory_space<semaphore_mem>>
      tpu.enqueue_dma source(%arg6 : memref<48xf32, #tpu.memory_space<hbm>>) target(%arg20 : memref<48xf32, #tpu.memory_space<vmem>>) target_semaphore(%run_scoped3A : memref<!tpu.dma_semaphore, #tpu.memory_space<semaphore_mem>>)
      tpu.wait_dma2 semaphore(%run_scoped3A : memref<!tpu.dma_semaphore, #tpu.memory_space<semaphore_mem>>) src(%arg6 : memref<48xf32, #tpu.memory_space<hbm>>) dst(%arg20 : memref<48xf32, #tpu.memory_space<vmem>>)
      tpu.yield
    }) : () -> ()
    %get3A = arith.constant 0 : index
    %get3A_0 = tpu.vector_load %arg20[%get3A] {strides = array<i32>} : memref<48xf32, #tpu.memory_space<vmem>>, vector<16xf32>,
    %get3A_1 = arith.constant 16 : index
    %get3A_2 = tpu.vector_load %arg20[%get3A_1] {strides = array<i32>} : memref<48xf32, #tpu.memory_space<vmem>>, vector<16xf32>,
    %get3A_3 = arith.constant 32 : index
    %get3A_4 = tpu.vector_load %arg20[%get3A_3] {strides = array<i32>} : memref<48xf32, #tpu.memory_space<vmem>>, vector<16xf32>,
    %broadcast_in_dim3A = arith.constant 0 : i32
    %broadcast_in_dim3A_5 = vector.broadcast %broadcast_in_dim3A : i32 to vector<16xi32>
    %broadcast_in_dim3A_6 = arith.constant 25088 : i32
    %broadcast_in_dim3A_7 = vector.broadcast %broadcast_in_dim3A_6 : i32 to vector<16xi32>
    %scan3A = arith.constant 0 : i32
    %scan3A_8 = arith.constant 0 : i32
    %scan3A_9 = arith.constant 128 : i32
    %scan3A_10 = arith.addi %scan3A_8, %scan3A_9 : i32
    %scan3A_11 = arith.constant 1 : i32
    %scan3A_12 = scf.for %scan3A_69 = %scan3A_8 to %scan3A_10 step %scan3A_11 iter_args(%scan3A_70 = %scan3A) -> (i32)  : i32 {
      %mul3A_71 = arith.constant 16 : i32
      %mul3A_72 = arith.muli %scan3A_69, %mul3A_71 : i32
      %swap3A = arith.index_cast %mul3A_72 : i32 to index
      %swap3A_73 = tpu.vector_load %arg11[%swap3A] {strides = array<i32>} : memref<2056xi32, #tpu.memory_space<vmem>>, vector<16xi32>,
      tpu.vector_store %arg11[%swap3A], %broadcast_in_dim3A_5 {strides = array<i32>} : memref<2056xi32, #tpu.memory_space<vmem>>, vector<16xi32>,
      %mul3A_74 = arith.constant 16 : i32
      %mul3A_75 = arith.muli %scan3A_69, %mul3A_74 : i32
      %swap3A_76 = arith.index_cast %mul3A_75 : i32 to index
      %swap3A_77 = tpu.vector_load %arg12[%swap3A_76] {strides = array<i32>} : memref<2056xi32, #tpu.memory_space<vmem>>, vector<16xi32>,
      tpu.vector_store %arg12[%swap3A_76], %broadcast_in_dim3A_5 {strides = array<i32>} : memref<2056xi32, #tpu.memory_space<vmem>>, vector<16xi32>,
      %scan3A_78 = arith.constant 0 : i32
      scf.yield %scan3A_78 : i32
    }
    %scan3A_13 = arith.constant 128 : i32
    %mul3A = arith.constant 2 : i32
    %mul3A_14 = arith.muli %mul3A, %arg0 : i32
    %add3A = arith.constant 0 : i32
    %add3A_15 = arith.addi %mul3A_14, %add3A : i32
    %mul3A_16 = arith.constant 25000 : i32
    %mul3A_17 = arith.muli %add3A_15, %mul3A_16 : i32
    %mul3A_18 = arith.constant 1568 : i32
    %mul3A_19 = arith.muli %arg1, %mul3A_18 : i32
    "tpu.region"() ({
      %run_scoped3A = tpu.sem_alloc : memref<!tpu.dma_semaphore, #tpu.memory_space<semaphore_mem>>
      %dma_start3A = arith.constant 0 : i32
      %dma_start3A_69 = tpu.memref_slice %arg21[%mul3A_19, %dma_start3A] : memref<25096x48xf32, #tpu.memory_space<vmem_shared>> -> memref<1568x48xf32, #tpu.memory_space<vmem_shared>>
      tpu.enqueue_dma source(%arg7 : memref<1568x48xf32, #tpu.memory_space<hbm>>) target(%dma_start3A_69 : memref<1568x48xf32, #tpu.memory_space<vmem_shared>>) target_semaphore(%run_scoped3A : memref<!tpu.dma_semaphore, #tpu.memory_space<semaphore_mem>>)
      %dma_wait3A = arith.constant 0 : i32
      %dma_wait3A_70 = tpu.memref_slice %arg21[%mul3A_19, %dma_wait3A] : memref<25096x48xf32, #tpu.memory_space<vmem_shared>> -> memref<1568x48xf32, #tpu.memory_space<vmem_shared>>
      tpu.wait_dma2 semaphore(%run_scoped3A : memref<!tpu.dma_semaphore, #tpu.memory_space<semaphore_mem>>) src(%arg7 : memref<1568x48xf32, #tpu.memory_space<hbm>>) dst(%dma_wait3A_70 : memref<1568x48xf32, #tpu.memory_space<vmem_shared>>)
      tpu.yield
    }) : () -> ()
    %barrier3A = arith.constant 0 : index
    tpu.barrier barrier_id(%barrier3A)
    %scan3A_20 = arith.constant 0 : i32
    %scan3A_21 = arith.constant 0 : i32
    %scan3A_22 = arith.constant 50 : i32
    %scan3A_23 = arith.addi %scan3A_21, %scan3A_22 : i32
    %scan3A_24 = arith.constant 1 : i32
    %scan3A_25 = scf.for %scan3A_69 = %scan3A_21 to %scan3A_23 step %scan3A_24 iter_args(%scan3A_70 = %scan3A_20) -> (i32)  : i32 {
      %mul3A_71 = arith.constant 100000 : i32
      %mul3A_72 = arith.muli %arg1, %mul3A_71 : i32
      %mul3A_73 = arith.constant 2000 : i32
      %mul3A_74 = arith.muli %scan3A_69, %mul3A_73 : i32
      %add3A_75 = arith.addi %mul3A_72, %mul3A_74 : i32
      "tpu.region"() ({
        %run_scoped3A = tpu.sem_alloc : memref<!tpu.dma_semaphore, #tpu.memory_space<semaphore_mem>>
        %dma_start3A = tpu.memref_slice %arg4[%add3A_75] : memref<1600000xi32, #tpu.memory_space<hbm>> -> memref<2000xi32, #tpu.memory_space<hbm>>
        %dma_start3A_148 = tpu.memref_slice %arg4[%add3A_75] : memref<1600000xi32, #tpu.memory_space<hbm>> -> memref<2000xi32, #tpu.memory_space<hbm>>
        tpu.enqueue_dma source(%dma_start3A_148 : memref<2000xi32, #tpu.memory_space<hbm>>) target(%arg9 : memref<2000xi32, #tpu.memory_space<vmem>>) target_semaphore(%run_scoped3A : memref<!tpu.dma_semaphore, #tpu.memory_space<semaphore_mem>>)
        %dma_wait3A = tpu.memref_slice %arg4[%add3A_75] : memref<1600000xi32, #tpu.memory_space<hbm>> -> memref<2000xi32, #tpu.memory_space<hbm>>
        %dma_wait3A_149 = tpu.memref_slice %arg4[%add3A_75] : memref<1600000xi32, #tpu.memory_space<hbm>> -> memref<2000xi32, #tpu.memory_space<hbm>>
        tpu.wait_dma2 semaphore(%run_scoped3A : memref<!tpu.dma_semaphore, #tpu.memory_space<semaphore_mem>>) src(%dma_wait3A_149 : memref<2000xi32, #tpu.memory_space<hbm>>) dst(%arg9 : memref<2000xi32, #tpu.memory_space<vmem>>)
        tpu.yield
      }) : () -> ()
      "tpu.region"() ({
        %run_scoped3A = tpu.sem_alloc : memref<!tpu.dma_semaphore, #tpu.memory_space<semaphore_mem>>
        %dma_start3A = tpu.memref_slice %arg5[%add3A_75] : memref<1600000xi32, #tpu.memory_space<hbm>> -> memref<2000xi32, #tpu.memory_space<hbm>>
        %dma_start3A_148 = tpu.memref_slice %arg5[%add3A_75] : memref<1600000xi32, #tpu.memory_space<hbm>> -> memref<2000xi32, #tpu.memory_space<hbm>>
        tpu.enqueue_dma source(%dma_start3A_148 : memref<2000xi32, #tpu.memory_space<hbm>>) target(%arg10 : memref<2000xi32, #tpu.memory_space<vmem>>) target_semaphore(%run_scoped3A : memref<!tpu.dma_semaphore, #tpu.memory_space<semaphore_mem>>)
        %dma_wait3A = tpu.memref_slice %arg5[%add3A_75] : memref<1600000xi32, #tpu.memory_space<hbm>> -> memref<2000xi32, #tpu.memory_space<hbm>>
        %dma_wait3A_149 = tpu.memref_slice %arg5[%add3A_75] : memref<1600000xi32, #tpu.memory_space<hbm>> -> memref<2000xi32, #tpu.memory_space<hbm>>
        tpu.wait_dma2 semaphore(%run_scoped3A : memref<!tpu.dma_semaphore, #tpu.memory_space<semaphore_mem>>) src(%dma_wait3A_149 : memref<2000xi32, #tpu.memory_space<hbm>>) dst(%arg10 : memref<2000xi32, #tpu.memory_space<vmem>>)
        tpu.yield
      }) : () -> ()
      %scan3A_76 = arith.constant 0 : i32
      %scan3A_77 = arith.constant 0 : i32
      %scan3A_78 = arith.constant 128 : i32
      %scan3A_79 = arith.addi %scan3A_77, %scan3A_78 : i32
      %scan3A_80 = arith.constant 1 : i32
      %scan3A_81 = scf.for %scan3A_148 = %scan3A_77 to %scan3A_79 step %scan3A_80 iter_args(%scan3A_149 = %scan3A_76) -> (i32)  : i32 {
        %shift_right_arithmetic3A = arith.constant 3 : i32
        %shift_right_arithmetic3A_150 = arith.shrsi %scan3A_148, %shift_right_arithmetic3A : i32
        %and3A_151 = arith.constant 7 : i32
        %and3A_152 = arith.andi %scan3A_148, %and3A_151 : i32
        %mul3A_153 = arith.constant 16 : i32
        %mul3A_154 = arith.muli %and3A_152, %mul3A_153 : i32
        %swap3A = arith.index_cast %shift_right_arithmetic3A_150 : i32 to index
        %swap3A_155 = arith.index_cast %mul3A_154 : i32 to index
        %swap3A_156 = tpu.vector_load %arg13[%swap3A, %swap3A_155] {strides = array<i32>} : memref<17x128xi32, #tpu.memory_space<vmem>>, vector<16xi32>,
        tpu.vector_store %arg13[%swap3A, %swap3A_155], %broadcast_in_dim3A_7 {strides = array<i32>} : memref<17x128xi32, #tpu.memory_space<vmem>>, vector<16xi32>,
        %scan3A_157 = arith.constant 0 : i32
        scf.yield %scan3A_157 : i32
      }
      %scan3A_82 = arith.constant 128 : i32
      %scan3A_83 = arith.constant 0 : i32
      %scan3A_84 = arith.constant 0 : i32
      %scan3A_85 = arith.constant 125 : i32
      %scan3A_86 = arith.addi %scan3A_84, %scan3A_85 : i32
      %scan3A_87 = arith.constant 1 : i32
      %scan3A_88 = scf.for %scan3A_148 = %scan3A_84 to %scan3A_86 step %scan3A_87 iter_args(%scan3A_149 = %scan3A_83) -> (i32)  : i32 {
        %mul3A_150 = arith.constant 16 : i32
        %mul3A_151 = arith.muli %scan3A_148, %mul3A_150 : i32
        %get3A_152 = arith.index_cast %mul3A_151 : i32 to index
        %get3A_153 = tpu.vector_load %arg10[%get3A_152] {strides = array<i32>} : memref<2000xi32, #tpu.memory_space<vmem>>, vector<16xi32>,
        %mul3A_154 = arith.constant 16 : i32
        %mul3A_155 = arith.muli %scan3A_148, %mul3A_154 : i32
        %get3A_156 = arith.index_cast %mul3A_155 : i32 to index
        %get3A_157 = tpu.vector_load %arg9[%get3A_156] {strides = array<i32>} : memref<2000xi32, #tpu.memory_space<vmem>>, vector<16xi32>,
        %broadcast_in_dim3A_158 = vector.broadcast %mul3A_17 : i32 to vector<16xi32>
        %sub3A_159 = arith.subi %get3A_153, %broadcast_in_dim3A_158 : vector<16xi32>
        %sub3A_160 = arith.constant 24999 : i32
        %sub3A_161 = vector.broadcast %sub3A_160 : i32 to vector<16xi32>
        %sub3A_162 = arith.subi %sub3A_161, %sub3A_159 : vector<16xi32>
        %or3A = arith.ori %sub3A_159, %sub3A_162 : vector<16xi32>
        %shift_right_logical3A = arith.constant 31 : i32
        %shift_right_logical3A_163 = vector.broadcast %shift_right_logical3A : i32 to vector<16xi32>
        %shift_right_logical3A_164 = arith.shrui %or3A, %shift_right_logical3A_163 : vector<16xi32>
        %sub3A_165 = arith.constant 1 : i32
        %sub3A_166 = vector.broadcast %sub3A_165 : i32 to vector<16xi32>
        %sub3A_167 = arith.subi %sub3A_166, %shift_right_logical3A_164 : vector<16xi32>
        %broadcast_in_dim3A_168 = arith.constant true
        %broadcast_in_dim3A_169 = vector.broadcast %broadcast_in_dim3A_168 : i1 to vector<16xi1>
        %masked_cumsum3A = tpu.scan <sum>, %sub3A_167 masked %broadcast_in_dim3A_169 : vector<16xi32>, vector<16xi1> -> vector<16xi32>
        %add3A_170 = vector.broadcast %scan3A_149 : i32 to vector<16xi32>
        %add3A_171 = arith.addi %add3A_170, %masked_cumsum3A : vector<16xi32>
        %sub3A_172 = arith.constant 1 : i32
        %sub3A_173 = vector.broadcast %sub3A_172 : i32 to vector<16xi32>
        %sub3A_174 = arith.subi %add3A_171, %sub3A_173 : vector<16xi32>
        %sub3A_175 = arith.constant 1 : i32
        %sub3A_176 = vector.broadcast %sub3A_175 : i32 to vector<16xi32>
        %sub3A_177 = arith.subi %sub3A_176, %shift_right_logical3A_164 : vector<16xi32>
        %mul3A_178 = arith.muli %sub3A_174, %sub3A_177 : vector<16xi32>
        %mul3A_179 = arith.constant 2048 : i32
        %mul3A_180 = vector.broadcast %mul3A_179 : i32 to vector<16xi32>
        %mul3A_181 = arith.muli %mul3A_180, %shift_right_logical3A_164 : vector<16xi32>
        %add3A_182 = arith.addi %mul3A_178, %mul3A_181 : vector<16xi32>
        tpu.vector_store_idx %arg11[%add3A_182], %get3A_157 : memref<2056xi32, #tpu.memory_space<vmem>>[vector<16xi32>], vector<16xi32>,
        tpu.vector_store_idx %arg12[%add3A_182], %get3A_153 : memref<2056xi32, #tpu.memory_space<vmem>>[vector<16xi32>], vector<16xi32>,
        %shift_right_arithmetic3A = arith.constant 7 : i32
        %shift_right_arithmetic3A_183 = vector.broadcast %shift_right_arithmetic3A : i32 to vector<16xi32>
        %shift_right_arithmetic3A_184 = arith.shrsi %add3A_182, %shift_right_arithmetic3A_183 : vector<16xi32>
        %and3A_185 = arith.constant 127 : i32
        %and3A_186 = vector.broadcast %and3A_185 : i32 to vector<16xi32>
        %and3A_187 = arith.andi %add3A_182, %and3A_186 : vector<16xi32>
        %sub3A_188 = arith.constant 1 : i32
        %sub3A_189 = vector.broadcast %sub3A_188 : i32 to vector<16xi32>
        %sub3A_190 = arith.subi %sub3A_189, %shift_right_logical3A_164 : vector<16xi32>
        %mul3A_191 = arith.muli %sub3A_159, %sub3A_190 : vector<16xi32>
        %mul3A_192 = arith.constant 25088 : i32
        %mul3A_193 = vector.broadcast %mul3A_192 : i32 to vector<16xi32>
        %mul3A_194 = arith.muli %mul3A_193, %shift_right_logical3A_164 : vector<16xi32>
        %add3A_195 = arith.addi %mul3A_191, %mul3A_194 : vector<16xi32>
        tpu.vector_store_idx %arg13[%shift_right_arithmetic3A_184, %and3A_187], %add3A_195 : memref<17x128xi32, #tpu.memory_space<vmem>>[vector<16xi32>, vector<16xi32>], vector<16xi32>,
        %slice3A = vector.extract_strided_slice %masked_cumsum3A {offsets = [15], sizes = [1], strides = [1]} : vector<16xi32> to vector<1xi32>
        %squeeze3A = vector.extract %slice3A[0] : i32 from vector<1xi32>
        %add3A_196 = arith.addi %scan3A_149, %squeeze3A : i32
        scf.yield %add3A_196 : i32
      }
      %scan3A_89 = arith.constant 125 : i32
      %add3A_90 = arith.constant 127 : i32
      %add3A_91 = arith.addi %scan3A_88, %add3A_90 : i32
      %jit3A = arith.constant 128 : i32
      %div3A = arith.divsi %add3A_91, %jit3A : i32
      %sign3A = arith.constant 0 : i32
      %sign3A_92 = arith.cmpi sgt, %add3A_91, %sign3A : i32
      %sign3A_93 = arith.extui %sign3A_92 : i1 to i32
      %sign3A_94 = arith.constant 0 : i32
      %sign3A_95 = arith.cmpi slt, %add3A_91, %sign3A_94 : i32
      %sign3A_96 = arith.extui %sign3A_95 : i1 to i32
      %sign3A_97 = arith.subi %sign3A_93, %sign3A_96 : i32
      %sign3A_98 = arith.constant 0 : i32
      %sign3A_99 = arith.cmpi sgt, %jit3A, %sign3A_98 : i32
      %sign3A_100 = arith.extui %sign3A_99 : i1 to i32
      %sign3A_101 = arith.constant 0 : i32
      %sign3A_102 = arith.cmpi slt, %jit3A, %sign3A_101 : i32
      %sign3A_103 = arith.extui %sign3A_102 : i1 to i32
      %sign3A_104 = arith.subi %sign3A_100, %sign3A_103 : i32
      %ne3A = arith.cmpi ne, %sign3A_97, %sign3A_104 : i32
      %rem3A = arith.remsi %add3A_91, %jit3A : i32
      %ne3A_105 = arith.constant 0 : i32
      %ne3A_106 = arith.cmpi ne, %rem3A, %ne3A_105 : i32
      %and3A = arith.andi %ne3A, %ne3A_106 : i1
      %sub3A = arith.constant 1 : i32
      %sub3A_107 = arith.subi %div3A, %sub3A : i32
      %select_n3A = arith.select %and3A, %sub3A_107, %div3A : i32
      %gt3A = arith.constant 0 : i32
      %gt3A_108 = arith.cmpi sgt, %select_n3A, %gt3A : i32
      %convert_element_type3A = arith.extui %gt3A_108 : i1 to i32
      %cond3A = arith.constant 0 : i32
      %cond3A_109 = arith.cmpi ne, %convert_element_type3A, %cond3A : i32
      scf.if %cond3A_109 {
        %dma_start3A = arith.constant 0 : i32
        %dma_start3A_148 = tpu.memref_slice %arg11[%dma_start3A] : memref<2056xi32, #tpu.memory_space<vmem>> -> memref<128xi32, #tpu.memory_space<vmem>>
        %dma_start3A_149 = arith.constant 0 : i32
        %dma_start3A_150 = arith.constant 0 : i32
        %dma_start3A_151 = tpu.memref_slice %arg2[%dma_start3A_149, %dma_start3A_150] : memref<100000x48xf32, #tpu.memory_space<hbm>> -> memref<100000x48xf32, #tpu.memory_space<hbm>>
        tpu.enqueue_indirect_dma source(%dma_start3A_151 : memref<100000x48xf32, #tpu.memory_space<hbm>>) target(%arg14 : memref<128x48xf32, #tpu.memory_space<vmem>>) offsets(%dma_start3A_148 : memref<128xi32, #tpu.memory_space<vmem>>) semaphore(%arg22 : memref<!tpu.dma_semaphore, #tpu.memory_space<semaphore_mem>>)
        %dma_start3A_152 = arith.constant 0 : i32
        %dma_start3A_153 = tpu.memref_slice %arg12[%dma_start3A_152] : memref<2056xi32, #tpu.memory_space<vmem>> -> memref<128xi32, #tpu.memory_space<vmem>>
        %dma_start3A_154 = arith.constant 0 : i32
        %dma_start3A_155 = arith.constant 0 : i32
        %dma_start3A_156 = tpu.memref_slice %arg3[%dma_start3A_154, %dma_start3A_155] : memref<100000x48xf32, #tpu.memory_space<hbm>> -> memref<100000x48xf32, #tpu.memory_space<hbm>>
        tpu.enqueue_indirect_dma source(%dma_start3A_156 : memref<100000x48xf32, #tpu.memory_space<hbm>>) target(%arg16 : memref<128x48xf32, #tpu.memory_space<vmem>>) offsets(%dma_start3A_153 : memref<128xi32, #tpu.memory_space<vmem>>) semaphore(%arg22 : memref<!tpu.dma_semaphore, #tpu.memory_space<semaphore_mem>>)
      } else {
      }
      %add3A_110 = arith.constant 1 : i32
      %add3A_111 = arith.addi %select_n3A, %add3A_110 : i32
      %jit3A_112 = arith.constant 2 : i32
      %div3A_113 = arith.divsi %add3A_111, %jit3A_112 : i32
      %sign3A_114 = arith.constant 0 : i32
      %sign3A_115 = arith.cmpi sgt, %add3A_111, %sign3A_114 : i32
      %sign3A_116 = arith.extui %sign3A_115 : i1 to i32
      %sign3A_117 = arith.constant 0 : i32
      %sign3A_118 = arith.cmpi slt, %add3A_111, %sign3A_117 : i32
      %sign3A_119 = arith.extui %sign3A_118 : i1 to i32
      %sign3A_120 = arith.subi %sign3A_116, %sign3A_119 : i32
      %sign3A_121 = arith.constant 0 : i32
      %sign3A_122 = arith.cmpi sgt, %jit3A_112, %sign3A_121 : i32
      %sign3A_123 = arith.extui %sign3A_122 : i1 to i32
      %sign3A_124 = arith.constant 0 : i32
      %sign3A_125 = arith.cmpi slt, %jit3A_112, %sign3A_124 : i32
      %sign3A_126 = arith.extui %sign3A_125 : i1 to i32
      %sign3A_127 = arith.subi %sign3A_123, %sign3A_126 : i32
      %ne3A_128 = arith.cmpi ne, %sign3A_120, %sign3A_127 : i32
      %rem3A_129 = arith.remsi %add3A_111, %jit3A_112 : i32
      %ne3A_130 = arith.constant 0 : i32
      %ne3A_131 = arith.cmpi ne, %rem3A_129, %ne3A_130 : i32
      %and3A_132 = arith.andi %ne3A_128, %ne3A_131 : i1
      %sub3A_133 = arith.constant 1 : i32
      %sub3A_134 = arith.subi %div3A_113, %sub3A_133 : i32
      %select_n3A_135 = arith.select %and3A_132, %sub3A_134, %div3A_113 : i32
      %while3A = arith.constant 0 : i32
      %while3A_136 = arith.constant 0 : i32
      %while3A_137 = arith.subi %select_n3A_135, %while3A : i32
      %while3A_138 = arith.addi %while3A, %while3A_137 : i32
      %while3A_139 = arith.constant 1 : i32
      %while3A_140 = arith.divsi %while3A_137, %while3A_139 : i32
      %while3A_141 = arith.muli %while3A_140, %while3A_139 : i32
      %while3A_142 = arith.addi %while3A, %while3A_141 : i32
      %while3A_143 = arith.constant 1 : i32
      %while3A_144 = scf.for %while3A_148 = %while3A to %while3A_142 step %while3A_143 iter_args(%while3A_149 = %while3A_136) -> (i32)  : i32 {
        %mul3A_150 = arith.constant 2 : i32
        %mul3A_151 = arith.muli %mul3A_150, %while3A_148 : i32
        %add3A_152 = arith.constant 1 : i32
        %add3A_153 = arith.addi %mul3A_151, %add3A_152 : i32
        %lt3A = arith.cmpi slt, %add3A_153, %select_n3A : i32
        %convert_element_type3A_154 = arith.extui %lt3A : i1 to i32
        %cond3A_155 = arith.constant 0 : i32
        %cond3A_156 = arith.cmpi ne, %convert_element_type3A_154, %cond3A_155 : i32
        scf.if %cond3A_156 {
          %mul3A_197 = arith.constant 128 : i32
          %mul3A_198 = arith.muli %add3A_153, %mul3A_197 : i32
          %dma_start3A = tpu.memref_slice %arg11[%mul3A_198] : memref<2056xi32, #tpu.memory_space<vmem>> -> memref<128xi32, #tpu.memory_space<vmem>>
          %dma_start3A_199 = arith.constant 0 : i32
          %dma_start3A_200 = arith.constant 0 : i32
          %dma_start3A_201 = tpu.memref_slice %arg2[%dma_start3A_199, %dma_start3A_200] : memref<100000x48xf32, #tpu.memory_space<hbm>> -> memref<100000x48xf32, #tpu.memory_space<hbm>>
          tpu.enqueue_indirect_dma source(%dma_start3A_201 : memref<100000x48xf32, #tpu.memory_space<hbm>>) target(%arg15 : memref<128x48xf32, #tpu.memory_space<vmem>>) offsets(%dma_start3A : memref<128xi32, #tpu.memory_space<vmem>>) semaphore(%arg23 : memref<!tpu.dma_semaphore, #tpu.memory_space<semaphore_mem>>)
          %mul3A_202 = arith.constant 128 : i32
          %mul3A_203 = arith.muli %add3A_153, %mul3A_202 : i32
          %dma_start3A_204 = tpu.memref_slice %arg12[%mul3A_203] : memref<2056xi32, #tpu.memory_space<vmem>> -> memref<128xi32, #tpu.memory_space<vmem>>
          %dma_start3A_205 = arith.constant 0 : i32
          %dma_start3A_206 = arith.constant 0 : i32
          %dma_start3A_207 = tpu.memref_slice %arg3[%dma_start3A_205, %dma_start3A_206] : memref<100000x48xf32, #tpu.memory_space<hbm>> -> memref<100000x48xf32, #tpu.memory_space<hbm>>
          tpu.enqueue_indirect_dma source(%dma_start3A_207 : memref<100000x48xf32, #tpu.memory_space<hbm>>) target(%arg17 : memref<128x48xf32, #tpu.memory_space<vmem>>) offsets(%dma_start3A_204 : memref<128xi32, #tpu.memory_space<vmem>>) semaphore(%arg23 : memref<!tpu.dma_semaphore, #tpu.memory_space<semaphore_mem>>)
        } else {
        }
        %dma_wait3A = arith.constant 0 : i32
        %dma_wait3A_157 = arith.constant 0 : i32
        %dma_wait3A_158 = tpu.memref_slice %arg2[%dma_wait3A, %dma_wait3A_157] : memref<100000x48xf32, #tpu.memory_space<hbm>> -> memref<128x48xf32, #tpu.memory_space<hbm>>
        %dma_wait3A_159 = arith.constant 0 : i32
        %dma_wait3A_160 = arith.constant 0 : i32
        %dma_wait3A_161 = tpu.memref_slice %arg2[%dma_wait3A_159, %dma_wait3A_160] : memref<100000x48xf32, #tpu.memory_space<hbm>> -> memref<128x48xf32, #tpu.memory_space<hbm>>
        tpu.wait_dma2 semaphore(%arg22 : memref<!tpu.dma_semaphore, #tpu.memory_space<semaphore_mem>>) src(%dma_wait3A_161 : memref<128x48xf32, #tpu.memory_space<hbm>>) dst(%arg14 : memref<128x48xf32, #tpu.memory_space<vmem>>)
        %dma_wait3A_162 = arith.constant 0 : i32
        %dma_wait3A_163 = arith.constant 0 : i32
        %dma_wait3A_164 = tpu.memref_slice %arg2[%dma_wait3A_162, %dma_wait3A_163] : memref<100000x48xf32, #tpu.memory_space<hbm>> -> memref<128x48xf32, #tpu.memory_space<hbm>>
        %dma_wait3A_165 = arith.constant 0 : i32
        %dma_wait3A_166 = arith.constant 0 : i32
        %dma_wait3A_167 = tpu.memref_slice %arg2[%dma_wait3A_165, %dma_wait3A_166] : memref<100000x48xf32, #tpu.memory_space<hbm>> -> memref<128x48xf32, #tpu.memory_space<hbm>>
        tpu.wait_dma2 semaphore(%arg22 : memref<!tpu.dma_semaphore, #tpu.memory_space<semaphore_mem>>) src(%dma_wait3A_167 : memref<128x48xf32, #tpu.memory_space<hbm>>) dst(%arg16 : memref<128x48xf32, #tpu.memory_space<vmem>>)
        %scan3A_168 = arith.constant 0 : i32
        %scan3A_169 = arith.constant 0 : i32
        %scan3A_170 = arith.constant 128 : i32
        %scan3A_171 = arith.addi %scan3A_169, %scan3A_170 : i32
        %scan3A_172 = arith.constant 1 : i32
        %scan3A_173 = scf.for %scan3A_197 = %scan3A_169 to %scan3A_171 step %scan3A_172 iter_args(%scan3A_198 = %scan3A_168) -> (i32)  : i32 {
          %get3A_199 = arith.index_cast %scan3A_197 : i32 to index
          %get3A_200 = arith.constant 0 : index
          %get3A_201 = tpu.vector_load %arg14[%get3A_199, %get3A_200] {strides = array<i32>} : memref<128x48xf32, #tpu.memory_space<vmem>>, vector<16xf32>,
          %get3A_202 = arith.index_cast %scan3A_197 : i32 to index
          %get3A_203 = arith.constant 0 : index
          %get3A_204 = tpu.vector_load %arg16[%get3A_202, %get3A_203] {strides = array<i32>} : memref<128x48xf32, #tpu.memory_space<vmem>>, vector<16xf32>,
          %add3A_205 = arith.addf %get3A_201, %get3A_204 : vector<16xf32>
          %max3A = arith.constant 0.000000e+00 : f32
          %max3A_206 = vector.broadcast %max3A : f32 to vector<16xf32>
          %max3A_207 = arith.maximumf %add3A_205, %max3A_206 : vector<16xf32>
          %get3A_208 = arith.index_cast %scan3A_197 : i32 to index
          %get3A_209 = arith.constant 16 : index
          %get3A_210 = tpu.vector_load %arg14[%get3A_208, %get3A_209] {strides = array<i32>} : memref<128x48xf32, #tpu.memory_space<vmem>>, vector<16xf32>,
          %get3A_211 = arith.index_cast %scan3A_197 : i32 to index
          %get3A_212 = arith.constant 16 : index
          %get3A_213 = tpu.vector_load %arg16[%get3A_211, %get3A_212] {strides = array<i32>} : memref<128x48xf32, #tpu.memory_space<vmem>>, vector<16xf32>,
          %add3A_214 = arith.addf %get3A_210, %get3A_213 : vector<16xf32>
          %max3A_215 = arith.constant 0.000000e+00 : f32
          %max3A_216 = vector.broadcast %max3A_215 : f32 to vector<16xf32>
          %max3A_217 = arith.maximumf %add3A_214, %max3A_216 : vector<16xf32>
          %get3A_218 = arith.index_cast %scan3A_197 : i32 to index
          %get3A_219 = arith.constant 32 : index
          %get3A_220 = tpu.vector_load %arg14[%get3A_218, %get3A_219] {strides = array<i32>} : memref<128x48xf32, #tpu.memory_space<vmem>>, vector<16xf32>,
          %get3A_221 = arith.index_cast %scan3A_197 : i32 to index
          %get3A_222 = arith.constant 32 : index
          %get3A_223 = tpu.vector_load %arg16[%get3A_221, %get3A_222] {strides = array<i32>} : memref<128x48xf32, #tpu.memory_space<vmem>>, vector<16xf32>,
          %add3A_224 = arith.addf %get3A_220, %get3A_223 : vector<16xf32>
          %max3A_225 = arith.constant 0.000000e+00 : f32
          %max3A_226 = vector.broadcast %max3A_225 : f32 to vector<16xf32>
          %max3A_227 = arith.maximumf %add3A_224, %max3A_226 : vector<16xf32>
          %mul3A_228 = arith.mulf %max3A_207, %get3A_0 : vector<16xf32>
          %mul3A_229 = arith.mulf %max3A_217, %get3A_2 : vector<16xf32>
          %add3A_230 = arith.addf %mul3A_228, %mul3A_229 : vector<16xf32>
          %mul3A_231 = arith.mulf %max3A_227, %get3A_4 : vector<16xf32>
          %add3A_232 = arith.addf %add3A_230, %mul3A_231 : vector<16xf32>
          %reduce_sum3A = arith.constant true
          %reduce_sum3A_233 = vector.broadcast %reduce_sum3A : i1 to vector<16xi1>
          %reduce_sum3A_234 = tpu.scan <sum>, %add3A_232 masked %reduce_sum3A_233 : vector<16xf32>, vector<16xi1> -> vector<16xf32>
          %reduce_sum3A_235 = vector.extract %reduce_sum3A_234[15] : f32 from vector<16xf32>
          %broadcast_in_dim3A_236 = vector.broadcast %reduce_sum3A_235 : f32 to vector<16xf32>
          %neg3A = arith.constant 0.000000e+00 : f32
          %neg3A_237 = vector.broadcast %neg3A : f32 to vector<16xf32>
          %neg3A_238 = arith.subf %neg3A_237, %broadcast_in_dim3A_236 : vector<16xf32>
          %exp3A = math.exp %neg3A_238 : vector<16xf32>
          %add3A_239 = arith.constant 1.000000e+00 : f32
          %add3A_240 = vector.broadcast %add3A_239 : f32 to vector<16xf32>
          %add3A_241 = arith.addf %add3A_240, %exp3A : vector<16xf32>
          %div3A_242 = arith.constant 1.000000e+00 : f32
          %div3A_243 = vector.broadcast %div3A_242 : f32 to vector<16xf32>
          %div3A_244 = arith.divf %div3A_243, %add3A_241 : vector<16xf32>
          %mul3A_245 = arith.mulf %div3A_244, %max3A_207 : vector<16xf32>
          %swap3A = arith.index_cast %scan3A_197 : i32 to index
          %swap3A_246 = arith.constant 0 : index
          %swap3A_247 = tpu.vector_load %arg18[%swap3A, %swap3A_246] {strides = array<i32>} : memref<128x48xf32, #tpu.memory_space<vmem>>, vector<16xf32>,
          tpu.vector_store %arg18[%swap3A, %swap3A_246], %mul3A_245 {strides = array<i32>} : memref<128x48xf32, #tpu.memory_space<vmem>>, vector<16xf32>,
          %mul3A_248 = arith.mulf %div3A_244, %max3A_217 : vector<16xf32>
          %swap3A_249 = arith.index_cast %scan3A_197 : i32 to index
          %swap3A_250 = arith.constant 16 : index
          %swap3A_251 = tpu.vector_load %arg18[%swap3A_249, %swap3A_250] {strides = array<i32>} : memref<128x48xf32, #tpu.memory_space<vmem>>, vector<16xf32>,
          tpu.vector_store %arg18[%swap3A_249, %swap3A_250], %mul3A_248 {strides = array<i32>} : memref<128x48xf32, #tpu.memory_space<vmem>>, vector<16xf32>,
          %mul3A_252 = arith.mulf %div3A_244, %max3A_227 : vector<16xf32>
          %swap3A_253 = arith.index_cast %scan3A_197 : i32 to index
          %swap3A_254 = arith.constant 32 : index
          %swap3A_255 = tpu.vector_load %arg18[%swap3A_253, %swap3A_254] {strides = array<i32>} : memref<128x48xf32, #tpu.memory_space<vmem>>, vector<16xf32>,
          tpu.vector_store %arg18[%swap3A_253, %swap3A_254], %mul3A_252 {strides = array<i32>} : memref<128x48xf32, #tpu.memory_space<vmem>>, vector<16xf32>,
          %scan3A_256 = arith.constant 0 : i32
          scf.yield %scan3A_256 : i32
        }
        %scan3A_174 = arith.constant 128 : i32
        %add3A_175 = arith.constant 1 : i32
        %add3A_176 = arith.addi %while3A_149, %add3A_175 : i32
        %ge3A = arith.constant 1 : i32
        %ge3A_177 = arith.cmpi sge, %while3A_148, %ge3A : i32
        %jit3A_178 = arith.constant 1 : i32
        %jit3A_179 = arith.constant 0 : i32
        %select_n3A_180 = arith.select %ge3A_177, %jit3A_178, %jit3A_179 : i32
        %sub3A_181 = arith.subi %add3A_176, %select_n3A_180 : i32
        %lt3A_182 = arith.cmpi slt, %add3A_153, %select_n3A : i32
        %convert_element_type3A_183 = arith.extui %lt3A_182 : i1 to i32
        %cond3A_184 = arith.constant 0 : i32
        %cond3A_185 = arith.cmpi ne, %convert_element_type3A_183, %cond3A_184 : i32
        scf.if %cond3A_185 {
          %add3A_197 = arith.constant 1 : i32
          %add3A_198 = arith.addi %add3A_153, %add3A_197 : i32
          %lt3A_199 = arith.cmpi slt, %add3A_198, %select_n3A : i32
          %convert_element_type3A_200 = arith.extui %lt3A_199 : i1 to i32
          %cond3A_201 = arith.constant 0 : i32
          %cond3A_202 = arith.cmpi ne, %convert_element_type3A_200, %cond3A_201 : i32
          scf.if %cond3A_202 {
            %add3A_222 = arith.constant 1 : i32
            %add3A_223 = arith.addi %add3A_153, %add3A_222 : i32
            %mul3A_224 = arith.constant 128 : i32
            %mul3A_225 = arith.muli %add3A_223, %mul3A_224 : i32
            %dma_start3A = tpu.memref_slice %arg11[%mul3A_225] : memref<2056xi32, #tpu.memory_space<vmem>> -> memref<128xi32, #tpu.memory_space<vmem>>
            %dma_start3A_226 = arith.constant 0 : i32
            %dma_start3A_227 = arith.constant 0 : i32
            %dma_start3A_228 = tpu.memref_slice %arg2[%dma_start3A_226, %dma_start3A_227] : memref<100000x48xf32, #tpu.memory_space<hbm>> -> memref<100000x48xf32, #tpu.memory_space<hbm>>
            tpu.enqueue_indirect_dma source(%dma_start3A_228 : memref<100000x48xf32, #tpu.memory_space<hbm>>) target(%arg14 : memref<128x48xf32, #tpu.memory_space<vmem>>) offsets(%dma_start3A : memref<128xi32, #tpu.memory_space<vmem>>) semaphore(%arg22 : memref<!tpu.dma_semaphore, #tpu.memory_space<semaphore_mem>>)
            %mul3A_229 = arith.constant 128 : i32
            %mul3A_230 = arith.muli %add3A_223, %mul3A_229 : i32
            %dma_start3A_231 = tpu.memref_slice %arg12[%mul3A_230] : memref<2056xi32, #tpu.memory_space<vmem>> -> memref<128xi32, #tpu.memory_space<vmem>>
            %dma_start3A_232 = arith.constant 0 : i32
            %dma_start3A_233 = arith.constant 0 : i32
            %dma_start3A_234 = tpu.memref_slice %arg3[%dma_start3A_232, %dma_start3A_233] : memref<100000x48xf32, #tpu.memory_space<hbm>> -> memref<100000x48xf32, #tpu.memory_space<hbm>>
            tpu.enqueue_indirect_dma source(%dma_start3A_234 : memref<100000x48xf32, #tpu.memory_space<hbm>>) target(%arg16 : memref<128x48xf32, #tpu.memory_space<vmem>>) offsets(%dma_start3A_231 : memref<128xi32, #tpu.memory_space<vmem>>) semaphore(%arg22 : memref<!tpu.dma_semaphore, #tpu.memory_space<semaphore_mem>>)
          } else {
          }
          %dma_wait3A_203 = arith.constant 0 : i32
          %dma_wait3A_204 = arith.constant 0 : i32
          %dma_wait3A_205 = tpu.memref_slice %arg2[%dma_wait3A_203, %dma_wait3A_204] : memref<100000x48xf32, #tpu.memory_space<hbm>> -> memref<128x48xf32, #tpu.memory_space<hbm>>
          %dma_wait3A_206 = arith.constant 0 : i32
          %dma_wait3A_207 = arith.constant 0 : i32
          %dma_wait3A_208 = tpu.memref_slice %arg2[%dma_wait3A_206, %dma_wait3A_207] : memref<100000x48xf32, #tpu.memory_space<hbm>> -> memref<128x48xf32, #tpu.memory_space<hbm>>
          tpu.wait_dma2 semaphore(%arg23 : memref<!tpu.dma_semaphore, #tpu.memory_space<semaphore_mem>>) src(%dma_wait3A_208 : memref<128x48xf32, #tpu.memory_space<hbm>>) dst(%arg15 : memref<128x48xf32, #tpu.memory_space<vmem>>)
          %dma_wait3A_209 = arith.constant 0 : i32
          %dma_wait3A_210 = arith.constant 0 : i32
          %dma_wait3A_211 = tpu.memref_slice %arg2[%dma_wait3A_209, %dma_wait3A_210] : memref<100000x48xf32, #tpu.memory_space<hbm>> -> memref<128x48xf32, #tpu.memory_space<hbm>>
          %dma_wait3A_212 = arith.constant 0 : i32
          %dma_wait3A_213 = arith.constant 0 : i32
          %dma_wait3A_214 = tpu.memref_slice %arg2[%dma_wait3A_212, %dma_wait3A_213] : memref<100000x48xf32, #tpu.memory_space<hbm>> -> memref<128x48xf32, #tpu.memory_space<hbm>>
          tpu.wait_dma2 semaphore(%arg23 : memref<!tpu.dma_semaphore, #tpu.memory_space<semaphore_mem>>) src(%dma_wait3A_214 : memref<128x48xf32, #tpu.memory_space<hbm>>) dst(%arg17 : memref<128x48xf32, #tpu.memory_space<vmem>>)
          %scan3A_215 = arith.constant 0 : i32
          %scan3A_216 = arith.constant 0 : i32
          %scan3A_217 = arith.constant 128 : i32
          %scan3A_218 = arith.addi %scan3A_216, %scan3A_217 : i32
          %scan3A_219 = arith.constant 1 : i32
          %scan3A_220 = scf.for %scan3A_222 = %scan3A_216 to %scan3A_218 step %scan3A_219 iter_args(%scan3A_223 = %scan3A_215) -> (i32)  : i32 {
            %get3A_224 = arith.index_cast %scan3A_222 : i32 to index
            %get3A_225 = arith.constant 0 : index
            %get3A_226 = tpu.vector_load %arg15[%get3A_224, %get3A_225] {strides = array<i32>} : memref<128x48xf32, #tpu.memory_space<vmem>>, vector<16xf32>,
            %get3A_227 = arith.index_cast %scan3A_222 : i32 to index
            %get3A_228 = arith.constant 0 : index
            %get3A_229 = tpu.vector_load %arg17[%get3A_227, %get3A_228] {strides = array<i32>} : memref<128x48xf32, #tpu.memory_space<vmem>>, vector<16xf32>,
            %add3A_230 = arith.addf %get3A_226, %get3A_229 : vector<16xf32>
            %max3A = arith.constant 0.000000e+00 : f32
            %max3A_231 = vector.broadcast %max3A : f32 to vector<16xf32>
            %max3A_232 = arith.maximumf %add3A_230, %max3A_231 : vector<16xf32>
            %get3A_233 = arith.index_cast %scan3A_222 : i32 to index
            %get3A_234 = arith.constant 16 : index
            %get3A_235 = tpu.vector_load %arg15[%get3A_233, %get3A_234] {strides = array<i32>} : memref<128x48xf32, #tpu.memory_space<vmem>>, vector<16xf32>,
            %get3A_236 = arith.index_cast %scan3A_222 : i32 to index
            %get3A_237 = arith.constant 16 : index
            %get3A_238 = tpu.vector_load %arg17[%get3A_236, %get3A_237] {strides = array<i32>} : memref<128x48xf32, #tpu.memory_space<vmem>>, vector<16xf32>,
            %add3A_239 = arith.addf %get3A_235, %get3A_238 : vector<16xf32>
            %max3A_240 = arith.constant 0.000000e+00 : f32
            %max3A_241 = vector.broadcast %max3A_240 : f32 to vector<16xf32>
            %max3A_242 = arith.maximumf %add3A_239, %max3A_241 : vector<16xf32>
            %get3A_243 = arith.index_cast %scan3A_222 : i32 to index
            %get3A_244 = arith.constant 32 : index
            %get3A_245 = tpu.vector_load %arg15[%get3A_243, %get3A_244] {strides = array<i32>} : memref<128x48xf32, #tpu.memory_space<vmem>>, vector<16xf32>,
            %get3A_246 = arith.index_cast %scan3A_222 : i32 to index
            %get3A_247 = arith.constant 32 : index
            %get3A_248 = tpu.vector_load %arg17[%get3A_246, %get3A_247] {strides = array<i32>} : memref<128x48xf32, #tpu.memory_space<vmem>>, vector<16xf32>,
            %add3A_249 = arith.addf %get3A_245, %get3A_248 : vector<16xf32>
            %max3A_250 = arith.constant 0.000000e+00 : f32
            %max3A_251 = vector.broadcast %max3A_250 : f32 to vector<16xf32>
            %max3A_252 = arith.maximumf %add3A_249, %max3A_251 : vector<16xf32>
            %mul3A_253 = arith.mulf %max3A_232, %get3A_0 : vector<16xf32>
            %mul3A_254 = arith.mulf %max3A_242, %get3A_2 : vector<16xf32>
            %add3A_255 = arith.addf %mul3A_253, %mul3A_254 : vector<16xf32>
            %mul3A_256 = arith.mulf %max3A_252, %get3A_4 : vector<16xf32>
            %add3A_257 = arith.addf %add3A_255, %mul3A_256 : vector<16xf32>
            %reduce_sum3A = arith.constant true
            %reduce_sum3A_258 = vector.broadcast %reduce_sum3A : i1 to vector<16xi1>
            %reduce_sum3A_259 = tpu.scan <sum>, %add3A_257 masked %reduce_sum3A_258 : vector<16xf32>, vector<16xi1> -> vector<16xf32>
            %reduce_sum3A_260 = vector.extract %reduce_sum3A_259[15] : f32 from vector<16xf32>
            %broadcast_in_dim3A_261 = vector.broadcast %reduce_sum3A_260 : f32 to vector<16xf32>
            %neg3A = arith.constant 0.000000e+00 : f32
            %neg3A_262 = vector.broadcast %neg3A : f32 to vector<16xf32>
            %neg3A_263 = arith.subf %neg3A_262, %broadcast_in_dim3A_261 : vector<16xf32>
            %exp3A = math.exp %neg3A_263 : vector<16xf32>
            %add3A_264 = arith.constant 1.000000e+00 : f32
            %add3A_265 = vector.broadcast %add3A_264 : f32 to vector<16xf32>
            %add3A_266 = arith.addf %add3A_265, %exp3A : vector<16xf32>
            %div3A_267 = arith.constant 1.000000e+00 : f32
            %div3A_268 = vector.broadcast %div3A_267 : f32 to vector<16xf32>
            %div3A_269 = arith.divf %div3A_268, %add3A_266 : vector<16xf32>
            %mul3A_270 = arith.mulf %div3A_269, %max3A_232 : vector<16xf32>
            %swap3A = arith.index_cast %scan3A_222 : i32 to index
            %swap3A_271 = arith.constant 0 : index
            %swap3A_272 = tpu.vector_load %arg19[%swap3A, %swap3A_271] {strides = array<i32>} : memref<128x48xf32, #tpu.memory_space<vmem>>, vector<16xf32>,
            tpu.vector_store %arg19[%swap3A, %swap3A_271], %mul3A_270 {strides = array<i32>} : memref<128x48xf32, #tpu.memory_space<vmem>>, vector<16xf32>,
            %mul3A_273 = arith.mulf %div3A_269, %max3A_242 : vector<16xf32>
            %swap3A_274 = arith.index_cast %scan3A_222 : i32 to index
            %swap3A_275 = arith.constant 16 : index
            %swap3A_276 = tpu.vector_load %arg19[%swap3A_274, %swap3A_275] {strides = array<i32>} : memref<128x48xf32, #tpu.memory_space<vmem>>, vector<16xf32>,
            tpu.vector_store %arg19[%swap3A_274, %swap3A_275], %mul3A_273 {strides = array<i32>} : memref<128x48xf32, #tpu.memory_space<vmem>>, vector<16xf32>,
            %mul3A_277 = arith.mulf %div3A_269, %max3A_252 : vector<16xf32>
            %swap3A_278 = arith.index_cast %scan3A_222 : i32 to index
            %swap3A_279 = arith.constant 32 : index
            %swap3A_280 = tpu.vector_load %arg19[%swap3A_278, %swap3A_279] {strides = array<i32>} : memref<128x48xf32, #tpu.memory_space<vmem>>, vector<16xf32>,
            tpu.vector_store %arg19[%swap3A_278, %swap3A_279], %mul3A_277 {strides = array<i32>} : memref<128x48xf32, #tpu.memory_space<vmem>>, vector<16xf32>,
            %scan3A_281 = arith.constant 0 : i32
            scf.yield %scan3A_281 : i32
          }
          %scan3A_221 = arith.constant 128 : i32
        } else {
        }
        %lt3A_186 = arith.cmpi slt, %add3A_153, %select_n3A : i32
        %ge3A_187 = arith.constant 1 : i32
        %ge3A_188 = arith.cmpi sge, %while3A_148, %ge3A_187 : i32
        %jit3A_189 = arith.constant 1 : i32
        %jit3A_190 = arith.constant 0 : i32
        %select_n3A_191 = arith.select %ge3A_188, %jit3A_189, %jit3A_190 : i32
        %sub3A_192 = arith.constant 1 : i32
        %sub3A_193 = arith.subi %sub3A_192, %select_n3A_191 : i32
        %jit3A_194 = arith.constant 0 : i32
        %select_n3A_195 = arith.select %lt3A_186, %sub3A_193, %jit3A_194 : i32
        %add3A_196 = arith.addi %sub3A_181, %select_n3A_195 : i32
        scf.yield %add3A_196 : i32
      }
      %while3A_145 = arith.constant 1 : i32
      %while3A_146 = scf.for %while3A_148 = %while3A_142 to %while3A_138 step %while3A_145 iter_args(%while3A_149 = %while3A_144) -> (i32)  : i32 {
        %mul3A_150 = arith.constant 2 : i32
        %mul3A_151 = arith.muli %mul3A_150, %while3A_148 : i32
        %add3A_152 = arith.constant 1 : i32
        %add3A_153 = arith.addi %mul3A_151, %add3A_152 : i32
        %lt3A = arith.cmpi slt, %add3A_153, %select_n3A : i32
        %convert_element_type3A_154 = arith.extui %lt3A : i1 to i32
        %cond3A_155 = arith.constant 0 : i32
        %cond3A_156 = arith.cmpi ne, %convert_element_type3A_154, %cond3A_155 : i32
        scf.if %cond3A_156 {
          %mul3A_197 = arith.constant 128 : i32
          %mul3A_198 = arith.muli %add3A_153, %mul3A_197 : i32
          %dma_start3A = tpu.memref_slice %arg11[%mul3A_198] : memref<2056xi32, #tpu.memory_space<vmem>> -> memref<128xi32, #tpu.memory_space<vmem>>
          %dma_start3A_199 = arith.constant 0 : i32
          %dma_start3A_200 = arith.constant 0 : i32
          %dma_start3A_201 = tpu.memref_slice %arg2[%dma_start3A_199, %dma_start3A_200] : memref<100000x48xf32, #tpu.memory_space<hbm>> -> memref<100000x48xf32, #tpu.memory_space<hbm>>
          tpu.enqueue_indirect_dma source(%dma_start3A_201 : memref<100000x48xf32, #tpu.memory_space<hbm>>) target(%arg15 : memref<128x48xf32, #tpu.memory_space<vmem>>) offsets(%dma_start3A : memref<128xi32, #tpu.memory_space<vmem>>) semaphore(%arg23 : memref<!tpu.dma_semaphore, #tpu.memory_space<semaphore_mem>>)
          %mul3A_202 = arith.constant 128 : i32
          %mul3A_203 = arith.muli %add3A_153, %mul3A_202 : i32
          %dma_start3A_204 = tpu.memref_slice %arg12[%mul3A_203] : memref<2056xi32, #tpu.memory_space<vmem>> -> memref<128xi32, #tpu.memory_space<vmem>>
          %dma_start3A_205 = arith.constant 0 : i32
          %dma_start3A_206 = arith.constant 0 : i32
          %dma_start3A_207 = tpu.memref_slice %arg3[%dma_start3A_205, %dma_start3A_206] : memref<100000x48xf32, #tpu.memory_space<hbm>> -> memref<100000x48xf32, #tpu.memory_space<hbm>>
          tpu.enqueue_indirect_dma source(%dma_start3A_207 : memref<100000x48xf32, #tpu.memory_space<hbm>>) target(%arg17 : memref<128x48xf32, #tpu.memory_space<vmem>>) offsets(%dma_start3A_204 : memref<128xi32, #tpu.memory_space<vmem>>) semaphore(%arg23 : memref<!tpu.dma_semaphore, #tpu.memory_space<semaphore_mem>>)
        } else {
        }
        %dma_wait3A = arith.constant 0 : i32
        %dma_wait3A_157 = arith.constant 0 : i32
        %dma_wait3A_158 = tpu.memref_slice %arg2[%dma_wait3A, %dma_wait3A_157] : memref<100000x48xf32, #tpu.memory_space<hbm>> -> memref<128x48xf32, #tpu.memory_space<hbm>>
        %dma_wait3A_159 = arith.constant 0 : i32
        %dma_wait3A_160 = arith.constant 0 : i32
        %dma_wait3A_161 = tpu.memref_slice %arg2[%dma_wait3A_159, %dma_wait3A_160] : memref<100000x48xf32, #tpu.memory_space<hbm>> -> memref<128x48xf32, #tpu.memory_space<hbm>>
        tpu.wait_dma2 semaphore(%arg22 : memref<!tpu.dma_semaphore, #tpu.memory_space<semaphore_mem>>) src(%dma_wait3A_161 : memref<128x48xf32, #tpu.memory_space<hbm>>) dst(%arg14 : memref<128x48xf32, #tpu.memory_space<vmem>>)
        %dma_wait3A_162 = arith.constant 0 : i32
        %dma_wait3A_163 = arith.constant 0 : i32
        %dma_wait3A_164 = tpu.memref_slice %arg2[%dma_wait3A_162, %dma_wait3A_163] : memref<100000x48xf32, #tpu.memory_space<hbm>> -> memref<128x48xf32, #tpu.memory_space<hbm>>
        %dma_wait3A_165 = arith.constant 0 : i32
        %dma_wait3A_166 = arith.constant 0 : i32
        %dma_wait3A_167 = tpu.memref_slice %arg2[%dma_wait3A_165, %dma_wait3A_166] : memref<100000x48xf32, #tpu.memory_space<hbm>> -> memref<128x48xf32, #tpu.memory_space<hbm>>
        tpu.wait_dma2 semaphore(%arg22 : memref<!tpu.dma_semaphore, #tpu.memory_space<semaphore_mem>>) src(%dma_wait3A_167 : memref<128x48xf32, #tpu.memory_space<hbm>>) dst(%arg16 : memref<128x48xf32, #tpu.memory_space<vmem>>)
        %scan3A_168 = arith.constant 0 : i32
        %scan3A_169 = arith.constant 0 : i32
        %scan3A_170 = arith.constant 128 : i32
        %scan3A_171 = arith.addi %scan3A_169, %scan3A_170 : i32
        %scan3A_172 = arith.constant 1 : i32
        %scan3A_173 = scf.for %scan3A_197 = %scan3A_169 to %scan3A_171 step %scan3A_172 iter_args(%scan3A_198 = %scan3A_168) -> (i32)  : i32 {
          %get3A_199 = arith.index_cast %scan3A_197 : i32 to index
          %get3A_200 = arith.constant 0 : index
          %get3A_201 = tpu.vector_load %arg14[%get3A_199, %get3A_200] {strides = array<i32>} : memref<128x48xf32, #tpu.memory_space<vmem>>, vector<16xf32>,
          %get3A_202 = arith.index_cast %scan3A_197 : i32 to index
          %get3A_203 = arith.constant 0 : index
          %get3A_204 = tpu.vector_load %arg16[%get3A_202, %get3A_203] {strides = array<i32>} : memref<128x48xf32, #tpu.memory_space<vmem>>, vector<16xf32>,
          %add3A_205 = arith.addf %get3A_201, %get3A_204 : vector<16xf32>
          %max3A = arith.constant 0.000000e+00 : f32
          %max3A_206 = vector.broadcast %max3A : f32 to vector<16xf32>
          %max3A_207 = arith.maximumf %add3A_205, %max3A_206 : vector<16xf32>
          %get3A_208 = arith.index_cast %scan3A_197 : i32 to index
          %get3A_209 = arith.constant 16 : index
          %get3A_210 = tpu.vector_load %arg14[%get3A_208, %get3A_209] {strides = array<i32>} : memref<128x48xf32, #tpu.memory_space<vmem>>, vector<16xf32>,
          %get3A_211 = arith.index_cast %scan3A_197 : i32 to index
          %get3A_212 = arith.constant 16 : index
          %get3A_213 = tpu.vector_load %arg16[%get3A_211, %get3A_212] {strides = array<i32>} : memref<128x48xf32, #tpu.memory_space<vmem>>, vector<16xf32>,
          %add3A_214 = arith.addf %get3A_210, %get3A_213 : vector<16xf32>
          %max3A_215 = arith.constant 0.000000e+00 : f32
          %max3A_216 = vector.broadcast %max3A_215 : f32 to vector<16xf32>
          %max3A_217 = arith.maximumf %add3A_214, %max3A_216 : vector<16xf32>
          %get3A_218 = arith.index_cast %scan3A_197 : i32 to index
          %get3A_219 = arith.constant 32 : index
          %get3A_220 = tpu.vector_load %arg14[%get3A_218, %get3A_219] {strides = array<i32>} : memref<128x48xf32, #tpu.memory_space<vmem>>, vector<16xf32>,
          %get3A_221 = arith.index_cast %scan3A_197 : i32 to index
          %get3A_222 = arith.constant 32 : index
          %get3A_223 = tpu.vector_load %arg16[%get3A_221, %get3A_222] {strides = array<i32>} : memref<128x48xf32, #tpu.memory_space<vmem>>, vector<16xf32>,
          %add3A_224 = arith.addf %get3A_220, %get3A_223 : vector<16xf32>
          %max3A_225 = arith.constant 0.000000e+00 : f32
          %max3A_226 = vector.broadcast %max3A_225 : f32 to vector<16xf32>
          %max3A_227 = arith.maximumf %add3A_224, %max3A_226 : vector<16xf32>
          %mul3A_228 = arith.mulf %max3A_207, %get3A_0 : vector<16xf32>
          %mul3A_229 = arith.mulf %max3A_217, %get3A_2 : vector<16xf32>
          %add3A_230 = arith.addf %mul3A_228, %mul3A_229 : vector<16xf32>
          %mul3A_231 = arith.mulf %max3A_227, %get3A_4 : vector<16xf32>
          %add3A_232 = arith.addf %add3A_230, %mul3A_231 : vector<16xf32>
          %reduce_sum3A = arith.constant true
          %reduce_sum3A_233 = vector.broadcast %reduce_sum3A : i1 to vector<16xi1>
          %reduce_sum3A_234 = tpu.scan <sum>, %add3A_232 masked %reduce_sum3A_233 : vector<16xf32>, vector<16xi1> -> vector<16xf32>
          %reduce_sum3A_235 = vector.extract %reduce_sum3A_234[15] : f32 from vector<16xf32>
          %broadcast_in_dim3A_236 = vector.broadcast %reduce_sum3A_235 : f32 to vector<16xf32>
          %neg3A = arith.constant 0.000000e+00 : f32
          %neg3A_237 = vector.broadcast %neg3A : f32 to vector<16xf32>
          %neg3A_238 = arith.subf %neg3A_237, %broadcast_in_dim3A_236 : vector<16xf32>
          %exp3A = math.exp %neg3A_238 : vector<16xf32>
          %add3A_239 = arith.constant 1.000000e+00 : f32
          %add3A_240 = vector.broadcast %add3A_239 : f32 to vector<16xf32>
          %add3A_241 = arith.addf %add3A_240, %exp3A : vector<16xf32>
          %div3A_242 = arith.constant 1.000000e+00 : f32
          %div3A_243 = vector.broadcast %div3A_242 : f32 to vector<16xf32>
          %div3A_244 = arith.divf %div3A_243, %add3A_241 : vector<16xf32>
          %mul3A_245 = arith.mulf %div3A_244, %max3A_207 : vector<16xf32>
          %swap3A = arith.index_cast %scan3A_197 : i32 to index
          %swap3A_246 = arith.constant 0 : index
          %swap3A_247 = tpu.vector_load %arg18[%swap3A, %swap3A_246] {strides = array<i32>} : memref<128x48xf32, #tpu.memory_space<vmem>>, vector<16xf32>,
          tpu.vector_store %arg18[%swap3A, %swap3A_246], %mul3A_245 {strides = array<i32>} : memref<128x48xf32, #tpu.memory_space<vmem>>, vector<16xf32>,
          %mul3A_248 = arith.mulf %div3A_244, %max3A_217 : vector<16xf32>
          %swap3A_249 = arith.index_cast %scan3A_197 : i32 to index
          %swap3A_250 = arith.constant 16 : index
          %swap3A_251 = tpu.vector_load %arg18[%swap3A_249, %swap3A_250] {strides = array<i32>} : memref<128x48xf32, #tpu.memory_space<vmem>>, vector<16xf32>,
          tpu.vector_store %arg18[%swap3A_249, %swap3A_250], %mul3A_248 {strides = array<i32>} : memref<128x48xf32, #tpu.memory_space<vmem>>, vector<16xf32>,
          %mul3A_252 = arith.mulf %div3A_244, %max3A_227 : vector<16xf32>
          %swap3A_253 = arith.index_cast %scan3A_197 : i32 to index
          %swap3A_254 = arith.constant 32 : index
          %swap3A_255 = tpu.vector_load %arg18[%swap3A_253, %swap3A_254] {strides = array<i32>} : memref<128x48xf32, #tpu.memory_space<vmem>>, vector<16xf32>,
          tpu.vector_store %arg18[%swap3A_253, %swap3A_254], %mul3A_252 {strides = array<i32>} : memref<128x48xf32, #tpu.memory_space<vmem>>, vector<16xf32>,
          %scan3A_256 = arith.constant 0 : i32
          scf.yield %scan3A_256 : i32
        }
        %scan3A_174 = arith.constant 128 : i32
        %add3A_175 = arith.constant 1 : i32
        %add3A_176 = arith.addi %while3A_149, %add3A_175 : i32
        %ge3A = arith.constant 1 : i32
        %ge3A_177 = arith.cmpi sge, %while3A_148, %ge3A : i32
        %jit3A_178 = arith.constant 1 : i32
        %jit3A_179 = arith.constant 0 : i32
        %select_n3A_180 = arith.select %ge3A_177, %jit3A_178, %jit3A_179 : i32
        %sub3A_181 = arith.subi %add3A_176, %select_n3A_180 : i32
        %lt3A_182 = arith.cmpi slt, %add3A_153, %select_n3A : i32
        %convert_element_type3A_183 = arith.extui %lt3A_182 : i1 to i32
        %cond3A_184 = arith.constant 0 : i32
        %cond3A_185 = arith.cmpi ne, %convert_element_type3A_183, %cond3A_184 : i32
        scf.if %cond3A_185 {
          %add3A_197 = arith.constant 1 : i32
          %add3A_198 = arith.addi %add3A_153, %add3A_197 : i32
          %lt3A_199 = arith.cmpi slt, %add3A_198, %select_n3A : i32
          %convert_element_type3A_200 = arith.extui %lt3A_199 : i1 to i32
          %cond3A_201 = arith.constant 0 : i32
          %cond3A_202 = arith.cmpi ne, %convert_element_type3A_200, %cond3A_201 : i32
          scf.if %cond3A_202 {
            %add3A_222 = arith.constant 1 : i32
            %add3A_223 = arith.addi %add3A_153, %add3A_222 : i32
            %mul3A_224 = arith.constant 128 : i32
            %mul3A_225 = arith.muli %add3A_223, %mul3A_224 : i32
            %dma_start3A = tpu.memref_slice %arg11[%mul3A_225] : memref<2056xi32, #tpu.memory_space<vmem>> -> memref<128xi32, #tpu.memory_space<vmem>>
            %dma_start3A_226 = arith.constant 0 : i32
            %dma_start3A_227 = arith.constant 0 : i32
            %dma_start3A_228 = tpu.memref_slice %arg2[%dma_start3A_226, %dma_start3A_227] : memref<100000x48xf32, #tpu.memory_space<hbm>> -> memref<100000x48xf32, #tpu.memory_space<hbm>>
            tpu.enqueue_indirect_dma source(%dma_start3A_228 : memref<100000x48xf32, #tpu.memory_space<hbm>>) target(%arg14 : memref<128x48xf32, #tpu.memory_space<vmem>>) offsets(%dma_start3A : memref<128xi32, #tpu.memory_space<vmem>>) semaphore(%arg22 : memref<!tpu.dma_semaphore, #tpu.memory_space<semaphore_mem>>)
            %mul3A_229 = arith.constant 128 : i32
            %mul3A_230 = arith.muli %add3A_223, %mul3A_229 : i32
            %dma_start3A_231 = tpu.memref_slice %arg12[%mul3A_230] : memref<2056xi32, #tpu.memory_space<vmem>> -> memref<128xi32, #tpu.memory_space<vmem>>
            %dma_start3A_232 = arith.constant 0 : i32
            %dma_start3A_233 = arith.constant 0 : i32
            %dma_start3A_234 = tpu.memref_slice %arg3[%dma_start3A_232, %dma_start3A_233] : memref<100000x48xf32, #tpu.memory_space<hbm>> -> memref<100000x48xf32, #tpu.memory_space<hbm>>
            tpu.enqueue_indirect_dma source(%dma_start3A_234 : memref<100000x48xf32, #tpu.memory_space<hbm>>) target(%arg16 : memref<128x48xf32, #tpu.memory_space<vmem>>) offsets(%dma_start3A_231 : memref<128xi32, #tpu.memory_space<vmem>>) semaphore(%arg22 : memref<!tpu.dma_semaphore, #tpu.memory_space<semaphore_mem>>)
          } else {
          }
          %dma_wait3A_203 = arith.constant 0 : i32
          %dma_wait3A_204 = arith.constant 0 : i32
          %dma_wait3A_205 = tpu.memref_slice %arg2[%dma_wait3A_203, %dma_wait3A_204] : memref<100000x48xf32, #tpu.memory_space<hbm>> -> memref<128x48xf32, #tpu.memory_space<hbm>>
          %dma_wait3A_206 = arith.constant 0 : i32
          %dma_wait3A_207 = arith.constant 0 : i32
          %dma_wait3A_208 = tpu.memref_slice %arg2[%dma_wait3A_206, %dma_wait3A_207] : memref<100000x48xf32, #tpu.memory_space<hbm>> -> memref<128x48xf32, #tpu.memory_space<hbm>>
          tpu.wait_dma2 semaphore(%arg23 : memref<!tpu.dma_semaphore, #tpu.memory_space<semaphore_mem>>) src(%dma_wait3A_208 : memref<128x48xf32, #tpu.memory_space<hbm>>) dst(%arg15 : memref<128x48xf32, #tpu.memory_space<vmem>>)
          %dma_wait3A_209 = arith.constant 0 : i32
          %dma_wait3A_210 = arith.constant 0 : i32
          %dma_wait3A_211 = tpu.memref_slice %arg2[%dma_wait3A_209, %dma_wait3A_210] : memref<100000x48xf32, #tpu.memory_space<hbm>> -> memref<128x48xf32, #tpu.memory_space<hbm>>
          %dma_wait3A_212 = arith.constant 0 : i32
          %dma_wait3A_213 = arith.constant 0 : i32
          %dma_wait3A_214 = tpu.memref_slice %arg2[%dma_wait3A_212, %dma_wait3A_213] : memref<100000x48xf32, #tpu.memory_space<hbm>> -> memref<128x48xf32, #tpu.memory_space<hbm>>
          tpu.wait_dma2 semaphore(%arg23 : memref<!tpu.dma_semaphore, #tpu.memory_space<semaphore_mem>>) src(%dma_wait3A_214 : memref<128x48xf32, #tpu.memory_space<hbm>>) dst(%arg17 : memref<128x48xf32, #tpu.memory_space<vmem>>)
          %scan3A_215 = arith.constant 0 : i32
          %scan3A_216 = arith.constant 0 : i32
          %scan3A_217 = arith.constant 128 : i32
          %scan3A_218 = arith.addi %scan3A_216, %scan3A_217 : i32
          %scan3A_219 = arith.constant 1 : i32
          %scan3A_220 = scf.for %scan3A_222 = %scan3A_216 to %scan3A_218 step %scan3A_219 iter_args(%scan3A_223 = %scan3A_215) -> (i32)  : i32 {
            %get3A_224 = arith.index_cast %scan3A_222 : i32 to index
            %get3A_225 = arith.constant 0 : index
            %get3A_226 = tpu.vector_load %arg15[%get3A_224, %get3A_225] {strides = array<i32>} : memref<128x48xf32, #tpu.memory_space<vmem>>, vector<16xf32>,
            %get3A_227 = arith.index_cast %scan3A_222 : i32 to index
            %get3A_228 = arith.constant 0 : index
            %get3A_229 = tpu.vector_load %arg17[%get3A_227, %get3A_228] {strides = array<i32>} : memref<128x48xf32, #tpu.memory_space<vmem>>, vector<16xf32>,
            %add3A_230 = arith.addf %get3A_226, %get3A_229 : vector<16xf32>
            %max3A = arith.constant 0.000000e+00 : f32
            %max3A_231 = vector.broadcast %max3A : f32 to vector<16xf32>
            %max3A_232 = arith.maximumf %add3A_230, %max3A_231 : vector<16xf32>
            %get3A_233 = arith.index_cast %scan3A_222 : i32 to index
            %get3A_234 = arith.constant 16 : index
            %get3A_235 = tpu.vector_load %arg15[%get3A_233, %get3A_234] {strides = array<i32>} : memref<128x48xf32, #tpu.memory_space<vmem>>, vector<16xf32>,
            %get3A_236 = arith.index_cast %scan3A_222 : i32 to index
            %get3A_237 = arith.constant 16 : index
            %get3A_238 = tpu.vector_load %arg17[%get3A_236, %get3A_237] {strides = array<i32>} : memref<128x48xf32, #tpu.memory_space<vmem>>, vector<16xf32>,
            %add3A_239 = arith.addf %get3A_235, %get3A_238 : vector<16xf32>
            %max3A_240 = arith.constant 0.000000e+00 : f32
            %max3A_241 = vector.broadcast %max3A_240 : f32 to vector<16xf32>
            %max3A_242 = arith.maximumf %add3A_239, %max3A_241 : vector<16xf32>
            %get3A_243 = arith.index_cast %scan3A_222 : i32 to index
            %get3A_244 = arith.constant 32 : index
            %get3A_245 = tpu.vector_load %arg15[%get3A_243, %get3A_244] {strides = array<i32>} : memref<128x48xf32, #tpu.memory_space<vmem>>, vector<16xf32>,
            %get3A_246 = arith.index_cast %scan3A_222 : i32 to index
            %get3A_247 = arith.constant 32 : index
            %get3A_248 = tpu.vector_load %arg17[%get3A_246, %get3A_247] {strides = array<i32>} : memref<128x48xf32, #tpu.memory_space<vmem>>, vector<16xf32>,
            %add3A_249 = arith.addf %get3A_245, %get3A_248 : vector<16xf32>
            %max3A_250 = arith.constant 0.000000e+00 : f32
            %max3A_251 = vector.broadcast %max3A_250 : f32 to vector<16xf32>
            %max3A_252 = arith.maximumf %add3A_249, %max3A_251 : vector<16xf32>
            %mul3A_253 = arith.mulf %max3A_232, %get3A_0 : vector<16xf32>
            %mul3A_254 = arith.mulf %max3A_242, %get3A_2 : vector<16xf32>
            %add3A_255 = arith.addf %mul3A_253, %mul3A_254 : vector<16xf32>
            %mul3A_256 = arith.mulf %max3A_252, %get3A_4 : vector<16xf32>
            %add3A_257 = arith.addf %add3A_255, %mul3A_256 : vector<16xf32>
            %reduce_sum3A = arith.constant true
            %reduce_sum3A_258 = vector.broadcast %reduce_sum3A : i1 to vector<16xi1>
            %reduce_sum3A_259 = tpu.scan <sum>, %add3A_257 masked %reduce_sum3A_258 : vector<16xf32>, vector<16xi1> -> vector<16xf32>
            %reduce_sum3A_260 = vector.extract %reduce_sum3A_259[15] : f32 from vector<16xf32>
            %broadcast_in_dim3A_261 = vector.broadcast %reduce_sum3A_260 : f32 to vector<16xf32>
            %neg3A = arith.constant 0.000000e+00 : f32
            %neg3A_262 = vector.broadcast %neg3A : f32 to vector<16xf32>
            %neg3A_263 = arith.subf %neg3A_262, %broadcast_in_dim3A_261 : vector<16xf32>
            %exp3A = math.exp %neg3A_263 : vector<16xf32>
            %add3A_264 = arith.constant 1.000000e+00 : f32
            %add3A_265 = vector.broadcast %add3A_264 : f32 to vector<16xf32>
            %add3A_266 = arith.addf %add3A_265, %exp3A : vector<16xf32>
            %div3A_267 = arith.constant 1.000000e+00 : f32
            %div3A_268 = vector.broadcast %div3A_267 : f32 to vector<16xf32>
            %div3A_269 = arith.divf %div3A_268, %add3A_266 : vector<16xf32>
            %mul3A_270 = arith.mulf %div3A_269, %max3A_232 : vector<16xf32>
            %swap3A = arith.index_cast %scan3A_222 : i32 to index
            %swap3A_271 = arith.constant 0 : index
            %swap3A_272 = tpu.vector_load %arg19[%swap3A, %swap3A_271] {strides = array<i32>} : memref<128x48xf32, #tpu.memory_space<vmem>>, vector<16xf32>,
            tpu.vector_store %arg19[%swap3A, %swap3A_271], %mul3A_270 {strides = array<i32>} : memref<128x48xf32, #tpu.memory_space<vmem>>, vector<16xf32>,
            %mul3A_273 = arith.mulf %div3A_269, %max3A_242 : vector<16xf32>
            %swap3A_274 = arith.index_cast %scan3A_222 : i32 to index
            %swap3A_275 = arith.constant 16 : index
            %swap3A_276 = tpu.vector_load %arg19[%swap3A_274, %swap3A_275] {strides = array<i32>} : memref<128x48xf32, #tpu.memory_space<vmem>>, vector<16xf32>,
            tpu.vector_store %arg19[%swap3A_274, %swap3A_275], %mul3A_273 {strides = array<i32>} : memref<128x48xf32, #tpu.memory_space<vmem>>, vector<16xf32>,
            %mul3A_277 = arith.mulf %div3A_269, %max3A_252 : vector<16xf32>
            %swap3A_278 = arith.index_cast %scan3A_222 : i32 to index
            %swap3A_279 = arith.constant 32 : index
            %swap3A_280 = tpu.vector_load %arg19[%swap3A_278, %swap3A_279] {strides = array<i32>} : memref<128x48xf32, #tpu.memory_space<vmem>>, vector<16xf32>,
            tpu.vector_store %arg19[%swap3A_278, %swap3A_279], %mul3A_277 {strides = array<i32>} : memref<128x48xf32, #tpu.memory_space<vmem>>, vector<16xf32>,
            %scan3A_281 = arith.constant 0 : i32
            scf.yield %scan3A_281 : i32
          }
          %scan3A_221 = arith.constant 128 : i32
        } else {
        }
        %lt3A_186 = arith.cmpi slt, %add3A_153, %select_n3A : i32
        %ge3A_187 = arith.constant 1 : i32
        %ge3A_188 = arith.cmpi sge, %while3A_148, %ge3A_187 : i32
        %jit3A_189 = arith.constant 1 : i32
        %jit3A_190 = arith.constant 0 : i32
        %select_n3A_191 = arith.select %ge3A_188, %jit3A_189, %jit3A_190 : i32
        %sub3A_192 = arith.constant 1 : i32
        %sub3A_193 = arith.subi %sub3A_192, %select_n3A_191 : i32
        %jit3A_194 = arith.constant 0 : i32
        %select_n3A_195 = arith.select %lt3A_186, %sub3A_193, %jit3A_194 : i32
        %add3A_196 = arith.addi %sub3A_181, %select_n3A_195 : i32
        scf.yield %add3A_196 : i32
      }
      %scan3A_147 = arith.constant 0 : i32
      scf.yield %scan3A_147 : i32
    }
    %scan3A_26 = arith.constant 50 : i32
    %barrier3A_27 = arith.constant 0 : index
    tpu.barrier barrier_id(%barrier3A_27)
    %mul3A_28 = arith.constant 2 : i32
    %mul3A_29 = arith.muli %mul3A_28, %arg0 : i32
    %add3A_30 = arith.constant 0 : i32
    %add3A_31 = arith.addi %mul3A_29, %add3A_30 : i32
    %mul3A_32 = arith.constant 25088 : i32
    %mul3A_33 = arith.muli %add3A_31, %mul3A_32 : i32
    %mul3A_34 = arith.constant 1568 : i32
    %mul3A_35 = arith.muli %arg1, %mul3A_34 : i32
    %add3A_36 = arith.addi %mul3A_33, %mul3A_35 : i32
    %mul3A_37 = arith.constant 1568 : i32
    %mul3A_38 = arith.muli %arg1, %mul3A_37 : i32
    "tpu.region"() ({
      %run_scoped3A = tpu.sem_alloc : memref<!tpu.dma_semaphore, #tpu.memory_space<semaphore_mem>>
      %dma_start3A = arith.constant 0 : i32
      %dma_start3A_69 = tpu.memref_slice %arg8[%add3A_36, %dma_start3A] : memref<100352x48xf32, #tpu.memory_space<hbm>> -> memref<1568x48xf32, #tpu.memory_space<hbm>>
      %dma_start3A_70 = arith.constant 0 : i32
      %dma_start3A_71 = tpu.memref_slice %arg21[%mul3A_38, %dma_start3A_70] : memref<25096x48xf32, #tpu.memory_space<vmem_shared>> -> memref<1568x48xf32, #tpu.memory_space<vmem_shared>>
      tpu.enqueue_dma source(%dma_start3A_71 : memref<1568x48xf32, #tpu.memory_space<vmem_shared>>) target(%dma_start3A_69 : memref<1568x48xf32, #tpu.memory_space<hbm>>) target_semaphore(%run_scoped3A : memref<!tpu.dma_semaphore, #tpu.memory_space<semaphore_mem>>)
      %dma_wait3A = arith.constant 0 : i32
      %dma_wait3A_72 = tpu.memref_slice %arg8[%add3A_36, %dma_wait3A] : memref<100352x48xf32, #tpu.memory_space<hbm>> -> memref<1568x48xf32, #tpu.memory_space<hbm>>
      %dma_wait3A_73 = arith.constant 0 : i32
      %dma_wait3A_74 = tpu.memref_slice %arg21[%mul3A_38, %dma_wait3A_73] : memref<25096x48xf32, #tpu.memory_space<vmem_shared>> -> memref<1568x48xf32, #tpu.memory_space<vmem_shared>>
      tpu.wait_dma2 semaphore(%run_scoped3A : memref<!tpu.dma_semaphore, #tpu.memory_space<semaphore_mem>>) src(%dma_wait3A_74 : memref<1568x48xf32, #tpu.memory_space<vmem_shared>>) dst(%dma_wait3A_72 : memref<1568x48xf32, #tpu.memory_space<hbm>>)
      tpu.yield
    }) : () -> ()
    %barrier3A_39 = arith.constant 0 : index
    tpu.barrier barrier_id(%barrier3A_39)
    %mul3A_40 = arith.constant 2 : i32
    %mul3A_41 = arith.muli %mul3A_40, %arg0 : i32
    %add3A_42 = arith.constant 1 : i32
    %add3A_43 = arith.addi %mul3A_41, %add3A_42 : i32
    %mul3A_44 = arith.constant 25000 : i32
    %mul3A_45 = arith.muli %add3A_43, %mul3A_44 : i32
    %mul3A_46 = arith.constant 1568 : i32
    %mul3A_47 = arith.muli %arg1, %mul3A_46 : i32
    "tpu.region"() ({
      %run_scoped3A = tpu.sem_alloc : memref<!tpu.dma_semaphore, #tpu.memory_space<semaphore_mem>>
      %dma_start3A = arith.constant 0 : i32
      %dma_start3A_69 = tpu.memref_slice %arg21[%mul3A_47, %dma_start3A] : memref<25096x48xf32, #tpu.memory_space<vmem_shared>> -> memref<1568x48xf32, #tpu.memory_space<vmem_shared>>
      tpu.enqueue_dma source(%arg7 : memref<1568x48xf32, #tpu.memory_space<hbm>>) target(%dma_start3A_69 : memref<1568x48xf32, #tpu.memory_space<vmem_shared>>) target_semaphore(%run_scoped3A : memref<!tpu.dma_semaphore, #tpu.memory_space<semaphore_mem>>)
      %dma_wait3A = arith.constant 0 : i32
      %dma_wait3A_70 = tpu.memref_slice %arg21[%mul3A_47, %dma_wait3A] : memref<25096x48xf32, #tpu.memory_space<vmem_shared>> -> memref<1568x48xf32, #tpu.memory_space<vmem_shared>>
      tpu.wait_dma2 semaphore(%run_scoped3A : memref<!tpu.dma_semaphore, #tpu.memory_space<semaphore_mem>>) src(%arg7 : memref<1568x48xf32, #tpu.memory_space<hbm>>) dst(%dma_wait3A_70 : memref<1568x48xf32, #tpu.memory_space<vmem_shared>>)
      tpu.yield
    }) : () -> ()
    %barrier3A_48 = arith.constant 0 : index
    tpu.barrier barrier_id(%barrier3A_48)
    %scan3A_49 = arith.constant 0 : i32
    %scan3A_50 = arith.constant 0 : i32
    %scan3A_51 = arith.constant 50 : i32
    %scan3A_52 = arith.addi %scan3A_50, %scan3A_51 : i32
    %scan3A_53 = arith.constant 1 : i32
    %scan3A_54 = scf.for %scan3A_69 = %scan3A_50 to %scan3A_52 step %scan3A_53 iter_args(%scan3A_70 = %scan3A_49) -> (i32)  : i32 {
      %mul3A_71 = arith.constant 100000 : i32
      %mul3A_72 = arith.muli %arg1, %mul3A_71 : i32
      %mul3A_73 = arith.constant 2000 : i32
      %mul3A_74 = arith.muli %scan3A_69, %mul3A_73 : i32
      %add3A_75 = arith.addi %mul3A_72, %mul3A_74 : i32
      "tpu.region"() ({
        %run_scoped3A = tpu.sem_alloc : memref<!tpu.dma_semaphore, #tpu.memory_space<semaphore_mem>>
        %dma_start3A = tpu.memref_slice %arg4[%add3A_75] : memref<1600000xi32, #tpu.memory_space<hbm>> -> memref<2000xi32, #tpu.memory_space<hbm>>
        %dma_start3A_148 = tpu.memref_slice %arg4[%add3A_75] : memref<1600000xi32, #tpu.memory_space<hbm>> -> memref<2000xi32, #tpu.memory_space<hbm>>
        tpu.enqueue_dma source(%dma_start3A_148 : memref<2000xi32, #tpu.memory_space<hbm>>) target(%arg9 : memref<2000xi32, #tpu.memory_space<vmem>>) target_semaphore(%run_scoped3A : memref<!tpu.dma_semaphore, #tpu.memory_space<semaphore_mem>>)
        %dma_wait3A = tpu.memref_slice %arg4[%add3A_75] : memref<1600000xi32, #tpu.memory_space<hbm>> -> memref<2000xi32, #tpu.memory_space<hbm>>
        %dma_wait3A_149 = tpu.memref_slice %arg4[%add3A_75] : memref<1600000xi32, #tpu.memory_space<hbm>> -> memref<2000xi32, #tpu.memory_space<hbm>>
        tpu.wait_dma2 semaphore(%run_scoped3A : memref<!tpu.dma_semaphore, #tpu.memory_space<semaphore_mem>>) src(%dma_wait3A_149 : memref<2000xi32, #tpu.memory_space<hbm>>) dst(%arg9 : memref<2000xi32, #tpu.memory_space<vmem>>)
        tpu.yield
      }) : () -> ()
      "tpu.region"() ({
        %run_scoped3A = tpu.sem_alloc : memref<!tpu.dma_semaphore, #tpu.memory_space<semaphore_mem>>
        %dma_start3A = tpu.memref_slice %arg5[%add3A_75] : memref<1600000xi32, #tpu.memory_space<hbm>> -> memref<2000xi32, #tpu.memory_space<hbm>>
        %dma_start3A_148 = tpu.memref_slice %arg5[%add3A_75] : memref<1600000xi32, #tpu.memory_space<hbm>> -> memref<2000xi32, #tpu.memory_space<hbm>>
        tpu.enqueue_dma source(%dma_start3A_148 : memref<2000xi32, #tpu.memory_space<hbm>>) target(%arg10 : memref<2000xi32, #tpu.memory_space<vmem>>) target_semaphore(%run_scoped3A : memref<!tpu.dma_semaphore, #tpu.memory_space<semaphore_mem>>)
        %dma_wait3A = tpu.memref_slice %arg5[%add3A_75] : memref<1600000xi32, #tpu.memory_space<hbm>> -> memref<2000xi32, #tpu.memory_space<hbm>>
        %dma_wait3A_149 = tpu.memref_slice %arg5[%add3A_75] : memref<1600000xi32, #tpu.memory_space<hbm>> -> memref<2000xi32, #tpu.memory_space<hbm>>
        tpu.wait_dma2 semaphore(%run_scoped3A : memref<!tpu.dma_semaphore, #tpu.memory_space<semaphore_mem>>) src(%dma_wait3A_149 : memref<2000xi32, #tpu.memory_space<hbm>>) dst(%arg10 : memref<2000xi32, #tpu.memory_space<vmem>>)
        tpu.yield
      }) : () -> ()
      %scan3A_76 = arith.constant 0 : i32
      %scan3A_77 = arith.constant 0 : i32
      %scan3A_78 = arith.constant 128 : i32
      %scan3A_79 = arith.addi %scan3A_77, %scan3A_78 : i32
      %scan3A_80 = arith.constant 1 : i32
      %scan3A_81 = scf.for %scan3A_148 = %scan3A_77 to %scan3A_79 step %scan3A_80 iter_args(%scan3A_149 = %scan3A_76) -> (i32)  : i32 {
        %shift_right_arithmetic3A = arith.constant 3 : i32
        %shift_right_arithmetic3A_150 = arith.shrsi %scan3A_148, %shift_right_arithmetic3A : i32
        %and3A_151 = arith.constant 7 : i32
        %and3A_152 = arith.andi %scan3A_148, %and3A_151 : i32
        %mul3A_153 = arith.constant 16 : i32
        %mul3A_154 = arith.muli %and3A_152, %mul3A_153 : i32
        %swap3A = arith.index_cast %shift_right_arithmetic3A_150 : i32 to index
        %swap3A_155 = arith.index_cast %mul3A_154 : i32 to index
        %swap3A_156 = tpu.vector_load %arg13[%swap3A, %swap3A_155] {strides = array<i32>} : memref<17x128xi32, #tpu.memory_space<vmem>>, vector<16xi32>,
        tpu.vector_store %arg13[%swap3A, %swap3A_155], %broadcast_in_dim3A_7 {strides = array<i32>} : memref<17x128xi32, #tpu.memory_space<vmem>>, vector<16xi32>,
        %scan3A_157 = arith.constant 0 : i32
        scf.yield %scan3A_157 : i32
      }
      %scan3A_82 = arith.constant 128 : i32
      %scan3A_83 = arith.constant 0 : i32
      %scan3A_84 = arith.constant 0 : i32
      %scan3A_85 = arith.constant 125 : i32
      %scan3A_86 = arith.addi %scan3A_84, %scan3A_85 : i32
      %scan3A_87 = arith.constant 1 : i32
      %scan3A_88 = scf.for %scan3A_148 = %scan3A_84 to %scan3A_86 step %scan3A_87 iter_args(%scan3A_149 = %scan3A_83) -> (i32)  : i32 {
        %mul3A_150 = arith.constant 16 : i32
        %mul3A_151 = arith.muli %scan3A_148, %mul3A_150 : i32
        %get3A_152 = arith.index_cast %mul3A_151 : i32 to index
        %get3A_153 = tpu.vector_load %arg10[%get3A_152] {strides = array<i32>} : memref<2000xi32, #tpu.memory_space<vmem>>, vector<16xi32>,
        %mul3A_154 = arith.constant 16 : i32
        %mul3A_155 = arith.muli %scan3A_148, %mul3A_154 : i32
        %get3A_156 = arith.index_cast %mul3A_155 : i32 to index
        %get3A_157 = tpu.vector_load %arg9[%get3A_156] {strides = array<i32>} : memref<2000xi32, #tpu.memory_space<vmem>>, vector<16xi32>,
        %broadcast_in_dim3A_158 = vector.broadcast %mul3A_45 : i32 to vector<16xi32>
        %sub3A_159 = arith.subi %get3A_153, %broadcast_in_dim3A_158 : vector<16xi32>
        %sub3A_160 = arith.constant 24999 : i32
        %sub3A_161 = vector.broadcast %sub3A_160 : i32 to vector<16xi32>
        %sub3A_162 = arith.subi %sub3A_161, %sub3A_159 : vector<16xi32>
        %or3A = arith.ori %sub3A_159, %sub3A_162 : vector<16xi32>
        %shift_right_logical3A = arith.constant 31 : i32
        %shift_right_logical3A_163 = vector.broadcast %shift_right_logical3A : i32 to vector<16xi32>
        %shift_right_logical3A_164 = arith.shrui %or3A, %shift_right_logical3A_163 : vector<16xi32>
        %sub3A_165 = arith.constant 1 : i32
        %sub3A_166 = vector.broadcast %sub3A_165 : i32 to vector<16xi32>
        %sub3A_167 = arith.subi %sub3A_166, %shift_right_logical3A_164 : vector<16xi32>
        %broadcast_in_dim3A_168 = arith.constant true
        %broadcast_in_dim3A_169 = vector.broadcast %broadcast_in_dim3A_168 : i1 to vector<16xi1>
        %masked_cumsum3A = tpu.scan <sum>, %sub3A_167 masked %broadcast_in_dim3A_169 : vector<16xi32>, vector<16xi1> -> vector<16xi32>
        %add3A_170 = vector.broadcast %scan3A_149 : i32 to vector<16xi32>
        %add3A_171 = arith.addi %add3A_170, %masked_cumsum3A : vector<16xi32>
        %sub3A_172 = arith.constant 1 : i32
        %sub3A_173 = vector.broadcast %sub3A_172 : i32 to vector<16xi32>
        %sub3A_174 = arith.subi %add3A_171, %sub3A_173 : vector<16xi32>
        %sub3A_175 = arith.constant 1 : i32
        %sub3A_176 = vector.broadcast %sub3A_175 : i32 to vector<16xi32>
        %sub3A_177 = arith.subi %sub3A_176, %shift_right_logical3A_164 : vector<16xi32>
        %mul3A_178 = arith.muli %sub3A_174, %sub3A_177 : vector<16xi32>
        %mul3A_179 = arith.constant 2048 : i32
        %mul3A_180 = vector.broadcast %mul3A_179 : i32 to vector<16xi32>
        %mul3A_181 = arith.muli %mul3A_180, %shift_right_logical3A_164 : vector<16xi32>
        %add3A_182 = arith.addi %mul3A_178, %mul3A_181 : vector<16xi32>
        tpu.vector_store_idx %arg11[%add3A_182], %get3A_157 : memref<2056xi32, #tpu.memory_space<vmem>>[vector<16xi32>], vector<16xi32>,
        tpu.vector_store_idx %arg12[%add3A_182], %get3A_153 : memref<2056xi32, #tpu.memory_space<vmem>>[vector<16xi32>], vector<16xi32>,
        %shift_right_arithmetic3A = arith.constant 7 : i32
        %shift_right_arithmetic3A_183 = vector.broadcast %shift_right_arithmetic3A : i32 to vector<16xi32>
        %shift_right_arithmetic3A_184 = arith.shrsi %add3A_182, %shift_right_arithmetic3A_183 : vector<16xi32>
        %and3A_185 = arith.constant 127 : i32
        %and3A_186 = vector.broadcast %and3A_185 : i32 to vector<16xi32>
        %and3A_187 = arith.andi %add3A_182, %and3A_186 : vector<16xi32>
        %sub3A_188 = arith.constant 1 : i32
        %sub3A_189 = vector.broadcast %sub3A_188 : i32 to vector<16xi32>
        %sub3A_190 = arith.subi %sub3A_189, %shift_right_logical3A_164 : vector<16xi32>
        %mul3A_191 = arith.muli %sub3A_159, %sub3A_190 : vector<16xi32>
        %mul3A_192 = arith.constant 25088 : i32
        %mul3A_193 = vector.broadcast %mul3A_192 : i32 to vector<16xi32>
        %mul3A_194 = arith.muli %mul3A_193, %shift_right_logical3A_164 : vector<16xi32>
        %add3A_195 = arith.addi %mul3A_191, %mul3A_194 : vector<16xi32>
        tpu.vector_store_idx %arg13[%shift_right_arithmetic3A_184, %and3A_187], %add3A_195 : memref<17x128xi32, #tpu.memory_space<vmem>>[vector<16xi32>, vector<16xi32>], vector<16xi32>,
        %slice3A = vector.extract_strided_slice %masked_cumsum3A {offsets = [15], sizes = [1], strides = [1]} : vector<16xi32> to vector<1xi32>
        %squeeze3A = vector.extract %slice3A[0] : i32 from vector<1xi32>
        %add3A_196 = arith.addi %scan3A_149, %squeeze3A : i32
        scf.yield %add3A_196 : i32
      }
      %scan3A_89 = arith.constant 125 : i32
      %add3A_90 = arith.constant 127 : i32
      %add3A_91 = arith.addi %scan3A_88, %add3A_90 : i32
      %jit3A = arith.constant 128 : i32
      %div3A = arith.divsi %add3A_91, %jit3A : i32
      %sign3A = arith.constant 0 : i32
      %sign3A_92 = arith.cmpi sgt, %add3A_91, %sign3A : i32
      %sign3A_93 = arith.extui %sign3A_92 : i1 to i32
      %sign3A_94 = arith.constant 0 : i32
      %sign3A_95 = arith.cmpi slt, %add3A_91, %sign3A_94 : i32
      %sign3A_96 = arith.extui %sign3A_95 : i1 to i32
      %sign3A_97 = arith.subi %sign3A_93, %sign3A_96 : i32
      %sign3A_98 = arith.constant 0 : i32
      %sign3A_99 = arith.cmpi sgt, %jit3A, %sign3A_98 : i32
      %sign3A_100 = arith.extui %sign3A_99 : i1 to i32
      %sign3A_101 = arith.constant 0 : i32
      %sign3A_102 = arith.cmpi slt, %jit3A, %sign3A_101 : i32
      %sign3A_103 = arith.extui %sign3A_102 : i1 to i32
      %sign3A_104 = arith.subi %sign3A_100, %sign3A_103 : i32
      %ne3A = arith.cmpi ne, %sign3A_97, %sign3A_104 : i32
      %rem3A = arith.remsi %add3A_91, %jit3A : i32
      %ne3A_105 = arith.constant 0 : i32
      %ne3A_106 = arith.cmpi ne, %rem3A, %ne3A_105 : i32
      %and3A = arith.andi %ne3A, %ne3A_106 : i1
      %sub3A = arith.constant 1 : i32
      %sub3A_107 = arith.subi %div3A, %sub3A : i32
      %select_n3A = arith.select %and3A, %sub3A_107, %div3A : i32
      %gt3A = arith.constant 0 : i32
      %gt3A_108 = arith.cmpi sgt, %select_n3A, %gt3A : i32
      %convert_element_type3A = arith.extui %gt3A_108 : i1 to i32
      %cond3A = arith.constant 0 : i32
      %cond3A_109 = arith.cmpi ne, %convert_element_type3A, %cond3A : i32
      scf.if %cond3A_109 {
        %dma_start3A = arith.constant 0 : i32
        %dma_start3A_148 = tpu.memref_slice %arg11[%dma_start3A] : memref<2056xi32, #tpu.memory_space<vmem>> -> memref<128xi32, #tpu.memory_space<vmem>>
        %dma_start3A_149 = arith.constant 0 : i32
        %dma_start3A_150 = arith.constant 0 : i32
        %dma_start3A_151 = tpu.memref_slice %arg2[%dma_start3A_149, %dma_start3A_150] : memref<100000x48xf32, #tpu.memory_space<hbm>> -> memref<100000x48xf32, #tpu.memory_space<hbm>>
        tpu.enqueue_indirect_dma source(%dma_start3A_151 : memref<100000x48xf32, #tpu.memory_space<hbm>>) target(%arg14 : memref<128x48xf32, #tpu.memory_space<vmem>>) offsets(%dma_start3A_148 : memref<128xi32, #tpu.memory_space<vmem>>) semaphore(%arg22 : memref<!tpu.dma_semaphore, #tpu.memory_space<semaphore_mem>>)
        %dma_start3A_152 = arith.constant 0 : i32
        %dma_start3A_153 = tpu.memref_slice %arg12[%dma_start3A_152] : memref<2056xi32, #tpu.memory_space<vmem>> -> memref<128xi32, #tpu.memory_space<vmem>>
        %dma_start3A_154 = arith.constant 0 : i32
        %dma_start3A_155 = arith.constant 0 : i32
        %dma_start3A_156 = tpu.memref_slice %arg3[%dma_start3A_154, %dma_start3A_155] : memref<100000x48xf32, #tpu.memory_space<hbm>> -> memref<100000x48xf32, #tpu.memory_space<hbm>>
        tpu.enqueue_indirect_dma source(%dma_start3A_156 : memref<100000x48xf32, #tpu.memory_space<hbm>>) target(%arg16 : memref<128x48xf32, #tpu.memory_space<vmem>>) offsets(%dma_start3A_153 : memref<128xi32, #tpu.memory_space<vmem>>) semaphore(%arg22 : memref<!tpu.dma_semaphore, #tpu.memory_space<semaphore_mem>>)
      } else {
      }
      %add3A_110 = arith.constant 1 : i32
      %add3A_111 = arith.addi %select_n3A, %add3A_110 : i32
      %jit3A_112 = arith.constant 2 : i32
      %div3A_113 = arith.divsi %add3A_111, %jit3A_112 : i32
      %sign3A_114 = arith.constant 0 : i32
      %sign3A_115 = arith.cmpi sgt, %add3A_111, %sign3A_114 : i32
      %sign3A_116 = arith.extui %sign3A_115 : i1 to i32
      %sign3A_117 = arith.constant 0 : i32
      %sign3A_118 = arith.cmpi slt, %add3A_111, %sign3A_117 : i32
      %sign3A_119 = arith.extui %sign3A_118 : i1 to i32
      %sign3A_120 = arith.subi %sign3A_116, %sign3A_119 : i32
      %sign3A_121 = arith.constant 0 : i32
      %sign3A_122 = arith.cmpi sgt, %jit3A_112, %sign3A_121 : i32
      %sign3A_123 = arith.extui %sign3A_122 : i1 to i32
      %sign3A_124 = arith.constant 0 : i32
      %sign3A_125 = arith.cmpi slt, %jit3A_112, %sign3A_124 : i32
      %sign3A_126 = arith.extui %sign3A_125 : i1 to i32
      %sign3A_127 = arith.subi %sign3A_123, %sign3A_126 : i32
      %ne3A_128 = arith.cmpi ne, %sign3A_120, %sign3A_127 : i32
      %rem3A_129 = arith.remsi %add3A_111, %jit3A_112 : i32
      %ne3A_130 = arith.constant 0 : i32
      %ne3A_131 = arith.cmpi ne, %rem3A_129, %ne3A_130 : i32
      %and3A_132 = arith.andi %ne3A_128, %ne3A_131 : i1
      %sub3A_133 = arith.constant 1 : i32
      %sub3A_134 = arith.subi %div3A_113, %sub3A_133 : i32
      %select_n3A_135 = arith.select %and3A_132, %sub3A_134, %div3A_113 : i32
      %while3A = arith.constant 0 : i32
      %while3A_136 = arith.constant 0 : i32
      %while3A_137 = arith.subi %select_n3A_135, %while3A : i32
      %while3A_138 = arith.addi %while3A, %while3A_137 : i32
      %while3A_139 = arith.constant 1 : i32
      %while3A_140 = arith.divsi %while3A_137, %while3A_139 : i32
      %while3A_141 = arith.muli %while3A_140, %while3A_139 : i32
      %while3A_142 = arith.addi %while3A, %while3A_141 : i32
      %while3A_143 = arith.constant 1 : i32
      %while3A_144 = scf.for %while3A_148 = %while3A to %while3A_142 step %while3A_143 iter_args(%while3A_149 = %while3A_136) -> (i32)  : i32 {
        %mul3A_150 = arith.constant 2 : i32
        %mul3A_151 = arith.muli %mul3A_150, %while3A_148 : i32
        %add3A_152 = arith.constant 1 : i32
        %add3A_153 = arith.addi %mul3A_151, %add3A_152 : i32
        %lt3A = arith.cmpi slt, %add3A_153, %select_n3A : i32
        %convert_element_type3A_154 = arith.extui %lt3A : i1 to i32
        %cond3A_155 = arith.constant 0 : i32
        %cond3A_156 = arith.cmpi ne, %convert_element_type3A_154, %cond3A_155 : i32
        scf.if %cond3A_156 {
          %mul3A_197 = arith.constant 128 : i32
          %mul3A_198 = arith.muli %add3A_153, %mul3A_197 : i32
          %dma_start3A = tpu.memref_slice %arg11[%mul3A_198] : memref<2056xi32, #tpu.memory_space<vmem>> -> memref<128xi32, #tpu.memory_space<vmem>>
          %dma_start3A_199 = arith.constant 0 : i32
          %dma_start3A_200 = arith.constant 0 : i32
          %dma_start3A_201 = tpu.memref_slice %arg2[%dma_start3A_199, %dma_start3A_200] : memref<100000x48xf32, #tpu.memory_space<hbm>> -> memref<100000x48xf32, #tpu.memory_space<hbm>>
          tpu.enqueue_indirect_dma source(%dma_start3A_201 : memref<100000x48xf32, #tpu.memory_space<hbm>>) target(%arg15 : memref<128x48xf32, #tpu.memory_space<vmem>>) offsets(%dma_start3A : memref<128xi32, #tpu.memory_space<vmem>>) semaphore(%arg23 : memref<!tpu.dma_semaphore, #tpu.memory_space<semaphore_mem>>)
          %mul3A_202 = arith.constant 128 : i32
          %mul3A_203 = arith.muli %add3A_153, %mul3A_202 : i32
          %dma_start3A_204 = tpu.memref_slice %arg12[%mul3A_203] : memref<2056xi32, #tpu.memory_space<vmem>> -> memref<128xi32, #tpu.memory_space<vmem>>
          %dma_start3A_205 = arith.constant 0 : i32
          %dma_start3A_206 = arith.constant 0 : i32
          %dma_start3A_207 = tpu.memref_slice %arg3[%dma_start3A_205, %dma_start3A_206] : memref<100000x48xf32, #tpu.memory_space<hbm>> -> memref<100000x48xf32, #tpu.memory_space<hbm>>
          tpu.enqueue_indirect_dma source(%dma_start3A_207 : memref<100000x48xf32, #tpu.memory_space<hbm>>) target(%arg17 : memref<128x48xf32, #tpu.memory_space<vmem>>) offsets(%dma_start3A_204 : memref<128xi32, #tpu.memory_space<vmem>>) semaphore(%arg23 : memref<!tpu.dma_semaphore, #tpu.memory_space<semaphore_mem>>)
        } else {
        }
        %dma_wait3A = arith.constant 0 : i32
        %dma_wait3A_157 = arith.constant 0 : i32
        %dma_wait3A_158 = tpu.memref_slice %arg2[%dma_wait3A, %dma_wait3A_157] : memref<100000x48xf32, #tpu.memory_space<hbm>> -> memref<128x48xf32, #tpu.memory_space<hbm>>
        %dma_wait3A_159 = arith.constant 0 : i32
        %dma_wait3A_160 = arith.constant 0 : i32
        %dma_wait3A_161 = tpu.memref_slice %arg2[%dma_wait3A_159, %dma_wait3A_160] : memref<100000x48xf32, #tpu.memory_space<hbm>> -> memref<128x48xf32, #tpu.memory_space<hbm>>
        tpu.wait_dma2 semaphore(%arg22 : memref<!tpu.dma_semaphore, #tpu.memory_space<semaphore_mem>>) src(%dma_wait3A_161 : memref<128x48xf32, #tpu.memory_space<hbm>>) dst(%arg14 : memref<128x48xf32, #tpu.memory_space<vmem>>)
        %dma_wait3A_162 = arith.constant 0 : i32
        %dma_wait3A_163 = arith.constant 0 : i32
        %dma_wait3A_164 = tpu.memref_slice %arg2[%dma_wait3A_162, %dma_wait3A_163] : memref<100000x48xf32, #tpu.memory_space<hbm>> -> memref<128x48xf32, #tpu.memory_space<hbm>>
        %dma_wait3A_165 = arith.constant 0 : i32
        %dma_wait3A_166 = arith.constant 0 : i32
        %dma_wait3A_167 = tpu.memref_slice %arg2[%dma_wait3A_165, %dma_wait3A_166] : memref<100000x48xf32, #tpu.memory_space<hbm>> -> memref<128x48xf32, #tpu.memory_space<hbm>>
        tpu.wait_dma2 semaphore(%arg22 : memref<!tpu.dma_semaphore, #tpu.memory_space<semaphore_mem>>) src(%dma_wait3A_167 : memref<128x48xf32, #tpu.memory_space<hbm>>) dst(%arg16 : memref<128x48xf32, #tpu.memory_space<vmem>>)
        %scan3A_168 = arith.constant 0 : i32
        %scan3A_169 = arith.constant 0 : i32
        %scan3A_170 = arith.constant 128 : i32
        %scan3A_171 = arith.addi %scan3A_169, %scan3A_170 : i32
        %scan3A_172 = arith.constant 1 : i32
        %scan3A_173 = scf.for %scan3A_197 = %scan3A_169 to %scan3A_171 step %scan3A_172 iter_args(%scan3A_198 = %scan3A_168) -> (i32)  : i32 {
          %get3A_199 = arith.index_cast %scan3A_197 : i32 to index
          %get3A_200 = arith.constant 0 : index
          %get3A_201 = tpu.vector_load %arg14[%get3A_199, %get3A_200] {strides = array<i32>} : memref<128x48xf32, #tpu.memory_space<vmem>>, vector<16xf32>,
          %get3A_202 = arith.index_cast %scan3A_197 : i32 to index
          %get3A_203 = arith.constant 0 : index
          %get3A_204 = tpu.vector_load %arg16[%get3A_202, %get3A_203] {strides = array<i32>} : memref<128x48xf32, #tpu.memory_space<vmem>>, vector<16xf32>,
          %add3A_205 = arith.addf %get3A_201, %get3A_204 : vector<16xf32>
          %max3A = arith.constant 0.000000e+00 : f32
          %max3A_206 = vector.broadcast %max3A : f32 to vector<16xf32>
          %max3A_207 = arith.maximumf %add3A_205, %max3A_206 : vector<16xf32>
          %get3A_208 = arith.index_cast %scan3A_197 : i32 to index
          %get3A_209 = arith.constant 16 : index
          %get3A_210 = tpu.vector_load %arg14[%get3A_208, %get3A_209] {strides = array<i32>} : memref<128x48xf32, #tpu.memory_space<vmem>>, vector<16xf32>,
          %get3A_211 = arith.index_cast %scan3A_197 : i32 to index
          %get3A_212 = arith.constant 16 : index
          %get3A_213 = tpu.vector_load %arg16[%get3A_211, %get3A_212] {strides = array<i32>} : memref<128x48xf32, #tpu.memory_space<vmem>>, vector<16xf32>,
          %add3A_214 = arith.addf %get3A_210, %get3A_213 : vector<16xf32>
          %max3A_215 = arith.constant 0.000000e+00 : f32
          %max3A_216 = vector.broadcast %max3A_215 : f32 to vector<16xf32>
          %max3A_217 = arith.maximumf %add3A_214, %max3A_216 : vector<16xf32>
          %get3A_218 = arith.index_cast %scan3A_197 : i32 to index
          %get3A_219 = arith.constant 32 : index
          %get3A_220 = tpu.vector_load %arg14[%get3A_218, %get3A_219] {strides = array<i32>} : memref<128x48xf32, #tpu.memory_space<vmem>>, vector<16xf32>,
          %get3A_221 = arith.index_cast %scan3A_197 : i32 to index
          %get3A_222 = arith.constant 32 : index
          %get3A_223 = tpu.vector_load %arg16[%get3A_221, %get3A_222] {strides = array<i32>} : memref<128x48xf32, #tpu.memory_space<vmem>>, vector<16xf32>,
          %add3A_224 = arith.addf %get3A_220, %get3A_223 : vector<16xf32>
          %max3A_225 = arith.constant 0.000000e+00 : f32
          %max3A_226 = vector.broadcast %max3A_225 : f32 to vector<16xf32>
          %max3A_227 = arith.maximumf %add3A_224, %max3A_226 : vector<16xf32>
          %mul3A_228 = arith.mulf %max3A_207, %get3A_0 : vector<16xf32>
          %mul3A_229 = arith.mulf %max3A_217, %get3A_2 : vector<16xf32>
          %add3A_230 = arith.addf %mul3A_228, %mul3A_229 : vector<16xf32>
          %mul3A_231 = arith.mulf %max3A_227, %get3A_4 : vector<16xf32>
          %add3A_232 = arith.addf %add3A_230, %mul3A_231 : vector<16xf32>
          %reduce_sum3A = arith.constant true
          %reduce_sum3A_233 = vector.broadcast %reduce_sum3A : i1 to vector<16xi1>
          %reduce_sum3A_234 = tpu.scan <sum>, %add3A_232 masked %reduce_sum3A_233 : vector<16xf32>, vector<16xi1> -> vector<16xf32>
          %reduce_sum3A_235 = vector.extract %reduce_sum3A_234[15] : f32 from vector<16xf32>
          %broadcast_in_dim3A_236 = vector.broadcast %reduce_sum3A_235 : f32 to vector<16xf32>
          %neg3A = arith.constant 0.000000e+00 : f32
          %neg3A_237 = vector.broadcast %neg3A : f32 to vector<16xf32>
          %neg3A_238 = arith.subf %neg3A_237, %broadcast_in_dim3A_236 : vector<16xf32>
          %exp3A = math.exp %neg3A_238 : vector<16xf32>
          %add3A_239 = arith.constant 1.000000e+00 : f32
          %add3A_240 = vector.broadcast %add3A_239 : f32 to vector<16xf32>
          %add3A_241 = arith.addf %add3A_240, %exp3A : vector<16xf32>
          %div3A_242 = arith.constant 1.000000e+00 : f32
          %div3A_243 = vector.broadcast %div3A_242 : f32 to vector<16xf32>
          %div3A_244 = arith.divf %div3A_243, %add3A_241 : vector<16xf32>
          %mul3A_245 = arith.mulf %div3A_244, %max3A_207 : vector<16xf32>
          %swap3A = arith.index_cast %scan3A_197 : i32 to index
          %swap3A_246 = arith.constant 0 : index
          %swap3A_247 = tpu.vector_load %arg18[%swap3A, %swap3A_246] {strides = array<i32>} : memref<128x48xf32, #tpu.memory_space<vmem>>, vector<16xf32>,
          tpu.vector_store %arg18[%swap3A, %swap3A_246], %mul3A_245 {strides = array<i32>} : memref<128x48xf32, #tpu.memory_space<vmem>>, vector<16xf32>,
          %mul3A_248 = arith.mulf %div3A_244, %max3A_217 : vector<16xf32>
          %swap3A_249 = arith.index_cast %scan3A_197 : i32 to index
          %swap3A_250 = arith.constant 16 : index
          %swap3A_251 = tpu.vector_load %arg18[%swap3A_249, %swap3A_250] {strides = array<i32>} : memref<128x48xf32, #tpu.memory_space<vmem>>, vector<16xf32>,
          tpu.vector_store %arg18[%swap3A_249, %swap3A_250], %mul3A_248 {strides = array<i32>} : memref<128x48xf32, #tpu.memory_space<vmem>>, vector<16xf32>,
          %mul3A_252 = arith.mulf %div3A_244, %max3A_227 : vector<16xf32>
          %swap3A_253 = arith.index_cast %scan3A_197 : i32 to index
          %swap3A_254 = arith.constant 32 : index
          %swap3A_255 = tpu.vector_load %arg18[%swap3A_253, %swap3A_254] {strides = array<i32>} : memref<128x48xf32, #tpu.memory_space<vmem>>, vector<16xf32>,
          tpu.vector_store %arg18[%swap3A_253, %swap3A_254], %mul3A_252 {strides = array<i32>} : memref<128x48xf32, #tpu.memory_space<vmem>>, vector<16xf32>,
          %scan3A_256 = arith.constant 0 : i32
          scf.yield %scan3A_256 : i32
        }
        %scan3A_174 = arith.constant 128 : i32
        %add3A_175 = arith.constant 1 : i32
        %add3A_176 = arith.addi %while3A_149, %add3A_175 : i32
        %ge3A = arith.constant 1 : i32
        %ge3A_177 = arith.cmpi sge, %while3A_148, %ge3A : i32
        %jit3A_178 = arith.constant 1 : i32
        %jit3A_179 = arith.constant 0 : i32
        %select_n3A_180 = arith.select %ge3A_177, %jit3A_178, %jit3A_179 : i32
        %sub3A_181 = arith.subi %add3A_176, %select_n3A_180 : i32
        %lt3A_182 = arith.cmpi slt, %add3A_153, %select_n3A : i32
        %convert_element_type3A_183 = arith.extui %lt3A_182 : i1 to i32
        %cond3A_184 = arith.constant 0 : i32
        %cond3A_185 = arith.cmpi ne, %convert_element_type3A_183, %cond3A_184 : i32
        scf.if %cond3A_185 {
          %add3A_197 = arith.constant 1 : i32
          %add3A_198 = arith.addi %add3A_153, %add3A_197 : i32
          %lt3A_199 = arith.cmpi slt, %add3A_198, %select_n3A : i32
          %convert_element_type3A_200 = arith.extui %lt3A_199 : i1 to i32
          %cond3A_201 = arith.constant 0 : i32
          %cond3A_202 = arith.cmpi ne, %convert_element_type3A_200, %cond3A_201 : i32
          scf.if %cond3A_202 {
            %add3A_222 = arith.constant 1 : i32
            %add3A_223 = arith.addi %add3A_153, %add3A_222 : i32
            %mul3A_224 = arith.constant 128 : i32
            %mul3A_225 = arith.muli %add3A_223, %mul3A_224 : i32
            %dma_start3A = tpu.memref_slice %arg11[%mul3A_225] : memref<2056xi32, #tpu.memory_space<vmem>> -> memref<128xi32, #tpu.memory_space<vmem>>
            %dma_start3A_226 = arith.constant 0 : i32
            %dma_start3A_227 = arith.constant 0 : i32
            %dma_start3A_228 = tpu.memref_slice %arg2[%dma_start3A_226, %dma_start3A_227] : memref<100000x48xf32, #tpu.memory_space<hbm>> -> memref<100000x48xf32, #tpu.memory_space<hbm>>
            tpu.enqueue_indirect_dma source(%dma_start3A_228 : memref<100000x48xf32, #tpu.memory_space<hbm>>) target(%arg14 : memref<128x48xf32, #tpu.memory_space<vmem>>) offsets(%dma_start3A : memref<128xi32, #tpu.memory_space<vmem>>) semaphore(%arg22 : memref<!tpu.dma_semaphore, #tpu.memory_space<semaphore_mem>>)
            %mul3A_229 = arith.constant 128 : i32
            %mul3A_230 = arith.muli %add3A_223, %mul3A_229 : i32
            %dma_start3A_231 = tpu.memref_slice %arg12[%mul3A_230] : memref<2056xi32, #tpu.memory_space<vmem>> -> memref<128xi32, #tpu.memory_space<vmem>>
            %dma_start3A_232 = arith.constant 0 : i32
            %dma_start3A_233 = arith.constant 0 : i32
            %dma_start3A_234 = tpu.memref_slice %arg3[%dma_start3A_232, %dma_start3A_233] : memref<100000x48xf32, #tpu.memory_space<hbm>> -> memref<100000x48xf32, #tpu.memory_space<hbm>>
            tpu.enqueue_indirect_dma source(%dma_start3A_234 : memref<100000x48xf32, #tpu.memory_space<hbm>>) target(%arg16 : memref<128x48xf32, #tpu.memory_space<vmem>>) offsets(%dma_start3A_231 : memref<128xi32, #tpu.memory_space<vmem>>) semaphore(%arg22 : memref<!tpu.dma_semaphore, #tpu.memory_space<semaphore_mem>>)
          } else {
          }
          %dma_wait3A_203 = arith.constant 0 : i32
          %dma_wait3A_204 = arith.constant 0 : i32
          %dma_wait3A_205 = tpu.memref_slice %arg2[%dma_wait3A_203, %dma_wait3A_204] : memref<100000x48xf32, #tpu.memory_space<hbm>> -> memref<128x48xf32, #tpu.memory_space<hbm>>
          %dma_wait3A_206 = arith.constant 0 : i32
          %dma_wait3A_207 = arith.constant 0 : i32
          %dma_wait3A_208 = tpu.memref_slice %arg2[%dma_wait3A_206, %dma_wait3A_207] : memref<100000x48xf32, #tpu.memory_space<hbm>> -> memref<128x48xf32, #tpu.memory_space<hbm>>
          tpu.wait_dma2 semaphore(%arg23 : memref<!tpu.dma_semaphore, #tpu.memory_space<semaphore_mem>>) src(%dma_wait3A_208 : memref<128x48xf32, #tpu.memory_space<hbm>>) dst(%arg15 : memref<128x48xf32, #tpu.memory_space<vmem>>)
          %dma_wait3A_209 = arith.constant 0 : i32
          %dma_wait3A_210 = arith.constant 0 : i32
          %dma_wait3A_211 = tpu.memref_slice %arg2[%dma_wait3A_209, %dma_wait3A_210] : memref<100000x48xf32, #tpu.memory_space<hbm>> -> memref<128x48xf32, #tpu.memory_space<hbm>>
          %dma_wait3A_212 = arith.constant 0 : i32
          %dma_wait3A_213 = arith.constant 0 : i32
          %dma_wait3A_214 = tpu.memref_slice %arg2[%dma_wait3A_212, %dma_wait3A_213] : memref<100000x48xf32, #tpu.memory_space<hbm>> -> memref<128x48xf32, #tpu.memory_space<hbm>>
          tpu.wait_dma2 semaphore(%arg23 : memref<!tpu.dma_semaphore, #tpu.memory_space<semaphore_mem>>) src(%dma_wait3A_214 : memref<128x48xf32, #tpu.memory_space<hbm>>) dst(%arg17 : memref<128x48xf32, #tpu.memory_space<vmem>>)
          %scan3A_215 = arith.constant 0 : i32
          %scan3A_216 = arith.constant 0 : i32
          %scan3A_217 = arith.constant 128 : i32
          %scan3A_218 = arith.addi %scan3A_216, %scan3A_217 : i32
          %scan3A_219 = arith.constant 1 : i32
          %scan3A_220 = scf.for %scan3A_222 = %scan3A_216 to %scan3A_218 step %scan3A_219 iter_args(%scan3A_223 = %scan3A_215) -> (i32)  : i32 {
            %get3A_224 = arith.index_cast %scan3A_222 : i32 to index
            %get3A_225 = arith.constant 0 : index
            %get3A_226 = tpu.vector_load %arg15[%get3A_224, %get3A_225] {strides = array<i32>} : memref<128x48xf32, #tpu.memory_space<vmem>>, vector<16xf32>,
            %get3A_227 = arith.index_cast %scan3A_222 : i32 to index
            %get3A_228 = arith.constant 0 : index
            %get3A_229 = tpu.vector_load %arg17[%get3A_227, %get3A_228] {strides = array<i32>} : memref<128x48xf32, #tpu.memory_space<vmem>>, vector<16xf32>,
            %add3A_230 = arith.addf %get3A_226, %get3A_229 : vector<16xf32>
            %max3A = arith.constant 0.000000e+00 : f32
            %max3A_231 = vector.broadcast %max3A : f32 to vector<16xf32>
            %max3A_232 = arith.maximumf %add3A_230, %max3A_231 : vector<16xf32>
            %get3A_233 = arith.index_cast %scan3A_222 : i32 to index
            %get3A_234 = arith.constant 16 : index
            %get3A_235 = tpu.vector_load %arg15[%get3A_233, %get3A_234] {strides = array<i32>} : memref<128x48xf32, #tpu.memory_space<vmem>>, vector<16xf32>,
            %get3A_236 = arith.index_cast %scan3A_222 : i32 to index
            %get3A_237 = arith.constant 16 : index
            %get3A_238 = tpu.vector_load %arg17[%get3A_236, %get3A_237] {strides = array<i32>} : memref<128x48xf32, #tpu.memory_space<vmem>>, vector<16xf32>,
            %add3A_239 = arith.addf %get3A_235, %get3A_238 : vector<16xf32>
            %max3A_240 = arith.constant 0.000000e+00 : f32
            %max3A_241 = vector.broadcast %max3A_240 : f32 to vector<16xf32>
            %max3A_242 = arith.maximumf %add3A_239, %max3A_241 : vector<16xf32>
            %get3A_243 = arith.index_cast %scan3A_222 : i32 to index
            %get3A_244 = arith.constant 32 : index
            %get3A_245 = tpu.vector_load %arg15[%get3A_243, %get3A_244] {strides = array<i32>} : memref<128x48xf32, #tpu.memory_space<vmem>>, vector<16xf32>,
            %get3A_246 = arith.index_cast %scan3A_222 : i32 to index
            %get3A_247 = arith.constant 32 : index
            %get3A_248 = tpu.vector_load %arg17[%get3A_246, %get3A_247] {strides = array<i32>} : memref<128x48xf32, #tpu.memory_space<vmem>>, vector<16xf32>,
            %add3A_249 = arith.addf %get3A_245, %get3A_248 : vector<16xf32>
            %max3A_250 = arith.constant 0.000000e+00 : f32
            %max3A_251 = vector.broadcast %max3A_250 : f32 to vector<16xf32>
            %max3A_252 = arith.maximumf %add3A_249, %max3A_251 : vector<16xf32>
            %mul3A_253 = arith.mulf %max3A_232, %get3A_0 : vector<16xf32>
            %mul3A_254 = arith.mulf %max3A_242, %get3A_2 : vector<16xf32>
            %add3A_255 = arith.addf %mul3A_253, %mul3A_254 : vector<16xf32>
            %mul3A_256 = arith.mulf %max3A_252, %get3A_4 : vector<16xf32>
            %add3A_257 = arith.addf %add3A_255, %mul3A_256 : vector<16xf32>
            %reduce_sum3A = arith.constant true
            %reduce_sum3A_258 = vector.broadcast %reduce_sum3A : i1 to vector<16xi1>
            %reduce_sum3A_259 = tpu.scan <sum>, %add3A_257 masked %reduce_sum3A_258 : vector<16xf32>, vector<16xi1> -> vector<16xf32>
            %reduce_sum3A_260 = vector.extract %reduce_sum3A_259[15] : f32 from vector<16xf32>
            %broadcast_in_dim3A_261 = vector.broadcast %reduce_sum3A_260 : f32 to vector<16xf32>
            %neg3A = arith.constant 0.000000e+00 : f32
            %neg3A_262 = vector.broadcast %neg3A : f32 to vector<16xf32>
            %neg3A_263 = arith.subf %neg3A_262, %broadcast_in_dim3A_261 : vector<16xf32>
            %exp3A = math.exp %neg3A_263 : vector<16xf32>
            %add3A_264 = arith.constant 1.000000e+00 : f32
            %add3A_265 = vector.broadcast %add3A_264 : f32 to vector<16xf32>
            %add3A_266 = arith.addf %add3A_265, %exp3A : vector<16xf32>
            %div3A_267 = arith.constant 1.000000e+00 : f32
            %div3A_268 = vector.broadcast %div3A_267 : f32 to vector<16xf32>
            %div3A_269 = arith.divf %div3A_268, %add3A_266 : vector<16xf32>
            %mul3A_270 = arith.mulf %div3A_269, %max3A_232 : vector<16xf32>
            %swap3A = arith.index_cast %scan3A_222 : i32 to index
            %swap3A_271 = arith.constant 0 : index
            %swap3A_272 = tpu.vector_load %arg19[%swap3A, %swap3A_271] {strides = array<i32>} : memref<128x48xf32, #tpu.memory_space<vmem>>, vector<16xf32>,
            tpu.vector_store %arg19[%swap3A, %swap3A_271], %mul3A_270 {strides = array<i32>} : memref<128x48xf32, #tpu.memory_space<vmem>>, vector<16xf32>,
            %mul3A_273 = arith.mulf %div3A_269, %max3A_242 : vector<16xf32>
            %swap3A_274 = arith.index_cast %scan3A_222 : i32 to index
            %swap3A_275 = arith.constant 16 : index
            %swap3A_276 = tpu.vector_load %arg19[%swap3A_274, %swap3A_275] {strides = array<i32>} : memref<128x48xf32, #tpu.memory_space<vmem>>, vector<16xf32>,
            tpu.vector_store %arg19[%swap3A_274, %swap3A_275], %mul3A_273 {strides = array<i32>} : memref<128x48xf32, #tpu.memory_space<vmem>>, vector<16xf32>,
            %mul3A_277 = arith.mulf %div3A_269, %max3A_252 : vector<16xf32>
            %swap3A_278 = arith.index_cast %scan3A_222 : i32 to index
            %swap3A_279 = arith.constant 32 : index
            %swap3A_280 = tpu.vector_load %arg19[%swap3A_278, %swap3A_279] {strides = array<i32>} : memref<128x48xf32, #tpu.memory_space<vmem>>, vector<16xf32>,
            tpu.vector_store %arg19[%swap3A_278, %swap3A_279], %mul3A_277 {strides = array<i32>} : memref<128x48xf32, #tpu.memory_space<vmem>>, vector<16xf32>,
            %scan3A_281 = arith.constant 0 : i32
            scf.yield %scan3A_281 : i32
          }
          %scan3A_221 = arith.constant 128 : i32
        } else {
        }
        %lt3A_186 = arith.cmpi slt, %add3A_153, %select_n3A : i32
        %ge3A_187 = arith.constant 1 : i32
        %ge3A_188 = arith.cmpi sge, %while3A_148, %ge3A_187 : i32
        %jit3A_189 = arith.constant 1 : i32
        %jit3A_190 = arith.constant 0 : i32
        %select_n3A_191 = arith.select %ge3A_188, %jit3A_189, %jit3A_190 : i32
        %sub3A_192 = arith.constant 1 : i32
        %sub3A_193 = arith.subi %sub3A_192, %select_n3A_191 : i32
        %jit3A_194 = arith.constant 0 : i32
        %select_n3A_195 = arith.select %lt3A_186, %sub3A_193, %jit3A_194 : i32
        %add3A_196 = arith.addi %sub3A_181, %select_n3A_195 : i32
        scf.yield %add3A_196 : i32
      }
      %while3A_145 = arith.constant 1 : i32
      %while3A_146 = scf.for %while3A_148 = %while3A_142 to %while3A_138 step %while3A_145 iter_args(%while3A_149 = %while3A_144) -> (i32)  : i32 {
        %mul3A_150 = arith.constant 2 : i32
        %mul3A_151 = arith.muli %mul3A_150, %while3A_148 : i32
        %add3A_152 = arith.constant 1 : i32
        %add3A_153 = arith.addi %mul3A_151, %add3A_152 : i32
        %lt3A = arith.cmpi slt, %add3A_153, %select_n3A : i32
        %convert_element_type3A_154 = arith.extui %lt3A : i1 to i32
        %cond3A_155 = arith.constant 0 : i32
        %cond3A_156 = arith.cmpi ne, %convert_element_type3A_154, %cond3A_155 : i32
        scf.if %cond3A_156 {
          %mul3A_197 = arith.constant 128 : i32
          %mul3A_198 = arith.muli %add3A_153, %mul3A_197 : i32
          %dma_start3A = tpu.memref_slice %arg11[%mul3A_198] : memref<2056xi32, #tpu.memory_space<vmem>> -> memref<128xi32, #tpu.memory_space<vmem>>
          %dma_start3A_199 = arith.constant 0 : i32
          %dma_start3A_200 = arith.constant 0 : i32
          %dma_start3A_201 = tpu.memref_slice %arg2[%dma_start3A_199, %dma_start3A_200] : memref<100000x48xf32, #tpu.memory_space<hbm>> -> memref<100000x48xf32, #tpu.memory_space<hbm>>
          tpu.enqueue_indirect_dma source(%dma_start3A_201 : memref<100000x48xf32, #tpu.memory_space<hbm>>) target(%arg15 : memref<128x48xf32, #tpu.memory_space<vmem>>) offsets(%dma_start3A : memref<128xi32, #tpu.memory_space<vmem>>) semaphore(%arg23 : memref<!tpu.dma_semaphore, #tpu.memory_space<semaphore_mem>>)
          %mul3A_202 = arith.constant 128 : i32
          %mul3A_203 = arith.muli %add3A_153, %mul3A_202 : i32
          %dma_start3A_204 = tpu.memref_slice %arg12[%mul3A_203] : memref<2056xi32, #tpu.memory_space<vmem>> -> memref<128xi32, #tpu.memory_space<vmem>>
          %dma_start3A_205 = arith.constant 0 : i32
          %dma_start3A_206 = arith.constant 0 : i32
          %dma_start3A_207 = tpu.memref_slice %arg3[%dma_start3A_205, %dma_start3A_206] : memref<100000x48xf32, #tpu.memory_space<hbm>> -> memref<100000x48xf32, #tpu.memory_space<hbm>>
          tpu.enqueue_indirect_dma source(%dma_start3A_207 : memref<100000x48xf32, #tpu.memory_space<hbm>>) target(%arg17 : memref<128x48xf32, #tpu.memory_space<vmem>>) offsets(%dma_start3A_204 : memref<128xi32, #tpu.memory_space<vmem>>) semaphore(%arg23 : memref<!tpu.dma_semaphore, #tpu.memory_space<semaphore_mem>>)
        } else {
        }
        %dma_wait3A = arith.constant 0 : i32
        %dma_wait3A_157 = arith.constant 0 : i32
        %dma_wait3A_158 = tpu.memref_slice %arg2[%dma_wait3A, %dma_wait3A_157] : memref<100000x48xf32, #tpu.memory_space<hbm>> -> memref<128x48xf32, #tpu.memory_space<hbm>>
        %dma_wait3A_159 = arith.constant 0 : i32
        %dma_wait3A_160 = arith.constant 0 : i32
        %dma_wait3A_161 = tpu.memref_slice %arg2[%dma_wait3A_159, %dma_wait3A_160] : memref<100000x48xf32, #tpu.memory_space<hbm>> -> memref<128x48xf32, #tpu.memory_space<hbm>>
        tpu.wait_dma2 semaphore(%arg22 : memref<!tpu.dma_semaphore, #tpu.memory_space<semaphore_mem>>) src(%dma_wait3A_161 : memref<128x48xf32, #tpu.memory_space<hbm>>) dst(%arg14 : memref<128x48xf32, #tpu.memory_space<vmem>>)
        %dma_wait3A_162 = arith.constant 0 : i32
        %dma_wait3A_163 = arith.constant 0 : i32
        %dma_wait3A_164 = tpu.memref_slice %arg2[%dma_wait3A_162, %dma_wait3A_163] : memref<100000x48xf32, #tpu.memory_space<hbm>> -> memref<128x48xf32, #tpu.memory_space<hbm>>
        %dma_wait3A_165 = arith.constant 0 : i32
        %dma_wait3A_166 = arith.constant 0 : i32
        %dma_wait3A_167 = tpu.memref_slice %arg2[%dma_wait3A_165, %dma_wait3A_166] : memref<100000x48xf32, #tpu.memory_space<hbm>> -> memref<128x48xf32, #tpu.memory_space<hbm>>
        tpu.wait_dma2 semaphore(%arg22 : memref<!tpu.dma_semaphore, #tpu.memory_space<semaphore_mem>>) src(%dma_wait3A_167 : memref<128x48xf32, #tpu.memory_space<hbm>>) dst(%arg16 : memref<128x48xf32, #tpu.memory_space<vmem>>)
        %scan3A_168 = arith.constant 0 : i32
        %scan3A_169 = arith.constant 0 : i32
        %scan3A_170 = arith.constant 128 : i32
        %scan3A_171 = arith.addi %scan3A_169, %scan3A_170 : i32
        %scan3A_172 = arith.constant 1 : i32
        %scan3A_173 = scf.for %scan3A_197 = %scan3A_169 to %scan3A_171 step %scan3A_172 iter_args(%scan3A_198 = %scan3A_168) -> (i32)  : i32 {
          %get3A_199 = arith.index_cast %scan3A_197 : i32 to index
          %get3A_200 = arith.constant 0 : index
          %get3A_201 = tpu.vector_load %arg14[%get3A_199, %get3A_200] {strides = array<i32>} : memref<128x48xf32, #tpu.memory_space<vmem>>, vector<16xf32>,
          %get3A_202 = arith.index_cast %scan3A_197 : i32 to index
          %get3A_203 = arith.constant 0 : index
          %get3A_204 = tpu.vector_load %arg16[%get3A_202, %get3A_203] {strides = array<i32>} : memref<128x48xf32, #tpu.memory_space<vmem>>, vector<16xf32>,
          %add3A_205 = arith.addf %get3A_201, %get3A_204 : vector<16xf32>
          %max3A = arith.constant 0.000000e+00 : f32
          %max3A_206 = vector.broadcast %max3A : f32 to vector<16xf32>
          %max3A_207 = arith.maximumf %add3A_205, %max3A_206 : vector<16xf32>
          %get3A_208 = arith.index_cast %scan3A_197 : i32 to index
          %get3A_209 = arith.constant 16 : index
          %get3A_210 = tpu.vector_load %arg14[%get3A_208, %get3A_209] {strides = array<i32>} : memref<128x48xf32, #tpu.memory_space<vmem>>, vector<16xf32>,
          %get3A_211 = arith.index_cast %scan3A_197 : i32 to index
          %get3A_212 = arith.constant 16 : index
          %get3A_213 = tpu.vector_load %arg16[%get3A_211, %get3A_212] {strides = array<i32>} : memref<128x48xf32, #tpu.memory_space<vmem>>, vector<16xf32>,
          %add3A_214 = arith.addf %get3A_210, %get3A_213 : vector<16xf32>
          %max3A_215 = arith.constant 0.000000e+00 : f32
          %max3A_216 = vector.broadcast %max3A_215 : f32 to vector<16xf32>
          %max3A_217 = arith.maximumf %add3A_214, %max3A_216 : vector<16xf32>
          %get3A_218 = arith.index_cast %scan3A_197 : i32 to index
          %get3A_219 = arith.constant 32 : index
          %get3A_220 = tpu.vector_load %arg14[%get3A_218, %get3A_219] {strides = array<i32>} : memref<128x48xf32, #tpu.memory_space<vmem>>, vector<16xf32>,
          %get3A_221 = arith.index_cast %scan3A_197 : i32 to index
          %get3A_222 = arith.constant 32 : index
          %get3A_223 = tpu.vector_load %arg16[%get3A_221, %get3A_222] {strides = array<i32>} : memref<128x48xf32, #tpu.memory_space<vmem>>, vector<16xf32>,
          %add3A_224 = arith.addf %get3A_220, %get3A_223 : vector<16xf32>
          %max3A_225 = arith.constant 0.000000e+00 : f32
          %max3A_226 = vector.broadcast %max3A_225 : f32 to vector<16xf32>
          %max3A_227 = arith.maximumf %add3A_224, %max3A_226 : vector<16xf32>
          %mul3A_228 = arith.mulf %max3A_207, %get3A_0 : vector<16xf32>
          %mul3A_229 = arith.mulf %max3A_217, %get3A_2 : vector<16xf32>
          %add3A_230 = arith.addf %mul3A_228, %mul3A_229 : vector<16xf32>
          %mul3A_231 = arith.mulf %max3A_227, %get3A_4 : vector<16xf32>
          %add3A_232 = arith.addf %add3A_230, %mul3A_231 : vector<16xf32>
          %reduce_sum3A = arith.constant true
          %reduce_sum3A_233 = vector.broadcast %reduce_sum3A : i1 to vector<16xi1>
          %reduce_sum3A_234 = tpu.scan <sum>, %add3A_232 masked %reduce_sum3A_233 : vector<16xf32>, vector<16xi1> -> vector<16xf32>
          %reduce_sum3A_235 = vector.extract %reduce_sum3A_234[15] : f32 from vector<16xf32>
          %broadcast_in_dim3A_236 = vector.broadcast %reduce_sum3A_235 : f32 to vector<16xf32>
          %neg3A = arith.constant 0.000000e+00 : f32
          %neg3A_237 = vector.broadcast %neg3A : f32 to vector<16xf32>
          %neg3A_238 = arith.subf %neg3A_237, %broadcast_in_dim3A_236 : vector<16xf32>
          %exp3A = math.exp %neg3A_238 : vector<16xf32>
          %add3A_239 = arith.constant 1.000000e+00 : f32
          %add3A_240 = vector.broadcast %add3A_239 : f32 to vector<16xf32>
          %add3A_241 = arith.addf %add3A_240, %exp3A : vector<16xf32>
          %div3A_242 = arith.constant 1.000000e+00 : f32
          %div3A_243 = vector.broadcast %div3A_242 : f32 to vector<16xf32>
          %div3A_244 = arith.divf %div3A_243, %add3A_241 : vector<16xf32>
          %mul3A_245 = arith.mulf %div3A_244, %max3A_207 : vector<16xf32>
          %swap3A = arith.index_cast %scan3A_197 : i32 to index
          %swap3A_246 = arith.constant 0 : index
          %swap3A_247 = tpu.vector_load %arg18[%swap3A, %swap3A_246] {strides = array<i32>} : memref<128x48xf32, #tpu.memory_space<vmem>>, vector<16xf32>,
          tpu.vector_store %arg18[%swap3A, %swap3A_246], %mul3A_245 {strides = array<i32>} : memref<128x48xf32, #tpu.memory_space<vmem>>, vector<16xf32>,
          %mul3A_248 = arith.mulf %div3A_244, %max3A_217 : vector<16xf32>
          %swap3A_249 = arith.index_cast %scan3A_197 : i32 to index
          %swap3A_250 = arith.constant 16 : index
          %swap3A_251 = tpu.vector_load %arg18[%swap3A_249, %swap3A_250] {strides = array<i32>} : memref<128x48xf32, #tpu.memory_space<vmem>>, vector<16xf32>,
          tpu.vector_store %arg18[%swap3A_249, %swap3A_250], %mul3A_248 {strides = array<i32>} : memref<128x48xf32, #tpu.memory_space<vmem>>, vector<16xf32>,
          %mul3A_252 = arith.mulf %div3A_244, %max3A_227 : vector<16xf32>
          %swap3A_253 = arith.index_cast %scan3A_197 : i32 to index
          %swap3A_254 = arith.constant 32 : index
          %swap3A_255 = tpu.vector_load %arg18[%swap3A_253, %swap3A_254] {strides = array<i32>} : memref<128x48xf32, #tpu.memory_space<vmem>>, vector<16xf32>,
          tpu.vector_store %arg18[%swap3A_253, %swap3A_254], %mul3A_252 {strides = array<i32>} : memref<128x48xf32, #tpu.memory_space<vmem>>, vector<16xf32>,
          %scan3A_256 = arith.constant 0 : i32
          scf.yield %scan3A_256 : i32
        }
        %scan3A_174 = arith.constant 128 : i32
        %add3A_175 = arith.constant 1 : i32
        %add3A_176 = arith.addi %while3A_149, %add3A_175 : i32
        %ge3A = arith.constant 1 : i32
        %ge3A_177 = arith.cmpi sge, %while3A_148, %ge3A : i32
        %jit3A_178 = arith.constant 1 : i32
        %jit3A_179 = arith.constant 0 : i32
        %select_n3A_180 = arith.select %ge3A_177, %jit3A_178, %jit3A_179 : i32
        %sub3A_181 = arith.subi %add3A_176, %select_n3A_180 : i32
        %lt3A_182 = arith.cmpi slt, %add3A_153, %select_n3A : i32
        %convert_element_type3A_183 = arith.extui %lt3A_182 : i1 to i32
        %cond3A_184 = arith.constant 0 : i32
        %cond3A_185 = arith.cmpi ne, %convert_element_type3A_183, %cond3A_184 : i32
        scf.if %cond3A_185 {
          %add3A_197 = arith.constant 1 : i32
          %add3A_198 = arith.addi %add3A_153, %add3A_197 : i32
          %lt3A_199 = arith.cmpi slt, %add3A_198, %select_n3A : i32
          %convert_element_type3A_200 = arith.extui %lt3A_199 : i1 to i32
          %cond3A_201 = arith.constant 0 : i32
          %cond3A_202 = arith.cmpi ne, %convert_element_type3A_200, %cond3A_201 : i32
          scf.if %cond3A_202 {
            %add3A_222 = arith.constant 1 : i32
            %add3A_223 = arith.addi %add3A_153, %add3A_222 : i32
            %mul3A_224 = arith.constant 128 : i32
            %mul3A_225 = arith.muli %add3A_223, %mul3A_224 : i32
            %dma_start3A = tpu.memref_slice %arg11[%mul3A_225] : memref<2056xi32, #tpu.memory_space<vmem>> -> memref<128xi32, #tpu.memory_space<vmem>>
            %dma_start3A_226 = arith.constant 0 : i32
            %dma_start3A_227 = arith.constant 0 : i32
            %dma_start3A_228 = tpu.memref_slice %arg2[%dma_start3A_226, %dma_start3A_227] : memref<100000x48xf32, #tpu.memory_space<hbm>> -> memref<100000x48xf32, #tpu.memory_space<hbm>>
            tpu.enqueue_indirect_dma source(%dma_start3A_228 : memref<100000x48xf32, #tpu.memory_space<hbm>>) target(%arg14 : memref<128x48xf32, #tpu.memory_space<vmem>>) offsets(%dma_start3A : memref<128xi32, #tpu.memory_space<vmem>>) semaphore(%arg22 : memref<!tpu.dma_semaphore, #tpu.memory_space<semaphore_mem>>)
            %mul3A_229 = arith.constant 128 : i32
            %mul3A_230 = arith.muli %add3A_223, %mul3A_229 : i32
            %dma_start3A_231 = tpu.memref_slice %arg12[%mul3A_230] : memref<2056xi32, #tpu.memory_space<vmem>> -> memref<128xi32, #tpu.memory_space<vmem>>
            %dma_start3A_232 = arith.constant 0 : i32
            %dma_start3A_233 = arith.constant 0 : i32
            %dma_start3A_234 = tpu.memref_slice %arg3[%dma_start3A_232, %dma_start3A_233] : memref<100000x48xf32, #tpu.memory_space<hbm>> -> memref<100000x48xf32, #tpu.memory_space<hbm>>
            tpu.enqueue_indirect_dma source(%dma_start3A_234 : memref<100000x48xf32, #tpu.memory_space<hbm>>) target(%arg16 : memref<128x48xf32, #tpu.memory_space<vmem>>) offsets(%dma_start3A_231 : memref<128xi32, #tpu.memory_space<vmem>>) semaphore(%arg22 : memref<!tpu.dma_semaphore, #tpu.memory_space<semaphore_mem>>)
          } else {
          }
          %dma_wait3A_203 = arith.constant 0 : i32
          %dma_wait3A_204 = arith.constant 0 : i32
          %dma_wait3A_205 = tpu.memref_slice %arg2[%dma_wait3A_203, %dma_wait3A_204] : memref<100000x48xf32, #tpu.memory_space<hbm>> -> memref<128x48xf32, #tpu.memory_space<hbm>>
          %dma_wait3A_206 = arith.constant 0 : i32
          %dma_wait3A_207 = arith.constant 0 : i32
          %dma_wait3A_208 = tpu.memref_slice %arg2[%dma_wait3A_206, %dma_wait3A_207] : memref<100000x48xf32, #tpu.memory_space<hbm>> -> memref<128x48xf32, #tpu.memory_space<hbm>>
          tpu.wait_dma2 semaphore(%arg23 : memref<!tpu.dma_semaphore, #tpu.memory_space<semaphore_mem>>) src(%dma_wait3A_208 : memref<128x48xf32, #tpu.memory_space<hbm>>) dst(%arg15 : memref<128x48xf32, #tpu.memory_space<vmem>>)
          %dma_wait3A_209 = arith.constant 0 : i32
          %dma_wait3A_210 = arith.constant 0 : i32
          %dma_wait3A_211 = tpu.memref_slice %arg2[%dma_wait3A_209, %dma_wait3A_210] : memref<100000x48xf32, #tpu.memory_space<hbm>> -> memref<128x48xf32, #tpu.memory_space<hbm>>
          %dma_wait3A_212 = arith.constant 0 : i32
          %dma_wait3A_213 = arith.constant 0 : i32
          %dma_wait3A_214 = tpu.memref_slice %arg2[%dma_wait3A_212, %dma_wait3A_213] : memref<100000x48xf32, #tpu.memory_space<hbm>> -> memref<128x48xf32, #tpu.memory_space<hbm>>
          tpu.wait_dma2 semaphore(%arg23 : memref<!tpu.dma_semaphore, #tpu.memory_space<semaphore_mem>>) src(%dma_wait3A_214 : memref<128x48xf32, #tpu.memory_space<hbm>>) dst(%arg17 : memref<128x48xf32, #tpu.memory_space<vmem>>)
          %scan3A_215 = arith.constant 0 : i32
          %scan3A_216 = arith.constant 0 : i32
          %scan3A_217 = arith.constant 128 : i32
          %scan3A_218 = arith.addi %scan3A_216, %scan3A_217 : i32
          %scan3A_219 = arith.constant 1 : i32
          %scan3A_220 = scf.for %scan3A_222 = %scan3A_216 to %scan3A_218 step %scan3A_219 iter_args(%scan3A_223 = %scan3A_215) -> (i32)  : i32 {
            %get3A_224 = arith.index_cast %scan3A_222 : i32 to index
            %get3A_225 = arith.constant 0 : index
            %get3A_226 = tpu.vector_load %arg15[%get3A_224, %get3A_225] {strides = array<i32>} : memref<128x48xf32, #tpu.memory_space<vmem>>, vector<16xf32>,
            %get3A_227 = arith.index_cast %scan3A_222 : i32 to index
            %get3A_228 = arith.constant 0 : index
            %get3A_229 = tpu.vector_load %arg17[%get3A_227, %get3A_228] {strides = array<i32>} : memref<128x48xf32, #tpu.memory_space<vmem>>, vector<16xf32>,
            %add3A_230 = arith.addf %get3A_226, %get3A_229 : vector<16xf32>
            %max3A = arith.constant 0.000000e+00 : f32
            %max3A_231 = vector.broadcast %max3A : f32 to vector<16xf32>
            %max3A_232 = arith.maximumf %add3A_230, %max3A_231 : vector<16xf32>
            %get3A_233 = arith.index_cast %scan3A_222 : i32 to index
            %get3A_234 = arith.constant 16 : index
            %get3A_235 = tpu.vector_load %arg15[%get3A_233, %get3A_234] {strides = array<i32>} : memref<128x48xf32, #tpu.memory_space<vmem>>, vector<16xf32>,
            %get3A_236 = arith.index_cast %scan3A_222 : i32 to index
            %get3A_237 = arith.constant 16 : index
            %get3A_238 = tpu.vector_load %arg17[%get3A_236, %get3A_237] {strides = array<i32>} : memref<128x48xf32, #tpu.memory_space<vmem>>, vector<16xf32>,
            %add3A_239 = arith.addf %get3A_235, %get3A_238 : vector<16xf32>
            %max3A_240 = arith.constant 0.000000e+00 : f32
            %max3A_241 = vector.broadcast %max3A_240 : f32 to vector<16xf32>
            %max3A_242 = arith.maximumf %add3A_239, %max3A_241 : vector<16xf32>
            %get3A_243 = arith.index_cast %scan3A_222 : i32 to index
            %get3A_244 = arith.constant 32 : index
            %get3A_245 = tpu.vector_load %arg15[%get3A_243, %get3A_244] {strides = array<i32>} : memref<128x48xf32, #tpu.memory_space<vmem>>, vector<16xf32>,
            %get3A_246 = arith.index_cast %scan3A_222 : i32 to index
            %get3A_247 = arith.constant 32 : index
            %get3A_248 = tpu.vector_load %arg17[%get3A_246, %get3A_247] {strides = array<i32>} : memref<128x48xf32, #tpu.memory_space<vmem>>, vector<16xf32>,
            %add3A_249 = arith.addf %get3A_245, %get3A_248 : vector<16xf32>
            %max3A_250 = arith.constant 0.000000e+00 : f32
            %max3A_251 = vector.broadcast %max3A_250 : f32 to vector<16xf32>
            %max3A_252 = arith.maximumf %add3A_249, %max3A_251 : vector<16xf32>
            %mul3A_253 = arith.mulf %max3A_232, %get3A_0 : vector<16xf32>
            %mul3A_254 = arith.mulf %max3A_242, %get3A_2 : vector<16xf32>
            %add3A_255 = arith.addf %mul3A_253, %mul3A_254 : vector<16xf32>
            %mul3A_256 = arith.mulf %max3A_252, %get3A_4 : vector<16xf32>
            %add3A_257 = arith.addf %add3A_255, %mul3A_256 : vector<16xf32>
            %reduce_sum3A = arith.constant true
            %reduce_sum3A_258 = vector.broadcast %reduce_sum3A : i1 to vector<16xi1>
            %reduce_sum3A_259 = tpu.scan <sum>, %add3A_257 masked %reduce_sum3A_258 : vector<16xf32>, vector<16xi1> -> vector<16xf32>
            %reduce_sum3A_260 = vector.extract %reduce_sum3A_259[15] : f32 from vector<16xf32>
            %broadcast_in_dim3A_261 = vector.broadcast %reduce_sum3A_260 : f32 to vector<16xf32>
            %neg3A = arith.constant 0.000000e+00 : f32
            %neg3A_262 = vector.broadcast %neg3A : f32 to vector<16xf32>
            %neg3A_263 = arith.subf %neg3A_262, %broadcast_in_dim3A_261 : vector<16xf32>
            %exp3A = math.exp %neg3A_263 : vector<16xf32>
            %add3A_264 = arith.constant 1.000000e+00 : f32
            %add3A_265 = vector.broadcast %add3A_264 : f32 to vector<16xf32>
            %add3A_266 = arith.addf %add3A_265, %exp3A : vector<16xf32>
            %div3A_267 = arith.constant 1.000000e+00 : f32
            %div3A_268 = vector.broadcast %div3A_267 : f32 to vector<16xf32>
            %div3A_269 = arith.divf %div3A_268, %add3A_266 : vector<16xf32>
            %mul3A_270 = arith.mulf %div3A_269, %max3A_232 : vector<16xf32>
            %swap3A = arith.index_cast %scan3A_222 : i32 to index
            %swap3A_271 = arith.constant 0 : index
            %swap3A_272 = tpu.vector_load %arg19[%swap3A, %swap3A_271] {strides = array<i32>} : memref<128x48xf32, #tpu.memory_space<vmem>>, vector<16xf32>,
            tpu.vector_store %arg19[%swap3A, %swap3A_271], %mul3A_270 {strides = array<i32>} : memref<128x48xf32, #tpu.memory_space<vmem>>, vector<16xf32>,
            %mul3A_273 = arith.mulf %div3A_269, %max3A_242 : vector<16xf32>
            %swap3A_274 = arith.index_cast %scan3A_222 : i32 to index
            %swap3A_275 = arith.constant 16 : index
            %swap3A_276 = tpu.vector_load %arg19[%swap3A_274, %swap3A_275] {strides = array<i32>} : memref<128x48xf32, #tpu.memory_space<vmem>>, vector<16xf32>,
            tpu.vector_store %arg19[%swap3A_274, %swap3A_275], %mul3A_273 {strides = array<i32>} : memref<128x48xf32, #tpu.memory_space<vmem>>, vector<16xf32>,
            %mul3A_277 = arith.mulf %div3A_269, %max3A_252 : vector<16xf32>
            %swap3A_278 = arith.index_cast %scan3A_222 : i32 to index
            %swap3A_279 = arith.constant 32 : index
            %swap3A_280 = tpu.vector_load %arg19[%swap3A_278, %swap3A_279] {strides = array<i32>} : memref<128x48xf32, #tpu.memory_space<vmem>>, vector<16xf32>,
            tpu.vector_store %arg19[%swap3A_278, %swap3A_279], %mul3A_277 {strides = array<i32>} : memref<128x48xf32, #tpu.memory_space<vmem>>, vector<16xf32>,
            %scan3A_281 = arith.constant 0 : i32
            scf.yield %scan3A_281 : i32
          }
          %scan3A_221 = arith.constant 128 : i32
        } else {
        }
        %lt3A_186 = arith.cmpi slt, %add3A_153, %select_n3A : i32
        %ge3A_187 = arith.constant 1 : i32
        %ge3A_188 = arith.cmpi sge, %while3A_148, %ge3A_187 : i32
        %jit3A_189 = arith.constant 1 : i32
        %jit3A_190 = arith.constant 0 : i32
        %select_n3A_191 = arith.select %ge3A_188, %jit3A_189, %jit3A_190 : i32
        %sub3A_192 = arith.constant 1 : i32
        %sub3A_193 = arith.subi %sub3A_192, %select_n3A_191 : i32
        %jit3A_194 = arith.constant 0 : i32
        %select_n3A_195 = arith.select %lt3A_186, %sub3A_193, %jit3A_194 : i32
        %add3A_196 = arith.addi %sub3A_181, %select_n3A_195 : i32
        scf.yield %add3A_196 : i32
      }
      %scan3A_147 = arith.constant 0 : i32
      scf.yield %scan3A_147 : i32
    }
    %scan3A_55 = arith.constant 50 : i32
    %barrier3A_56 = arith.constant 0 : index
    tpu.barrier barrier_id(%barrier3A_56)
    %mul3A_57 = arith.constant 2 : i32
    %mul3A_58 = arith.muli %mul3A_57, %arg0 : i32
    %add3A_59 = arith.constant 1 : i32
    %add3A_60 = arith.addi %mul3A_58, %add3A_59 : i32
    %mul3A_61 = arith.constant 25088 : i32
    %mul3A_62 = arith.muli %add3A_60, %mul3A_61 : i32
    %mul3A_63 = arith.constant 1568 : i32
    %mul3A_64 = arith.muli %arg1, %mul3A_63 : i32
    %add3A_65 = arith.addi %mul3A_62, %mul3A_64 : i32
    %mul3A_66 = arith.constant 1568 : i32
    %mul3A_67 = arith.muli %arg1, %mul3A_66 : i32
    "tpu.region"() ({
      %run_scoped3A = tpu.sem_alloc : memref<!tpu.dma_semaphore, #tpu.memory_space<semaphore_mem>>
      %dma_start3A = arith.constant 0 : i32
      %dma_start3A_69 = tpu.memref_slice %arg8[%add3A_65, %dma_start3A] : memref<100352x48xf32, #tpu.memory_space<hbm>> -> memref<1568x48xf32, #tpu.memory_space<hbm>>
      %dma_start3A_70 = arith.constant 0 : i32
      %dma_start3A_71 = tpu.memref_slice %arg21[%mul3A_67, %dma_start3A_70] : memref<25096x48xf32, #tpu.memory_space<vmem_shared>> -> memref<1568x48xf32, #tpu.memory_space<vmem_shared>>
      tpu.enqueue_dma source(%dma_start3A_71 : memref<1568x48xf32, #tpu.memory_space<vmem_shared>>) target(%dma_start3A_69 : memref<1568x48xf32, #tpu.memory_space<hbm>>) target_semaphore(%run_scoped3A : memref<!tpu.dma_semaphore, #tpu.memory_space<semaphore_mem>>)
      %dma_wait3A = arith.constant 0 : i32
      %dma_wait3A_72 = tpu.memref_slice %arg8[%add3A_65, %dma_wait3A] : memref<100352x48xf32, #tpu.memory_space<hbm>> -> memref<1568x48xf32, #tpu.memory_space<hbm>>
      %dma_wait3A_73 = arith.constant 0 : i32
      %dma_wait3A_74 = tpu.memref_slice %arg21[%mul3A_67, %dma_wait3A_73] : memref<25096x48xf32, #tpu.memory_space<vmem_shared>> -> memref<1568x48xf32, #tpu.memory_space<vmem_shared>>
      tpu.wait_dma2 semaphore(%run_scoped3A : memref<!tpu.dma_semaphore, #tpu.memory_space<semaphore_mem>>) src(%dma_wait3A_74 : memref<1568x48xf32, #tpu.memory_space<vmem_shared>>) dst(%dma_wait3A_72 : memref<1568x48xf32, #tpu.memory_space<hbm>>)
      tpu.yield
    }) : () -> ()
    %barrier3A_68 = arith.constant 0 : index
    tpu.barrier barrier_id(%barrier3A_68)
    return
  }
}

module attributes {stable_mosaic.version = 14 : i64} {
  func.func @_dense1_body(%arg0: i32, %arg1: memref<2000x48xf32, #tpu.memory_space<vmem>>, %arg2: memref<48x48xf32, #tpu.memory_space<vmem>>, %arg3: memref<1x48xf32, #tpu.memory_space<vmem>>, %arg4: memref<48x48xf32, #tpu.memory_space<vmem>>, %arg5: memref<48x48xf32, #tpu.memory_space<vmem>>, %arg6: memref<1x48xf32, #tpu.memory_space<vmem>>, %arg7: memref<2000x48xf32, #tpu.memory_space<vmem>>, %arg8: memref<2000x48xf32, #tpu.memory_space<vmem>>, %arg9: memref<2000x48xf32, #tpu.memory_space<vmem>>) attributes {dimension_semantics = [#tpu.dimension_semantics<arbitrary>], iteration_bounds = array<i64: 50>, scalar_prefetch = 0 : i64, scratch_operands = 0 : i64, tpu.core_type = #tpu.core_type<tc>, window_params = [{transform_indices = @transform_0, window_bounds = array<i64: 2000, 48>}, {pipeline_mode = #tpu.pipeline_mode<synchronous>, transform_indices = @transform_1, window_bounds = array<i64: 48, 48>}, {pipeline_mode = #tpu.pipeline_mode<synchronous>, transform_indices = @transform_2, window_bounds = array<i64: 1, 48>}, {pipeline_mode = #tpu.pipeline_mode<synchronous>, transform_indices = @transform_3, window_bounds = array<i64: 48, 48>}, {pipeline_mode = #tpu.pipeline_mode<synchronous>, transform_indices = @transform_4, window_bounds = array<i64: 48, 48>}, {pipeline_mode = #tpu.pipeline_mode<synchronous>, transform_indices = @transform_5, window_bounds = array<i64: 1, 48>}, {transform_indices = @transform_6, window_bounds = array<i64: 2000, 48>}, {transform_indices = @transform_7, window_bounds = array<i64: 2000, 48>}, {transform_indices = @transform_8, window_bounds = array<i64: 2000, 48>}]} {
    %get3A = arith.constant 0 : index
    %get3A_0 = arith.constant 0 : index
    %get3A_1 = vector.load %arg1[%get3A, %get3A_0] : memref<2000x48xf32, #tpu.memory_space<vmem>>, vector<2000x48xf32>
    %get3A_2 = arith.constant 0 : index
    %get3A_3 = arith.constant 0 : index
    %get3A_4 = vector.load %arg2[%get3A_2, %get3A_3] : memref<48x48xf32, #tpu.memory_space<vmem>>, vector<48x48xf32>
    %dot_general3A = arith.constant dense<0.000000e+00> : vector<2000x48xf32>
    %dot_general3A_5 = tpu.matmul %get3A_1, %get3A_4, %dot_general3A {dimension_numbers = #tpu.dot_dimension_numbers<[1], [0], [0], [1], [0, 0, 1, 1], [], []>, transpose_lhs_hint = false} : vector<2000x48xf32>, vector<48x48xf32>, vector<2000x48xf32> -> vector<2000x48xf32>
    %get3A_6 = arith.constant 0 : index
    %get3A_7 = arith.constant 0 : index
    %get3A_8 = vector.load %arg3[%get3A_6, %get3A_7] : memref<1x48xf32, #tpu.memory_space<vmem>>, vector<1x48xf32>
    %add3A = vector.broadcast %get3A_8 : vector<1x48xf32> to vector<2000x48xf32>
    %add3A_9 = arith.addf %dot_general3A_5, %add3A : vector<2000x48xf32>
    %max3A = arith.constant 0.000000e+00 : f32
    %max3A_10 = vector.broadcast %max3A : f32 to vector<2000x48xf32>
    %max3A_11 = arith.maximumf %add3A_9, %max3A_10 : vector<2000x48xf32>
    %swap3A = arith.constant 0 : index
    %swap3A_12 = arith.constant 0 : index
    %swap3A_13 = vector.load %arg7[%swap3A, %swap3A_12] : memref<2000x48xf32, #tpu.memory_space<vmem>>, vector<2000x48xf32>
    tpu.vector_store %arg7[%swap3A, %swap3A_12], %max3A_11 {strides = array<i32>} : memref<2000x48xf32, #tpu.memory_space<vmem>>, vector<2000x48xf32>,
    %get3A_14 = arith.constant 0 : index
    %get3A_15 = arith.constant 0 : index
    %get3A_16 = vector.load %arg4[%get3A_14, %get3A_15] : memref<48x48xf32, #tpu.memory_space<vmem>>, vector<48x48xf32>
    %dot_general3A_17 = arith.constant dense<0.000000e+00> : vector<2000x48xf32>
    %dot_general3A_18 = tpu.matmul %max3A_11, %get3A_16, %dot_general3A_17 {dimension_numbers = #tpu.dot_dimension_numbers<[1], [0], [0], [1], [0, 0, 1, 1], [], []>, transpose_lhs_hint = false} : vector<2000x48xf32>, vector<48x48xf32>, vector<2000x48xf32> -> vector<2000x48xf32>
    %swap3A_19 = arith.constant 0 : index
    %swap3A_20 = arith.constant 0 : index
    %swap3A_21 = vector.load %arg8[%swap3A_19, %swap3A_20] : memref<2000x48xf32, #tpu.memory_space<vmem>>, vector<2000x48xf32>
    tpu.vector_store %arg8[%swap3A_19, %swap3A_20], %dot_general3A_18 {strides = array<i32>} : memref<2000x48xf32, #tpu.memory_space<vmem>>, vector<2000x48xf32>,
    %get3A_22 = arith.constant 0 : index
    %get3A_23 = arith.constant 0 : index
    %get3A_24 = vector.load %arg5[%get3A_22, %get3A_23] : memref<48x48xf32, #tpu.memory_space<vmem>>, vector<48x48xf32>
    %dot_general3A_25 = arith.constant dense<0.000000e+00> : vector<2000x48xf32>
    %dot_general3A_26 = tpu.matmul %max3A_11, %get3A_24, %dot_general3A_25 {dimension_numbers = #tpu.dot_dimension_numbers<[1], [0], [0], [1], [0, 0, 1, 1], [], []>, transpose_lhs_hint = false} : vector<2000x48xf32>, vector<48x48xf32>, vector<2000x48xf32> -> vector<2000x48xf32>
    %get3A_27 = arith.constant 0 : index
    %get3A_28 = arith.constant 0 : index
    %get3A_29 = vector.load %arg6[%get3A_27, %get3A_28] : memref<1x48xf32, #tpu.memory_space<vmem>>, vector<1x48xf32>
    %add3A_30 = vector.broadcast %get3A_29 : vector<1x48xf32> to vector<2000x48xf32>
    %add3A_31 = arith.addf %dot_general3A_26, %add3A_30 : vector<2000x48xf32>
    %swap3A_32 = arith.constant 0 : index
    %swap3A_33 = arith.constant 0 : index
    %swap3A_34 = vector.load %arg9[%swap3A_32, %swap3A_33] : memref<2000x48xf32, #tpu.memory_space<vmem>>, vector<2000x48xf32>
    tpu.vector_store %arg9[%swap3A_32, %swap3A_33], %add3A_31 {strides = array<i32>} : memref<2000x48xf32, #tpu.memory_space<vmem>>, vector<2000x48xf32>,
    return
  }
  func.func @transform_0(%arg0: i32) -> (i32, i32) {
    %c0_i32 = arith.constant 0 : i32
    %c0_i32_0 = arith.constant 0 : i32
    return %arg0, %c0_i32 : i32, i32
  }
  func.func @transform_1(%arg0: i32) -> (i32, i32) {
    %c0_i32 = arith.constant 0 : i32
    %c0_i32_0 = arith.constant 0 : i32
    %c0_i32_1 = arith.constant 0 : i32
    return %c0_i32, %c0_i32_0 : i32, i32
  }
  func.func @transform_2(%arg0: i32) -> (i32, i32) {
    %c0_i32 = arith.constant 0 : i32
    %c0_i32_0 = arith.constant 0 : i32
    %c0_i32_1 = arith.constant 0 : i32
    return %c0_i32, %c0_i32_0 : i32, i32
  }
  func.func @transform_3(%arg0: i32) -> (i32, i32) {
    %c0_i32 = arith.constant 0 : i32
    %c0_i32_0 = arith.constant 0 : i32
    %c0_i32_1 = arith.constant 0 : i32
    return %c0_i32, %c0_i32_0 : i32, i32
  }
  func.func @transform_4(%arg0: i32) -> (i32, i32) {
    %c0_i32 = arith.constant 0 : i32
    %c0_i32_0 = arith.constant 0 : i32
    %c0_i32_1 = arith.constant 0 : i32
    return %c0_i32, %c0_i32_0 : i32, i32
  }
  func.func @transform_5(%arg0: i32) -> (i32, i32) {
    %c0_i32 = arith.constant 0 : i32
    %c0_i32_0 = arith.constant 0 : i32
    %c0_i32_1 = arith.constant 0 : i32
    return %c0_i32, %c0_i32_0 : i32, i32
  }
  func.func @transform_6(%arg0: i32) -> (i32, i32) {
    %c0_i32 = arith.constant 0 : i32
    %c0_i32_0 = arith.constant 0 : i32
    return %arg0, %c0_i32 : i32, i32
  }
  func.func @transform_7(%arg0: i32) -> (i32, i32) {
    %c0_i32 = arith.constant 0 : i32
    %c0_i32_0 = arith.constant 0 : i32
    return %arg0, %c0_i32 : i32, i32
  }
  func.func @transform_8(%arg0: i32) -> (i32, i32) {
    %c0_i32 = arith.constant 0 : i32
    %c0_i32_0 = arith.constant 0 : i32
    return %arg0, %c0_i32 : i32, i32
  }
}

module attributes {stable_mosaic.version = 14 : i64} {
  func.func @_dense2_body(%arg0: i32, %arg1: memref<2000x48xf32, #tpu.memory_space<vmem>>, %arg2: memref<2000x48xf32, #tpu.memory_space<vmem>>, %arg3: memref<48x48xf32, #tpu.memory_space<vmem>>, %arg4: memref<48x48xf32, #tpu.memory_space<vmem>>, %arg5: memref<1x48xf32, #tpu.memory_space<vmem>>, %arg6: memref<2000x48xf32, #tpu.memory_space<vmem>>, %arg7: memref<1x48xf32, #tpu.memory_space<vmem>>) attributes {dimension_semantics = [#tpu.dimension_semantics<arbitrary>], iteration_bounds = array<i64: 50>, scalar_prefetch = 0 : i64, scratch_operands = 0 : i64, tpu.core_type = #tpu.core_type<tc>, window_params = [{transform_indices = @transform_0, window_bounds = array<i64: 2000, 48>}, {transform_indices = @transform_1, window_bounds = array<i64: 2000, 48>}, {pipeline_mode = #tpu.pipeline_mode<synchronous>, transform_indices = @transform_2, window_bounds = array<i64: 48, 48>}, {pipeline_mode = #tpu.pipeline_mode<synchronous>, transform_indices = @transform_3, window_bounds = array<i64: 48, 48>}, {pipeline_mode = #tpu.pipeline_mode<synchronous>, transform_indices = @transform_4, window_bounds = array<i64: 1, 48>}, {transform_indices = @transform_5, window_bounds = array<i64: 2000, 48>}, {pipeline_mode = #tpu.pipeline_mode<synchronous>, transform_indices = @transform_6, window_bounds = array<i64: 1, 48>}]} {
    %get3A = arith.constant 0 : index
    %get3A_0 = arith.constant 0 : index
    %get3A_1 = vector.load %arg1[%get3A, %get3A_0] : memref<2000x48xf32, #tpu.memory_space<vmem>>, vector<2000x48xf32>
    %get3A_2 = arith.constant 0 : index
    %get3A_3 = arith.constant 0 : index
    %get3A_4 = vector.load %arg3[%get3A_2, %get3A_3] : memref<48x48xf32, #tpu.memory_space<vmem>>, vector<48x48xf32>
    %dot_general3A = arith.constant dense<0.000000e+00> : vector<2000x48xf32>
    %dot_general3A_5 = tpu.matmul %get3A_1, %get3A_4, %dot_general3A {dimension_numbers = #tpu.dot_dimension_numbers<[1], [0], [0], [1], [0, 0, 1, 1], [], []>, transpose_lhs_hint = false} : vector<2000x48xf32>, vector<48x48xf32>, vector<2000x48xf32> -> vector<2000x48xf32>
    %get3A_6 = arith.constant 0 : index
    %get3A_7 = arith.constant 0 : index
    %get3A_8 = vector.load %arg2[%get3A_6, %get3A_7] : memref<2000x48xf32, #tpu.memory_space<vmem>>, vector<2000x48xf32>
    %get3A_9 = arith.constant 0 : index
    %get3A_10 = arith.constant 0 : index
    %get3A_11 = vector.load %arg4[%get3A_9, %get3A_10] : memref<48x48xf32, #tpu.memory_space<vmem>>, vector<48x48xf32>
    %dot_general3A_12 = arith.constant dense<0.000000e+00> : vector<2000x48xf32>
    %dot_general3A_13 = tpu.matmul %get3A_8, %get3A_11, %dot_general3A_12 {dimension_numbers = #tpu.dot_dimension_numbers<[1], [0], [0], [1], [0, 0, 1, 1], [], []>, transpose_lhs_hint = false} : vector<2000x48xf32>, vector<48x48xf32>, vector<2000x48xf32> -> vector<2000x48xf32>
    %add3A = arith.addf %dot_general3A_5, %dot_general3A_13 : vector<2000x48xf32>
    %get3A_14 = arith.constant 0 : index
    %get3A_15 = arith.constant 0 : index
    %get3A_16 = vector.load %arg5[%get3A_14, %get3A_15] : memref<1x48xf32, #tpu.memory_space<vmem>>, vector<1x48xf32>
    %add3A_17 = vector.broadcast %get3A_16 : vector<1x48xf32> to vector<2000x48xf32>
    %add3A_18 = arith.addf %add3A, %add3A_17 : vector<2000x48xf32>
    %max3A = arith.constant 0.000000e+00 : f32
    %max3A_19 = vector.broadcast %max3A : f32 to vector<2000x48xf32>
    %max3A_20 = arith.maximumf %add3A_18, %max3A_19 : vector<2000x48xf32>
    %swap3A = arith.constant 0 : index
    %swap3A_21 = arith.constant 0 : index
    %swap3A_22 = vector.load %arg6[%swap3A, %swap3A_21] : memref<2000x48xf32, #tpu.memory_space<vmem>>, vector<2000x48xf32>
    tpu.vector_store %arg6[%swap3A, %swap3A_21], %max3A_20 {strides = array<i32>} : memref<2000x48xf32, #tpu.memory_space<vmem>>, vector<2000x48xf32>,
    %eq3A = arith.constant 0 : i32
    %eq3A_23 = arith.cmpi eq, %arg0, %eq3A : i32
    %convert_element_type3A = arith.extui %eq3A_23 : i1 to i32
    %cond3A = arith.constant 0 : i32
    %cond3A_24 = arith.cmpi ne, %convert_element_type3A, %cond3A : i32
    scf.if %cond3A_24 {
      %broadcast_in_dim3A_33 = arith.constant 0.000000e+00 : f32
      %broadcast_in_dim3A_34 = vector.broadcast %broadcast_in_dim3A_33 : f32 to vector<1x48xf32>
      %swap3A_35 = arith.constant 0 : index
      %swap3A_36 = arith.constant 0 : index
      %swap3A_37 = vector.load %arg7[%swap3A_35, %swap3A_36] : memref<1x48xf32, #tpu.memory_space<vmem>>, vector<1x48xf32>
      tpu.vector_store %arg7[%swap3A_35, %swap3A_36], %broadcast_in_dim3A_34 {strides = array<i32>} : memref<1x48xf32, #tpu.memory_space<vmem>>, vector<1x48xf32>,
    } else {
    }
    %get3A_25 = arith.constant 0 : index
    %get3A_26 = arith.constant 0 : index
    %get3A_27 = vector.load %arg7[%get3A_25, %get3A_26] : memref<1x48xf32, #tpu.memory_space<vmem>>, vector<1x48xf32>
    %reduce_sum3A = arith.constant dense<0.000000e+00> : vector<48xf32>
    %reduce_sum3A_28 = vector.multi_reduction <add>, %max3A_20, %reduce_sum3A [0] : vector<2000x48xf32> to vector<48xf32>
    %broadcast_in_dim3A = vector.shape_cast %reduce_sum3A_28 : vector<48xf32> to vector<1x48xf32>
    %add3A_29 = arith.addf %get3A_27, %broadcast_in_dim3A : vector<1x48xf32>
    %swap3A_30 = arith.constant 0 : index
    %swap3A_31 = arith.constant 0 : index
    %swap3A_32 = vector.load %arg7[%swap3A_30, %swap3A_31] : memref<1x48xf32, #tpu.memory_space<vmem>>, vector<1x48xf32>
    tpu.vector_store %arg7[%swap3A_30, %swap3A_31], %add3A_29 {strides = array<i32>} : memref<1x48xf32, #tpu.memory_space<vmem>>, vector<1x48xf32>,
    return
  }
  func.func @transform_0(%arg0: i32) -> (i32, i32) {
    %c0_i32 = arith.constant 0 : i32
    %c0_i32_0 = arith.constant 0 : i32
    return %arg0, %c0_i32 : i32, i32
  }
  func.func @transform_1(%arg0: i32) -> (i32, i32) {
    %c0_i32 = arith.constant 0 : i32
    %c0_i32_0 = arith.constant 0 : i32
    return %arg0, %c0_i32 : i32, i32
  }
  func.func @transform_2(%arg0: i32) -> (i32, i32) {
    %c0_i32 = arith.constant 0 : i32
    %c0_i32_0 = arith.constant 0 : i32
    %c0_i32_1 = arith.constant 0 : i32
    return %c0_i32, %c0_i32_0 : i32, i32
  }
  func.func @transform_3(%arg0: i32) -> (i32, i32) {
    %c0_i32 = arith.constant 0 : i32
    %c0_i32_0 = arith.constant 0 : i32
    %c0_i32_1 = arith.constant 0 : i32
    return %c0_i32, %c0_i32_0 : i32, i32
  }
  func.func @transform_4(%arg0: i32) -> (i32, i32) {
    %c0_i32 = arith.constant 0 : i32
    %c0_i32_0 = arith.constant 0 : i32
    %c0_i32_1 = arith.constant 0 : i32
    return %c0_i32, %c0_i32_0 : i32, i32
  }
  func.func @transform_5(%arg0: i32) -> (i32, i32) {
    %c0_i32 = arith.constant 0 : i32
    %c0_i32_0 = arith.constant 0 : i32
    return %arg0, %c0_i32 : i32, i32
  }
  func.func @transform_6(%arg0: i32) -> (i32, i32) {
    %c0_i32 = arith.constant 0 : i32
    %c0_i32_0 = arith.constant 0 : i32
    %c0_i32_1 = arith.constant 0 : i32
    return %c0_i32, %c0_i32_0 : i32, i32
  }
}

module attributes {stable_mosaic.version = 14 : i64} {
  func.func @_dense3_body(%arg0: i32, %arg1: memref<2000x48xf32, #tpu.memory_space<vmem>>, %arg2: memref<1x48xf32, #tpu.memory_space<vmem>>, %arg3: memref<48x48xf32, #tpu.memory_space<vmem>>, %arg4: memref<1x48xf32, #tpu.memory_space<vmem>>, %arg5: memref<48x1xf32, #tpu.memory_space<vmem>>, %arg6: memref<1x1xf32, #tpu.memory_space<vmem>>, %arg7: memref<2000x1xf32, #tpu.memory_space<vmem>>) attributes {dimension_semantics = [#tpu.dimension_semantics<arbitrary>], iteration_bounds = array<i64: 50>, scalar_prefetch = 0 : i64, scratch_operands = 0 : i64, tpu.core_type = #tpu.core_type<tc>, window_params = [{transform_indices = @transform_0, window_bounds = array<i64: 2000, 48>}, {pipeline_mode = #tpu.pipeline_mode<synchronous>, transform_indices = @transform_1, window_bounds = array<i64: 1, 48>}, {pipeline_mode = #tpu.pipeline_mode<synchronous>, transform_indices = @transform_2, window_bounds = array<i64: 48, 48>}, {pipeline_mode = #tpu.pipeline_mode<synchronous>, transform_indices = @transform_3, window_bounds = array<i64: 1, 48>}, {pipeline_mode = #tpu.pipeline_mode<synchronous>, transform_indices = @transform_4, window_bounds = array<i64: 48, 1>}, {pipeline_mode = #tpu.pipeline_mode<synchronous>, transform_indices = @transform_5, window_bounds = array<i64: 1, 1>}, {transform_indices = @transform_6, window_bounds = array<i64: 2000, 1>}]} {
    %get3A = arith.constant 0 : index
    %get3A_0 = arith.constant 0 : index
    %get3A_1 = vector.load %arg2[%get3A, %get3A_0] : memref<1x48xf32, #tpu.memory_space<vmem>>, vector<1x48xf32>
    %mul3A = arith.constant 9.99999974E-6 : f32
    %mul3A_2 = vector.broadcast %mul3A : f32 to vector<1x48xf32>
    %mul3A_3 = arith.mulf %get3A_1, %mul3A_2 : vector<1x48xf32>
    %get3A_4 = arith.constant 0 : index
    %get3A_5 = arith.constant 0 : index
    %get3A_6 = vector.load %arg3[%get3A_4, %get3A_5] : memref<48x48xf32, #tpu.memory_space<vmem>>, vector<48x48xf32>
    %dot_general3A = arith.constant dense<0.000000e+00> : vector<1x48xf32>
    %dot_general3A_7 = tpu.matmul %mul3A_3, %get3A_6, %dot_general3A {dimension_numbers = #tpu.dot_dimension_numbers<[1], [0], [0], [1], [0, 0, 1, 1], [], []>, transpose_lhs_hint = false} : vector<1x48xf32>, vector<48x48xf32>, vector<1x48xf32> -> vector<1x48xf32>
    %get3A_8 = arith.constant 0 : index
    %get3A_9 = arith.constant 0 : index
    %get3A_10 = vector.load %arg4[%get3A_8, %get3A_9] : memref<1x48xf32, #tpu.memory_space<vmem>>, vector<1x48xf32>
    %add3A = arith.addf %dot_general3A_7, %get3A_10 : vector<1x48xf32>
    %max3A = arith.constant 0.000000e+00 : f32
    %max3A_11 = vector.broadcast %max3A : f32 to vector<1x48xf32>
    %max3A_12 = arith.maximumf %add3A, %max3A_11 : vector<1x48xf32>
    %get3A_13 = arith.constant 0 : index
    %get3A_14 = arith.constant 0 : index
    %get3A_15 = vector.load %arg5[%get3A_13, %get3A_14] : memref<48x1xf32, #tpu.memory_space<vmem>>, vector<48x1xf32>
    %dot_general3A_16 = arith.constant dense<0.000000e+00> : vector<1x1xf32>
    %dot_general3A_17 = tpu.matmul %max3A_12, %get3A_15, %dot_general3A_16 {dimension_numbers = #tpu.dot_dimension_numbers<[1], [0], [0], [1], [0, 0, 1, 1], [], []>, transpose_lhs_hint = false} : vector<1x48xf32>, vector<48x1xf32>, vector<1x1xf32> -> vector<1x1xf32>
    %get3A_18 = arith.constant 0 : index
    %get3A_19 = arith.constant 0 : index
    %get3A_20 = vector.load %arg6[%get3A_18, %get3A_19] : memref<1x1xf32, #tpu.memory_space<vmem>>, vector<1x1xf32>
    %add3A_21 = arith.addf %dot_general3A_17, %get3A_20 : vector<1x1xf32>
    %get3A_22 = arith.constant 0 : index
    %get3A_23 = arith.constant 0 : index
    %get3A_24 = vector.load %arg1[%get3A_22, %get3A_23] : memref<2000x48xf32, #tpu.memory_space<vmem>>, vector<2000x48xf32>
    %get3A_25 = arith.constant 0 : index
    %get3A_26 = arith.constant 0 : index
    %get3A_27 = vector.load %arg5[%get3A_25, %get3A_26] : memref<48x1xf32, #tpu.memory_space<vmem>>, vector<48x1xf32>
    %dot_general3A_28 = arith.constant dense<0.000000e+00> : vector<2000x1xf32>
    %dot_general3A_29 = tpu.matmul %get3A_24, %get3A_27, %dot_general3A_28 {dimension_numbers = #tpu.dot_dimension_numbers<[1], [0], [0], [1], [0, 0, 1, 1], [], []>, transpose_lhs_hint = false} : vector<2000x48xf32>, vector<48x1xf32>, vector<2000x1xf32> -> vector<2000x1xf32>
    %add3A_30 = vector.broadcast %add3A_21 : vector<1x1xf32> to vector<2000x1xf32>
    %add3A_31 = arith.addf %dot_general3A_29, %add3A_30 : vector<2000x1xf32>
    %swap3A = arith.constant 0 : index
    %swap3A_32 = arith.constant 0 : index
    %swap3A_33 = vector.load %arg7[%swap3A, %swap3A_32] : memref<2000x1xf32, #tpu.memory_space<vmem>>, vector<2000x1xf32>
    tpu.vector_store %arg7[%swap3A, %swap3A_32], %add3A_31 {strides = array<i32>} : memref<2000x1xf32, #tpu.memory_space<vmem>>, vector<2000x1xf32>,
    return
  }
  func.func @transform_0(%arg0: i32) -> (i32, i32) {
    %c0_i32 = arith.constant 0 : i32
    %c0_i32_0 = arith.constant 0 : i32
    return %arg0, %c0_i32 : i32, i32
  }
  func.func @transform_1(%arg0: i32) -> (i32, i32) {
    %c0_i32 = arith.constant 0 : i32
    %c0_i32_0 = arith.constant 0 : i32
    %c0_i32_1 = arith.constant 0 : i32
    return %c0_i32, %c0_i32_0 : i32, i32
  }
  func.func @transform_2(%arg0: i32) -> (i32, i32) {
    %c0_i32 = arith.constant 0 : i32
    %c0_i32_0 = arith.constant 0 : i32
    %c0_i32_1 = arith.constant 0 : i32
    return %c0_i32, %c0_i32_0 : i32, i32
  }
  func.func @transform_3(%arg0: i32) -> (i32, i32) {
    %c0_i32 = arith.constant 0 : i32
    %c0_i32_0 = arith.constant 0 : i32
    %c0_i32_1 = arith.constant 0 : i32
    return %c0_i32, %c0_i32_0 : i32, i32
  }
  func.func @transform_4(%arg0: i32) -> (i32, i32) {
    %c0_i32 = arith.constant 0 : i32
    %c0_i32_0 = arith.constant 0 : i32
    %c0_i32_1 = arith.constant 0 : i32
    return %c0_i32, %c0_i32_0 : i32, i32
  }
  func.func @transform_5(%arg0: i32) -> (i32, i32) {
    %c0_i32 = arith.constant 0 : i32
    %c0_i32_0 = arith.constant 0 : i32
    %c0_i32_1 = arith.constant 0 : i32
    return %c0_i32, %c0_i32_0 : i32, i32
  }
  func.func @transform_6(%arg0: i32) -> (i32, i32) {
    %c0_i32 = arith.constant 0 : i32
    %c0_i32_0 = arith.constant 0 : i32
    return %arg0, %c0_i32 : i32, i32
  }
}

</mosaic_0001>

<sc_bundles>
// kernel: kernel.6.cloned.1.call-start
scs
__scs_entry_jumppad:
0x0: {  	(pc) =	sbr.rel $0x88, $3  }
0x1: {  	(tag) =	ssettag $0x0;
	lr =	simm.s32 $0x1  }
0x2: {  	[smem:$0x3F94] =	sst lr;
	_ =	strace $0xD0000000  }
0x3: {  	_ = 	snop  }
0x4: {  	_ = 	snop  }
0x5: {  	_ = 	snop  }
0x6: {  	_ = 	snop  }
0x7: {  	_ = 	snop  }
__scs_overlays_trampoline_lowered:
0x8: {  	[smem:$0x3FA3] =	sst s0  }
0x9: {  	[smem:$0x3FA4] =	sst s1  }
0xa: {  	[smem:$0x3FA5] =	sst s2  }
0xb: {  	[smem:$0x3FA6] =	sst s3  }
0xc: {  	[smem:$0x3FA7] =	sst s4  }
0xd: {  	[smem:$0x3FA8] =	sst s5  }
0xe: {  	[smem:$0x3FA9] =	sst s6  }
0xf: {  	[smem:$0x3FAA] =	sst s7  }
0x10: {  	[smem:$0x3FAB] =	sst s8  }
0x11: {  	[smem:$0x3FAC] =	sst s9;
	s0 =	simm.s32 @!p0 $0x0  }
0x12: {  	s1 =	sld [smem:$0x3F92];
	s0 =	simm.s32 @p0 $0x1  }
0x13: {  	[smem:$0x3FAD] =	sst s0;
	s0 =	simm.s32 @!p1 $0x0  }
0x14: {  	s2 =	sld [smem:$0x3F91];
	s0 =	simm.s32 @p1 $0x1  }
0x15: {  	[smem:$0x3FAE] =	sst s0;
	s0 =	simm.s32 @!p2 $0x0  }
0x16: {  	s3 =	sld [smem:$0x3FDB];
	s0 =	simm.s32 @p2 $0x1  }
0x17: {  	s4 =	simm.s32 $0x1BF5;
	[smem:$0x3FB0] =	sst s0  }
0x18: {  	s0 =	sld [smem:$0x3F93];
	_ =	swait.ge [sflag:s4], $0x0  }
0x19: {  	s7 =	sld [smem:$0x3F94]  }
0x1a: {  	s8 =	sadd.s32 $0xFFFFE003, lr  }
0x1b: {  	s9 =	sadd.s32 $0xFFFFFEF7, lr;
	s5 =	simm.s32 $0xFFFFFFFF;
	p2 =	slt.u32 s8, $0xFFFFF086  }
0x1c: {  	p1 =	slt.u32 s9, $0xF7A;
	s5 =	simm.s32 @!p2 $0x0  }
0x1d: {  	s5 =	simm.s32 @p1 $0x1;
	p0 =	seq.s32 s7, s2  }
0x1e: {  	s7 =	smul.u32 @!p0 $0xF7A, s2;
	p2 =	seq.s32 @!p0 s5, $0x0  }
0x1f: {  	s9 =	smul.u32 $0xF7A, s1;
	s8 =	simm.s32 @!p0 $0x1BF5;
	p2 =	por !p2, p0  }
0x20: {  	[sflag:s8] =	ssyncset.s32 @!p0 $0xFFFFF086;
	s6 =	sadd.s32 @!p0 s3, s7;
	s7 =	simm.s32 @!p0 $0x108  }
0x21: {  	s3 =	sadd.s32 s3, s9;
	s6 =	sadd.s32 @!p0 $0x88, s6;
	s7 =	simm.s32 @p2 $0x1082  }
0x22: {  	[simem:s7], [sflag:s8] =	dma.local @!p0 [hbm:s6], $0xF7A  }
0x23: {  	s9 =	sor.u32 $0xD0000000, s2;
	s6 =	simm.s32 $0x108;
	_ =	swait.ge @!p0 [sflag:s8], $0x0  }
0x24: {  	s3 =	sadd.s32 $0x88, s3;
	s6 =	simm.s32 @!p1 $0x1082;
	[sflag:s4] =	ssyncset.s32 $0xFFFFF086  }
0x25: {  	[simem:s6], [sflag:s4] =	dma.local [hbm:s3], $0xF7A  }
0x26: {  	[smem:$0x3F94] =	sst s1;
	(tag) =	ssettag s2;
	_ =	strace s9  }
0x27: {  	s1 =	sld [smem:$0x3FA4]  }
0x28: {  	s2 =	sld [smem:$0x3FA5]  }
0x29: {  	s4 =	sld [smem:$0x3FA7]  }
0x2a: {  	p0 =	seq.s32 s5, $0x0;
	s5 =	sld [smem:$0x3FA8]  }
0x2b: {  	s6 =	sld [smem:$0x3FA9]  }
0x2c: {  	s7 =	sld [smem:$0x3FAA]  }
0x2d: {  	s3 =	simm.s32 $0x108;
	s8 =	sld [smem:$0x3FAB]  }
0x2e: {  	s3 =	simm.s32 @!p0 $0x1082;
	s9 =	sld [smem:$0x3FAC]  }
0x2f: {  	lr =	sadd.s32 s0, s3;
	s0 =	sld [smem:$0x3FA3]  }
0x30: {  	s3 =	sld [smem:$0x3FA6]  }
0x31: {  	[smem:$0x3FAF] =	sst s10  }
0x32: {  	s10 =	sld [smem:$0x3FAD];
	_ =	sdelay $0x3  }
0x33: {  	p0 =	seq.s32 s10, $0x1;
	s10 =	sld [smem:$0x3FAF];
	_ =	sdelay $0x3  }
0x34: {  	[smem:$0x3FAF] =	sst s10  }
0x35: {  	s10 =	sld [smem:$0x3FAE];
	_ =	sdelay $0x3  }
0x36: {  	p1 =	seq.s32 s10, $0x1;
	s10 =	sld [smem:$0x3FAF];
	_ =	sdelay $0x3  }
0x37: {  	[smem:$0x3FAF] =	sst s10  }
0x38: {  	s10 =	sld [smem:$0x3FB0]  }
0x39: {  	_ = 	snop;
	(pc) =	sbr.ind lr, $3  }
0x3a: {  	_ = 	snop  }
0x3b: {  	_ = 	snop  }
0x3c: {  	p2 =	seq.s32 s10, $0x1;
	s10 =	sld [smem:$0x3FAF]  }
0x3d: {  	_ =	shalt  }
0x3e: {  	_ =	shalt  }
0x3f: {  	_ =	shalt  }
0x40: {  	_ =	shalt  }
0x41: {  	_ =	shalt  }
0x42: {  	_ =	shalt  }
0x43: {  	_ =	shalt  }
0x44: {  	_ =	shalt  }
0x45: {  	_ =	shalt  }
0x46: {  	_ =	shalt  }
0x47: {  	_ =	shalt  }
0x48: {  	_ =	shalt  }
0x49: {  	_ =	shalt  }
0x4a: {  	_ =	shalt  }
0x4b: {  	_ =	shalt  }
0x4c: {  	_ =	shalt  }
0x4d: {  	_ =	shalt  }
0x4e: {  	_ =	shalt  }
0x4f: {  	_ =	shalt  }
0x50: {  	_ =	shalt  }
0x51: {  	_ =	shalt  }
0x52: {  	_ =	shalt  }
0x53: {  	_ =	shalt  }
0x54: {  	_ =	shalt  }
0x55: {  	_ =	shalt  }
0x56: {  	_ =	shalt  }
0x57: {  	_ =	shalt  }
0x58: {  	_ =	shalt  }
0x59: {  	_ =	shalt  }
0x5a: {  	_ =	shalt  }
0x5b: {  	_ =	shalt  }
0x5c: {  	_ =	shalt  }
0x5d: {  	_ =	shalt  }
0x5e: {  	_ =	shalt  }
0x5f: {  	_ =	shalt  }
0x60: {  	_ =	shalt  }
0x61: {  	_ =	shalt  }
0x62: {  	_ =	shalt  }
0x63: {  	_ =	shalt  }
0x64: {  	_ =	shalt  }
0x65: {  	_ =	shalt  }
0x66: {  	_ =	shalt  }
0x67: {  	_ =	shalt  }
0x68: {  	_ =	shalt  }
0x69: {  	_ =	shalt  }
0x6a: {  	_ =	shalt  }
0x6b: {  	_ =	shalt  }
0x6c: {  	_ =	shalt  }
0x6d: {  	_ =	shalt  }
0x6e: {  	_ =	shalt  }
0x6f: {  	_ =	shalt  }
0x70: {  	_ =	shalt  }
0x71: {  	_ =	shalt  }
0x72: {  	_ =	shalt  }
0x73: {  	_ =	shalt  }
0x74: {  	_ =	shalt  }
0x75: {  	_ =	shalt  }
0x76: {  	_ =	shalt  }
0x77: {  	_ =	shalt  }
0x78: {  	_ =	shalt  }
0x79: {  	_ =	shalt  }
0x7a: {  	_ =	shalt  }
0x7b: {  	_ =	shalt  }
0x7c: {  	_ =	shalt  }
0x7d: {  	_ =	shalt  }
0x7e: {  	_ =	shalt  }
0x7f: {  	_ =	shalt  }
0x80: {  	_ =	shalt  }
0x81: {  	_ =	shalt  }
0x82: {  	_ =	shalt  }
0x83: {  	_ =	shalt  }
0x84: {  	_ =	shalt  }
0x85: {  	_ =	shalt  }
0x86: {  	_ =	shalt  }
0x87: {  	_ =	shalt  }
.Lfunc_end0:
.L_simem_size_0:
called_computation_lowered:
.L_overlay_start_0:
0x88: {  	s2 =	sld [smem:$0x3FD9]  }
0x89: {  	s3 =	sld [smem:$0x3FFE];
	_ =	sdelay $0x1  }
0x8a: {  	s1 =	srdreg.scid  }
0x8b: {  	s0 =	sand.u32 $0x1, s1  }
0x8c: {  	s17 =	sshll.u32 s0, $0xA;
	s2 =	sadd.s32 s3, s2  }
0x8d: {  	s2 =	sadd.s32 s2, s17  }
0x8e: {  	[smem:$0x3FBB] =	sst s2  }
0x8f: {  	_ = 	snop  }
0x90: {  	s2 =	sld [smem:$0x3FC3]  }
0x91: {  	s18 =	sld [smem:$0x3FD0];
	(tm) =	ssettm $0x1  }
0x92: {  	s4 =	sld [smem:$0x3FFB];
	_ =	sdelay $0x3  }
0x93: {  	_ =	strace s4  }
0x94: {  	s4 =	sld [smem:$0x3FFC];
	_ =	sdelay $0x3  }
0x95: {  	_ =	strace s4  }
0x96: {  	s4 =	sld [smem:$0x3FFD];
	_ =	sdelay $0x3  }
0x97: {  	_ =	strace s4  }
0x98: {  	_ =	strace $0x8FFFFFFF  }
0x99: {  	s19 =	sld [smem:$0x3FDB];
	_ =	sdelay $0x1  }
0x9a: {  	s5 =	simm.s32 $_scs_section_size  }
0x9b: {  	s6 =	simm.s32 $_size__tile_overlayer_lowered;
	s7 =	simm.s32 $_tile_overlayer_lowered  }
0x9c: {  	s22 =	simm.s32 $0x1BFF;
	s21 =	sshll.u32 s7, $0x1;
	s4 =	sadd.s32 s5, s19  }
0x9d: {  	s8 =	simm.s32 $0x0;
	s20 =	sshll.u32 s6, $0x1;
	s6 =	sadd.s32 s21, s4  }
0x9e: {  	[timem:s8], [sflag:s22] =	dma.local [hbm:s6], s20  }
0x9f: {  	_ =	swait.ge [sflag:s22], s20  }
0xa0: {  	s5 =	ssub.s32 $0x0, s20;
	[sflag:s22] =	ssyncset.done $0x0  }
0xa1: {  	[sflag:s22] =	ssyncadd.s32 s5;
	_ =	sdelay $0x1  }
0xa2: {  	s23 =	simm.s32 $0x1B8B  }
0xa3: {  	_ =	swait.ge [sflag:s23], $0x1  }
0xa4: {  	[sflag:s23] =	ssyncset.done $0x0  }
0xa5: {  	s25 =	simm.s32 $0x1B8E;
	s24 =	sld [smem:$0x3FFE];
	[sflag:s23] =	ssyncadd.s32 $0xFFFFFFFF  }
0xa6: {  	s26 =	simm.s32 $execute0_lowered;
	[smem:$0x3FD2] =	sst s25  }
0xa7: {  	s6 =	sshll.u32 s26, $0x1;
	_ =	strace $0x80000046;
	[dreg:$0x1] =	wrdreg $0xFFFFFFFF  }
0xa8: {  	s28 =	simm.s32 $_size_execute0_lowered;
	s4 =	sadd.s32 s4, s6;
	[dreg:$0x0] =	wrdreg $0x0  }
0xa9: {  	s6 =	sshll.u32 s28, $0x1;
	[dreg:$0x2] =	wrdreg s4  }
0xaa: {  	[dreg:$0x3] =	wrdreg s6  }
0xab: {  	[dreg:$0x4] =	wrdreg $0xC0  }
0xac: {  	_ =	task [dreg:s8], $0x5FFFF  }
0xad: {  	[dreg:$0x1] =	wrdreg $0xFFFFFFFF  }
0xae: {  	[dreg:$0x0] =	wrdreg $0x60  }
0xaf: {  	[dreg:$0x2] =	wrdreg s24  }
0xb0: {  	[dreg:$0x3] =	wrdreg s2  }
0xb1: {  	[dreg:$0x4] =	wrdreg s18  }
0xb2: {  	[dreg:$0x5] =	wrdreg $0xB8600  }
0xb3: {  	[dreg:$0x6] =	wrdreg $0x9  }
0xb4: {  	_ =	task.clear_ibuf [dreg:s8], $0x7FFFF;
	_ =	strace $0x90000046  }
0xb5: {  	s29 =	simm.s32 $0x9;
	_ =	strace $0x80000048  }
0xb6: {  	_ =	swait.ge [sflag:s29], $0x1  }
0xb7: {  	[sflag:s29] =	ssyncadd.s32 $0xFFFFFFFF  }
0xb8: {  	_ =	strace $0x90000048  }
0xb9: {  	_ =	sfence  }
0xba: {  	s30 =	sld [smem:$0x0];
	_ =	sdelay $0x2  }
0xbb: {  	s31 =	sshll.u32 s1, $0xD;
	s1 =	sshrl.u32 s1, $0x2  }
0xbc: {  	s3 =	sand.u32 $0x4000, s31;
	s1 =	sadd.s32 s1, s30  }
0xbd: {  	s0 =	sor.u32 s3, s0;
	s1 =	sshll.u32 s1, $0x11  }
0xbe: {  	s0 =	sor.u32 s1, s0  }
0xbf: {  	s0 =	sadd.s32 $0x8F2B, s0  }
0xc0: {  	[sflag:s0] =	ssyncadd.remote.s32 $0x1  }
0xc1: {  	_ =	sfence.sel $0xFFFF  }
0xc2: {  	[dreg:$0x0] =	wrdreg $0xFFFFFFFF;
	(pc) =	sbr.abs _section_cstart, $3  }
0xc3: {  	[dreg:$0x1] =	wrdreg $0xFFFFFFFF  }
0xc4: {  	_ =	task.clear_ibuf [dreg:s8], $0x2FFFF;
	_ =	strace $0x9FFFFFFF  }
0xc5: {  	(tm) =	ssettm $0x7FFFFFFF  }
tec
execute0_lowered:
.L_overlay_start_1:
0x0: {  	(tag) =	ssettag $0x1  }
0x1: {  	s0 =	rddreg [dreg:$0x0]  }
0x2: {  	s1 =	rddreg [dreg:$0x3]  }
0x3: {  	s3 =	simm.s32 $0x0;
	s2 =	srdreg.scid;
	s15 =	stileid.u32  }
0x4: {  	s17 =	simm.s32 $0x7D0;
	s18 =	simm.s32 $0xFA0;
	s19 =	simm.s32 $0x17A8  }
0x5: {  	s20 =	simm.s32 $0x1FB0;
	s21 =	simm.s32 $0x1;
	s22 =	simm.s32 $0x2  }
0x6: {  	s23 =	simm.s32 $0x0;
	[smem:$0x7FF] =	sst s3;
	s4 =	smul.u32 $0x620, s15  }
0x7: {  	s2 =	sand.u32 $0x1, s2;
	s5 =	sadd.s32 $0x94C00, s0;
	s12 =	smul.u32 $0x49800, s15  }
0x8: {  	s6 =	sadd.s32 $0x2400, s0;
	s7 =	sadd.s32 $0x158200, s0;
	s28 =	smul.u32 $0xFFFF3CB0, s2  }
0x9: {  	s8 =	sadd.s32 $0x127400, s0;
	s9 =	smul.u32 $0xC400, s2;
	s10 =	sshllo.u32 s2, $0x1  }
0xa: {  	s0 =	sadd.s32 $0x189000, s0;
	s31 =	sshll.u32 s15, $0x6;
	s11 =	smul.u32 $0x6200, s10  }
0xb: {  	s2 =	ssub.s32 $0x2, s2;
	s10 =	smul.u32 $0xFFFF9E58, s10;
	s9 =	sadd.s32 s4, s9  }
0xc: {  	_ =	strace $0x80000047;
	s13 =	sshrl.u32 s2, $0x1;
	s14 =	smul.u32 $0x6, s9  }
.Ltmp0:
0xd: {  	s29 =	sshrl.u32 s12, $0x2;
	s4 =	sadd.s32 s4, s11;
	(pc) =	sbr.rel .LBB2_1-.Ltmp0, $4  }
0xe: {  	s2 =	ssub.s32 s2, s13;
	s1 =	sadd.s32 s29, s1;
	s4 =	smul.u32 $0x6, s4  }
0xf: {  	s9 =	smul.u32 $0x186A0, s15;
	s12 =	smax.u32 s2, $0x1;
	s30 =	sadd.s32 s0, s14  }
0x10: {  	v2 =	vimm.s32 $0x0;
	s15 =	sor.u32 $0x1C03, s31;
	[dreg:$0x5] =	wrdreg s30;
	s0 =	sadd.s32 s0, s4  }
0x11: {  	v3 =	vimm.s32 $0x6200;
	v0 =	vmov s28;
	s16 =	sshrl.u32 s1, $0x3;
	v1 =	vmov s10;
	s14 =	simm.s32 $0x3;
	[dreg:$0x6] =	wrdreg s0  }
.LBB2_31:
0x12: {  	[bflag:$0x0] =	sbarrier.arrive $0xFFFF;
	s23 =	sadd.s32 $0x1, s23  }
0x13: {  	s0 =	rddreg [dreg:$0x6];
	p0 =	sne.s32 s23, s12  }
0x14: {  	[hbm:s0], [sflag:s15] =	dma.local [spmem:s16], $0x24C0  }
.Ltmp1:
0x15: {  	_ =	swait.ge [sflag:s14], $0x24C0;
	(pc) =	sbr.rel @!p0 .LBB2_32-.Ltmp1, $3  }
0x16: {  	[sflag:s14] =	ssyncset.done $0x0  }
0x17: {  	[sflag:s14] =	ssyncadd.s32 $0xFFFFDB40  }
0x18: {  	[bflag:$0x0] =	sbarrier.arrive $0xFFFF;
	_ =	sdelay $0x1  }
.LBB2_1:
0x19: {  	s0 =	rddreg [dreg:$0x1];
	s1 =	simm.s32 $0x0;
	s2 =	simm.s32 $0xB830  }
0x1a: {  	[tilespmem:s2], [sflag:$0x3] =	stream.linear.gather [hbm4b:s0+s1], $0x30, $0x38;
	[tilespmem:$0x1DE78] =	vst v63  }
0x1b: {  	_ =	swait.ge [sflag:s14], $0x30  }
0x1c: {  	[sflag:s14] =	ssyncset.done $0x0  }
0x1d: {  	[sflag:s14] =	ssyncadd.s32 $0xFFFFFFD0  }
0x1e: {  	v6 =	vld [tilespmem:$0xB850];
	_ =	sdelay $0x1  }
0x1f: {  	v4 =	vld [tilespmem:$0xB830]  }
0x20: {  	s0 =	simm.s32 $0x40;
	s1 =	simm.s32 $0x0;
	v5 =	vld [tilespmem:$0xB840]  }
.LBB2_2:
0x21: {  	p0 =	sne.s32 s0, $0x1FC0;
	[tilespmem:s1+$0xFA0] =	vst v2;
	s2 =	smov.u32 s0;
	s0 =	sadd.s32 $0x40, s0  }
.Ltmp2:
0x22: {  	[tilespmem:s1+$0x17A8] =	vst v2;
	(pc) =	sbr.rel @p0 .LBB2_2-.Ltmp2, $2  }
0x23: {  	_ =	sdelay $0x2  }
0x24: {  	s1 =	sshra.s32 s2, $0x2  }
0x25: {  	[tilespmem:s1+$0xFA0] =	vst v2  }
0x26: {  	[tilespmem:s1+$0x17A8] =	vst v2;
	s0 =	rddreg [dreg:$0x2]  }
0x27: {  	[spmem:s16], [sflag:s15] =	dma.local [hbm:s0], $0x24C0  }
.Ltmp3:
0x28: {  	_ =	swait.ge [sflag:s14], $0x24C0;
	(pc) =	sbr.rel .LBB2_4-.Ltmp3, $4  }
0x29: {  	[sflag:s14] =	ssyncset.done $0x0  }
0x2a: {  	[sflag:s14] =	ssyncadd.s32 $0xFFFFDB40  }
0x2b: {  	[bflag:$0x0] =	sbarrier.arrive $0xFFFF  }
0x2c: {  	s24 =	simm.s32 $0x0;
	s25 =	simm.s32 $0x0  }
.LBB2_16:
0x2d: {  	s25 =	sadd.s32 $0x1, s25  }
0x2e: {  	p0 =	sne.s32 s25, $0x32  }
.Ltmp4:
0x2f: {  	_ = 	snop;
	(pc) =	sbr.rel @!p0 .LBB2_17-.Ltmp4, $1  }
0x30: {  	_ =	sdelay $0x3  }
.LBB2_4:
0x31: {  	s0 =	smul.u32 $0x7D0, s25;
	_ =	sdelay $0x1  }
0x32: {  	s0 =	sadd.s32 s9, s0  }
0x33: {  	s0 =	sshrl.u32 s0, $0x3  }
0x34: {  	s1 =	sadd.s32 s7, s0  }
0x35: {  	[tilespmem:s24], [sflag:$0x3] =	stream.linear.gather [hbm4b:s1+s24], $0x7D0, $0x38;
	[tilespmem:$0x1DE78] =	vst v63  }
0x36: {  	_ =	swait.ge [sflag:s14], $0x7D0  }
0x37: {  	[sflag:s14] =	ssyncset.done $0x0  }
0x38: {  	s0 =	sadd.s32 s8, s0;
	[sflag:s14] =	ssyncadd.s32 $0xFFFFF830  }
0x39: {  	[tilespmem:s17], [sflag:$0x3] =	stream.linear.gather [hbm4b:s0+s24], $0x7D0, $0x38;
	[tilespmem:$0x1DE78] =	vst v63  }
0x3a: {  	_ =	swait.ge [sflag:s14], $0x7D0  }
0x3b: {  	[sflag:s14] =	ssyncset.done $0x0  }
0x3c: {  	s0 =	simm.s32 $0x0;
	[sflag:s14] =	ssyncadd.s32 $0xFFFFF830  }
.LBB2_5:
0x3d: {  	p0 =	sne.s32 s0, $0x7F0  }
.Ltmp5:
0x3e: {  	_ = 	snop;
	(pc) =	sbr.rel @p0 .LBB2_5-.Ltmp5, $3  }
0x3f: {  	_ =	sdelay $0x1  }
0x40: {  	s1 =	sand.u32 $0x7F0, s0  }
0x41: {  	s0 =	sadd.s32 $0x10, s0;
	[tilespmem:s1+$0x1FB0] =	vst v3  }
0x42: {  	s1 =	simm.s32 $0x0  }
0x43: {  	v7 =	vld [tilespmem:s1+$0x7D0];
	_ =	sdelay $0x4  }
0x44: {  	v8 =	vadd.s32 v0, v7  }
0x45: {  	v9 =	vsub.s32 $0x61A7, v8  }
0x46: {  	v9 =	vor.u32 v8, v9  }
0x47: {  	v10 =	vshrl.u32 v9, $0x1F  }
0x48: {  	v11 =	vxor.u32 $0x1, v10  }
0x49: {  	(xrf0) =	vadd.scan.msk.s32 $0xffff, v11;
	_ =	sdelay $0x1  }
0x4a: {  	s0 =	simm.s32 $0x0  }
0x4b: {  	v12 =	vmov s0  }
0x4c: {  	v12 =	vadd.s32 $0xFFFFFFFF, v12  }
0x4d: {  	v12 =	vbroadcast v12, $0x0  }
0x4e: {  	v13, _, _ =	vpop (xrf0)  }
0x4f: {  	v12 =	vadd.s32 v13, v12;
	(v2sf) =	vpush v13, $0xF  }
0x50: {  	v12 =	vmul.u32 v11, v12  }
0x51: {  	v10 =	vshll.u32 v10, $0xB  }
0x52: {  	v14 =	vld [tilespmem:s1+$0x0];
	v10 =	vadd.s32 v10, v12;
	_ =	sdelay $0x3  }
0x53: {  	v9 =	vshra.s32 v9, $0x1F;
	v8 =	vmul.u32 v8, v11  }
0x54: {  	v9 =	vand.u32 $0x6200, v9;
	[tilespmem:v10+s18+$0x0] =	vst.idx.msk $0xffff, v14  }
0x55: {  	[tilespmem:v10+s19+$0x0] =	vst.idx.msk $0xffff, v7;
	v7 =	vadd.s32 v9, v8  }
0x56: {  	s2 =	simm.s32 $0x10;
	s1 =	simm.s32 $0x80;
	[tilespmem:v10+s20+$0x0] =	vst.idx.msk $0xffff, v7  }
.LBB2_7:
0x57: {  	p0 =	sne.s32 s1, $0x1F00;
	v7 =	vld [tilespmem:s2+$0x7D0]  }
0x58: {  	v8 =	vld [tilespmem:s2+$0x0];
	_ =	sdelay $0x2  }
0x59: {  	s2 =	spop (v2sf)  }
0x5a: {  	v9 =	vadd.s32 v0, v7;
	s0 =	sadd.s32 s0, s2  }
0x5b: {  	v10 =	vsub.s32 $0x61A7, v9;
	v11 =	vmov s0  }
0x5c: {  	v10 =	vor.u32 v9, v10;
	v11 =	vadd.s32 $0xFFFFFFFF, v11  }
0x5d: {  	v12 =	vshrl.u32 v10, $0x1F;
	v11 =	vbroadcast v11, $0x0;
	v10 =	vshra.s32 v10, $0x1F  }
0x5e: {  	v13 =	vxor.u32 $0x1, v12;
	v12 =	vshll.u32 v12, $0xB  }
0x5f: {  	v9 =	vmul.u32 v9, v13;
	(xrf0) =	vadd.scan.msk.s32 $0xffff, v13;
	_ =	sdelay $0x5  }
0x60: {  	v14, _, _ =	vpop (xrf0)  }
0x61: {  	v11 =	vadd.s32 v14, v11;
	(v2sf) =	vpush v14, $0xF  }
0x62: {  	v11 =	vmul.u32 v13, v11;
	_ =	sdelay $0x1  }
0x63: {  	v11 =	vadd.s32 v12, v11;
	_ =	sdelay $0x2  }
.Ltmp6:
0x64: {  	(pc) =	sbr.rel @p0 .LBB2_7-.Ltmp6, $4  }
0x65: {  	_ = 	snop  }
0x66: {  	[tilespmem:v11+s18+$0x0] =	vst.idx.msk $0xffff, v8;
	v8 =	vand.u32 $0x6200, v10  }
0x67: {  	[tilespmem:v11+s19+$0x0] =	vst.idx.msk $0xffff, v7;
	v7 =	vadd.s32 v8, v9  }
0x68: {  	s2 =	sshra.s32 s1, $0x2;
	s1 =	sadd.s32 $0x40, s1;
	[tilespmem:v11+s20+$0x0] =	vst.idx.msk $0xffff, v7  }
0x69: {  	v7 =	vld [tilespmem:s2+$0x7D0];
	_ =	sdelay $0x4  }
0x6a: {  	v8 =	vadd.s32 v0, v7  }
0x6b: {  	v9 =	vsub.s32 $0x61A7, v8  }
0x6c: {  	v9 =	vor.u32 v8, v9  }
0x6d: {  	v10 =	vshrl.u32 v9, $0x1F  }
0x6e: {  	v11 =	vxor.u32 $0x1, v10  }
0x6f: {  	(xrf0) =	vadd.scan.msk.s32 $0xffff, v11;
	_ =	sdelay $0x5  }
0x70: {  	v12, _, _ =	vpop (xrf0)  }
0x71: {  	(v2sf) =	vpush v12, $0xF;
	_ =	sdelay $0x9  }
0x72: {  	s1 =	spop (v2sf)  }
0x73: {  	s0 =	sadd.s32 s0, s1  }
0x74: {  	v13 =	vmov s0  }
0x75: {  	v13 =	vadd.s32 $0xFFFFFFFF, v13  }
0x76: {  	v13 =	vbroadcast v13, $0x0  }
0x77: {  	s3 =	spop (v2sf)  }
0x78: {  	v12 =	vadd.s32 v12, v13;
	s0 =	sadd.s32 s0, s3  }
0x79: {  	v12 =	vmul.u32 v11, v12;
	s0 =	sadd.s32 $0x7F, s0  }
0x7a: {  	v10 =	vshll.u32 v10, $0xB;
	s4 =	sand.u32 $0x7F, s0  }
0x7b: {  	v63 =	vld [tilespmem:s2+$0x0];
	v10 =	vadd.s32 v10, v12;
	s10 =	sshra.s32 s0, $0x1F;
	p0 =	slt.s32 s0, $0x1;
	p1 =	sne.s32 s4, $0x0  }
0x7c: {  	s11 =	sshrl.u32 s10, $0x19;
	p0 =	por !p0, !p1  }
0x7d: {  	s1 =	simm.s32 $0x1;
	s0 =	sadd.s32 s11, s0;
	p0 =	por !p0, !p0  }
0x7e: {  	s0 =	sshra.s32 s0, $0x7;
	s1 =	simm.s32 @!p0 $0x0  }
0x7f: {  	v9 =	vshra.s32 v9, $0x1F;
	v8 =	vmul.u32 v8, v11;
	s26 =	ssub.s32 s0, s1  }
0x80: {  	v9 =	vand.u32 $0x6200, v9;
	[tilespmem:v10+s18+$0x0] =	vst.idx.msk $0xffff, v63;
	p0 =	slt.s32 s26, $0x1  }
0x81: {  	[tilespmem:v10+s19+$0x0] =	vst.idx.msk $0xffff, v7;
	v7 =	vadd.s32 v9, v8;
	s13 =	sadd.s32 $0x1, s26;
	p5 =	slt.s32 s26, $0x0;
	s0 =	simm.s32 @!p0 $0x80  }
0x82: {  	[tilespmem:v10+s20+$0x0] =	vst.idx.msk $0xffff, v7;
	s1 =	simm.s32 @!p0 $0xFA0;
	s2 =	simm.s32 @!p0 $0x2830;
	s30 =	sand.u32 $0x1, s13  }
0x83: {  	[tilespmem:s2], [sflag:$0x1] =	stream.indirect.gather @!p0 [hbm4b:s5+s0], $0x30, s1, s0, $0xb8;
	[tilespmem:$0x1DE78] =	vst v63  }
0x84: {  	s1 =	simm.s32 @!p0 $0x17A8;
	s2 =	simm.s32 @!p0 $0x5830;
	p6 =	seq.s32 s30, $0x1  }
0x85: {  	[tilespmem:s2], [sflag:$0x1] =	stream.indirect.gather @!p0 [hbm4b:s6+s0], $0x30, s1, s0, $0xb8;
	[tilespmem:$0x1DE78] =	vst v63  }
0x86: {  	s31 =	sshrl.u32 s13, $0x1F;
	p0 =	por !p5, !p6  }
0x87: {  	s0 =	sadd.s32 s31, s13;
	s1 =	simm.s32 $0x1;
	p0 =	por !p0, !p0  }
0x88: {  	s0 =	sshra.s32 s0, $0x1;
	s1 =	simm.s32 @!p0 $0x0  }
0x89: {  	s28 =	ssub.s32 s0, s1  }
0x8a: {  	p0 =	slt.s32 s28, $0x1  }
.Ltmp7:
0x8b: {  	_ = 	snop;
	(pc) =	sbr.rel @!p0 .LBB2_9-.Ltmp7, $4  }
.Ltmp8:
0x8c: {  	_ = 	snop;
	(pc) =	sbr.rel @p0 .LBB2_16-.Ltmp8, $4  }
0x8d: {  	_ = 	snop  }
0x8e: {  	_ = 	snop  }
0x8f: {  	s29 =	simm.s32 $0x0  }
0x90: {  	_ = 	snop  }
.LBB2_14:
0x91: {  	v33 =	vld [tilespmem:s3+$0x4030]  }
0x92: {  	v34 =	vld [tilespmem:s3+$0x7030];
	_ =	sdelay $0x2  }
0x93: {  	v30 =	vmax.f32 v30, $0.0e+00;
	v23 =	vadd.f32 v25, v23;
	v61 =	vadd.f32 v28, v27  }
0x94: {  	v62 =	vadd.f32 v32, v29;
	v63 =	vmul.f32 v30, v6  }
0x95: {  	v23 =	vmax.f32 v23, $0.0e+00;
	v25 =	vmax.f32 v61, $0.0e+00;
	v36 =	vadd.f32 v34, v33  }
0x96: {  	v37 =	vmul.f32 v23, v4;
	v38 =	vmul.f32 v25, v5  }
0x97: {  	v27 =	vadd.f32 v63, v62;
	v39 =	vmax.f32 v36, $0.0e+00  }
0x98: {  	v40 =	vmul.f32 $1.442695020e+00, v31;
	v41 =	vadd.f32 v38, v37;
	v42 =	vmul.f32 v39, v6  }
0x99: {  	v43, _, _ =	vpop (xrf2);
	(xrf2) =	vadd.scan.msk.f32 $0xffff, v27  }
0x9a: {  	v29 =	vbroadcast v40, $0xF;
	v27 =	vsub.f32 $0.0e+00, v43;
	v31 =	vadd.f32 v42, v41;
	_ =	sdelay $0x1  }
0x9b: {  	v44 =	vpop (erf);
	(erf) = vpow2.f32 v29;
	v27 =	vmul.f32 $1.442695020e+00, v27;
	(xrf2) =	vadd.scan.msk.f32 $0xffff, v31  }
0x9c: {  	v29 =	vadd.f32 $1.000000000e+00, v44  }
0x9d: {  	v27 =	vbroadcast v27, $0xF  }
0x9e: {  	(erf) = vrcp.f32 v29  }
0x9f: {  	(erf) = vpow2.f32 v27;
	_ =	sdelay $0x2  }
0xa0: {  	v45, _, _ =	vpop (xrf2)  }
0xa1: {  	v46 =	vpop (erf);
	v27 =	vsub.f32 $0.0e+00, v45  }
0xa2: {  	v47 =	vpop (erf)  }
0xa3: {  	v27 =	vmul.f32 $1.442695020e+00, v27;
	v48, _, _ =	vpop (xrf2)  }
0xa4: {  	v31 =	vadd.f32 $1.000000000e+00, v47;
	v32 =	vsub.f32 $0.0e+00, v48  }
0xa5: {  	v49 =	vpop (erf);
	v27 =	vbroadcast v27, $0xF  }
0xa6: {  	(erf) = vrcp.f32 v31;
	v50 =	vpop (erf);
	v32 =	vmul.f32 $1.442695020e+00, v32  }
0xa7: {  	v51 =	vadd.f32 $1.000000000e+00, v50;
	(erf) = vpow2.f32 v27  }
0xa8: {  	v52 =	vbroadcast v32, $0xF  }
0xa9: {  	(erf) = vrcp.f32 v51  }
0xaa: {  	(erf) = vpow2.f32 v52;
	_ =	sdelay $0x2  }
0xab: {  	v7 =	vmul.f32 v24, v7;
	_ =	sdelay $0x1  }
0xac: {  	v9 =	vmul.f32 v24, v9;
	[tilespmem:s31+$0xA010] =	vst v7;
	v7 =	vmul.f32 v46, v11;
	v53 =	vpop (erf)  }
0xad: {  	[tilespmem:s31+$0xA030] =	vst v26;
	v54 =	vpop (erf)  }
0xae: {  	[tilespmem:s31+$0xA020] =	vst v9;
	v56 =	vmul.f32 v46, v10;
	v55 =	vadd.f32 $1.000000000e+00, v54  }
0xaf: {  	v8 =	vmul.f32 v46, v8;
	[tilespmem:s30+$0xA030] =	vst v7;
	v57 =	vpop (erf)  }
0xb0: {  	[tilespmem:s30+$0xA010] =	vst v56;
	v58 =	vmul.f32 v49, v15;
	(erf) = vrcp.f32 v55;
	v7 =	vpop (erf)  }
0xb1: {  	[tilespmem:s30+$0xA020] =	vst v8;
	v8 =	vmul.f32 v49, v12;
	v7 =	vadd.f32 $1.000000000e+00, v7  }
0xb2: {  	v59 =	vmul.f32 v49, v13;
	[tilespmem:s0+$0xA030] =	vst v58  }
0xb3: {  	[tilespmem:s0+$0xA010] =	vst v8;
	(erf) = vrcp.f32 v7;
	v7 =	vmul.f32 v53, v17  }
0xb4: {  	[tilespmem:s0+$0xA020] =	vst v59  }
0xb5: {  	v8 =	vmul.f32 v53, v14;
	[tilespmem:s4+$0xA030] =	vst v7;
	v7 =	vmul.f32 v57, v19  }
0xb6: {  	v60 =	vmul.f32 v53, v16  }
0xb7: {  	[tilespmem:s4+$0xA010] =	vst v8  }
0xb8: {  	[tilespmem:s4+$0xA020] =	vst v60;
	v8 =	vmul.f32 v57, v18  }
0xb9: {  	[tilespmem:s1+$0xA030] =	vst v7;
	v7 =	vpop (erf)  }
0xba: {  	[tilespmem:s1+$0xA010] =	vst v8;
	v8 =	vmul.f32 v7, v30  }
0xbb: {  	v61 =	vmul.f32 v57, v20;
	_ =	sdelay $0x1  }
0xbc: {  	[tilespmem:s1+$0xA020] =	vst v61;
	v62 =	vmul.f32 v7, v22  }
0xbd: {  	v7 =	vmul.f32 v7, v21;
	[tilespmem:s13+$0xA030] =	vst v8;
	v8 =	vpop (erf)  }
0xbe: {  	[tilespmem:s13+$0xA010] =	vst v62;
	v63 =	vmul.f32 v8, v39  }
0xbf: {  	[tilespmem:s13+$0xA020] =	vst v7;
	v7 =	vmul.f32 v8, v23  }
0xc0: {  	v8 =	vmul.f32 v8, v25;
	[tilespmem:s3+$0xA030] =	vst v63  }
0xc1: {  	[tilespmem:s3+$0xA010] =	vst v7  }
0xc2: {  	[tilespmem:s3+$0xA020] =	vst v8  }
.LBB2_15:
0xc3: {  	s29 =	sadd.s32 $0x1, s29  }
0xc4: {  	p0 =	sne.s32 s29, s28  }
.Ltmp9:
0xc5: {  	_ = 	snop;
	(pc) =	sbr.rel @!p0 .LBB2_16-.Ltmp9, $1  }
0xc6: {  	_ =	sdelay $0x3  }
.LBB2_9:
0xc7: {  	s0 =	sshllo.u32 s29, $0x1  }
0xc8: {  	p0 =	sge.s32 s0, s26  }
0xc9: {  	s0 =	sshll.u32 @!p0 s0, $0x7  }
0xca: {  	s2 =	simm.s32 @!p0 $0x80;
	s3 =	simm.s32 @!p0 $0x4030;
	s1 =	sadd.s32 @!p0 $0xFA0, s0  }
0xcb: {  	[tilespmem:s3], [sflag:$0x2] =	stream.indirect.gather @!p0 [hbm4b:s5+s2], $0x30, s1, s2, $0xb8;
	[tilespmem:$0x1DE78] =	vst v63  }
0xcc: {  	s0 =	sadd.s32 @!p0 $0x17A8, s0;
	s1 =	simm.s32 @!p0 $0x7030  }
0xcd: {  	[tilespmem:s1], [sflag:$0x2] =	stream.indirect.gather @!p0 [hbm4b:s6+s2], $0x30, s0, s2, $0xb8;
	[tilespmem:$0x1DE78] =	vst v63  }
0xce: {  	_ =	swait.ge [sflag:s21], $0x1800  }
0xcf: {  	[sflag:s21] =	ssyncset.done $0x0  }
0xd0: {  	[sflag:s21] =	ssyncadd.s32 $0xFFFFE800  }
0xd1: {  	_ =	swait.ge [sflag:s21], $0x1800  }
0xd2: {  	[sflag:s21] =	ssyncset.done $0x0  }
0xd3: {  	s31 =	simm.s32 $0x20;
	[sflag:s21] =	ssyncadd.s32 $0xFFFFE800  }
0xd4: {  	v7 =	vld [tilespmem:s31+$0x2810]  }
0xd5: {  	v8 =	vld [tilespmem:s31+$0x5810]  }
0xd6: {  	v9 =	vld [tilespmem:s31+$0x2820]  }
0xd7: {  	v10 =	vld [tilespmem:s31+$0x5820];
	_ =	sdelay $0x1  }
0xd8: {  	v11 =	vld [tilespmem:s31+$0x2830]  }
0xd9: {  	v12 =	vld [tilespmem:s31+$0x5830]  }
0xda: {  	s30 =	simm.s32 $0x50  }
0xdb: {  	v13 =	vld [tilespmem:s30+$0x5810];
	v7 =	vadd.f32 v8, v7;
	v8 =	vadd.f32 v10, v9  }
0xdc: {  	v15 =	vld [tilespmem:s30+$0x5820]  }
0xdd: {  	v10 =	vld [tilespmem:s30+$0x2810];
	v7 =	vmax.f32 v7, $0.0e+00;
	v9 =	vmax.f32 v8, $0.0e+00  }
0xde: {  	v8 =	vadd.f32 v12, v11;
	v11 =	vld [tilespmem:s30+$0x2820];
	v12 =	vmul.f32 v7, v4;
	v14 =	vmul.f32 v9, v5  }
0xdf: {  	v16 =	vld [tilespmem:s30+$0x2830]  }
0xe0: {  	v26 =	vmax.f32 v8, $0.0e+00;
	v8 =	vadd.f32 v14, v12;
	v14 =	vld [tilespmem:s30+$0x5830]  }
0xe1: {  	v12 =	vmul.f32 v26, v6  }
0xe2: {  	v10 =	vadd.f32 v13, v10  }
0xe3: {  	v8 =	vadd.f32 v12, v8;
	v11 =	vadd.f32 v15, v11;
	_ =	sdelay $0x1  }
0xe4: {  	s0 =	simm.s32 $0x80;
	v10 =	vmax.f32 v10, $0.0e+00;
	(xrf2) =	vadd.scan.msk.f32 $0xffff, v8;
	v8 =	vmax.f32 v11, $0.0e+00;
	v11 =	vadd.f32 v14, v16  }
0xe5: {  	v17 =	vld [tilespmem:s0+$0x5820];
	v13 =	vmul.f32 v10, v4;
	v14 =	vmul.f32 v8, v5  }
0xe6: {  	v18 =	vld [tilespmem:s0+$0x2830];
	v11 =	vmax.f32 v11, $0.0e+00  }
0xe7: {  	v12 =	vld [tilespmem:s0+$0x2810];
	v13 =	vadd.f32 v14, v13;
	v14 =	vmul.f32 v11, v6  }
0xe8: {  	v15 =	vld [tilespmem:s0+$0x5810]  }
0xe9: {  	v16 =	vld [tilespmem:s0+$0x2820];
	v13 =	vadd.f32 v14, v13  }
0xea: {  	v14 =	vld [tilespmem:s0+$0x5830]  }
0xeb: {  	s4 =	simm.s32 $0xB0;
	(xrf2) =	vadd.scan.msk.f32 $0xffff, v13  }
0xec: {  	v19 =	vld [tilespmem:s4+$0x2810]  }
0xed: {  	v20 =	vld [tilespmem:s4+$0x2820];
	v12 =	vadd.f32 v15, v12  }
0xee: {  	v15 =	vadd.f32 v17, v16;
	v16 =	vld [tilespmem:s4+$0x5810];
	v13, _, _ =	vpop (xrf2)  }
0xef: {  	v12 =	vmax.f32 v12, $0.0e+00;
	v17 =	vsub.f32 $0.0e+00, v13;
	v14 =	vadd.f32 v14, v18;
	v18 =	vld [tilespmem:s4+$0x5820]  }
0xf0: {  	v21 =	vmul.f32 v12, v4;
	v13 =	vmax.f32 v15, $0.0e+00  }
0xf1: {  	v22 =	vmul.f32 v13, v5;
	v17 =	vmul.f32 $1.442695020e+00, v17  }
0xf2: {  	v23 =	vld [tilespmem:s4+$0x2830];
	v15 =	vmax.f32 v14, $0.0e+00  }
0xf3: {  	v24 =	vld [tilespmem:s4+$0x5830];
	v14 =	vbroadcast v17, $0xF;
	v17 =	vadd.f32 v22, v21;
	v21 =	vmul.f32 v15, v6  }
0xf4: {  	v16 =	vadd.f32 v16, v19;
	v18 =	vadd.f32 v18, v20  }
0xf5: {  	(erf) = vpow2.f32 v14;
	v17 =	vadd.f32 v21, v17;
	v19, _, _ =	vpop (xrf2)  }
0xf6: {  	s1 =	simm.s32 $0xE0;
	v14 =	vmax.f32 v16, $0.0e+00;
	v16 =	vmax.f32 v18, $0.0e+00;
	v18 =	vsub.f32 $0.0e+00, v19  }
0xf7: {  	v22 =	vld [tilespmem:s1+$0x5810];
	(xrf2) =	vadd.scan.msk.f32 $0xffff, v17  }
0xf8: {  	v17 =	vadd.f32 v24, v23;
	v19 =	vld [tilespmem:s1+$0x2810];
	v18 =	vmul.f32 $1.442695020e+00, v18  }
0xf9: {  	v20 =	vmul.f32 v14, v4;
	v21 =	vmul.f32 v16, v5  }
0xfa: {  	v23 =	vld [tilespmem:s1+$0x2820];
	v17 =	vmax.f32 v17, $0.0e+00;
	v18 =	vbroadcast v18, $0xF  }
0xfb: {  	v24 =	vld [tilespmem:s1+$0x5820];
	v20 =	vadd.f32 v21, v20;
	v21 =	vmul.f32 v17, v6  }
0xfc: {  	v25 =	vld [tilespmem:s1+$0x2830]  }
0xfd: {  	v20 =	vadd.f32 v21, v20;
	v21 =	vld [tilespmem:s1+$0x5830];
	v19 =	vadd.f32 v22, v19  }
0xfe: {  	s13 =	simm.s32 $0x110;
	(erf) = vpow2.f32 v18;
	v18 =	vpop (erf)  }
0xff: {  	v27 =	vld [tilespmem:s13+$0x2810];
	v18 =	vadd.f32 $1.000000000e+00, v18  }
0x100: {  	v22 =	vld [tilespmem:s13+$0x5810];
	(xrf2) =	vadd.scan.msk.f32 $0xffff, v20;
	v20 =	vadd.f32 v24, v23  }
0x101: {  	v23 =	vld [tilespmem:s13+$0x2820];
	(erf) = vrcp.f32 v18;
	v18 =	vmax.f32 v19, $0.0e+00;
	v19, _, _ =	vpop (xrf2)  }
0x102: {  	v24 =	vld [tilespmem:s13+$0x5820];
	v20 =	vmax.f32 v20, $0.0e+00;
	v21 =	vadd.f32 v21, v25;
	v25 =	vsub.f32 $0.0e+00, v19  }
0x103: {  	v29 =	vmul.f32 v20, v5;
	v28 =	vmul.f32 v18, v4  }
0x104: {  	v30 =	vld [tilespmem:s13+$0x2830];
	v19 =	vmax.f32 v21, $0.0e+00;
	v21 =	vmul.f32 $1.442695020e+00, v25  }
0x105: {  	v31 =	vld [tilespmem:s13+$0x5830];
	v25 =	vadd.f32 v29, v28;
	v28 =	vmul.f32 v19, v6  }
0x106: {  	v22 =	vadd.f32 v22, v27;
	v21 =	vbroadcast v21, $0xF  }
0x107: {  	v24 =	vadd.f32 v24, v23;
	v28 =	vadd.f32 v28, v25  }
0x108: {  	s3 =	simm.s32 $0x140;
	v27 =	vpop (erf);
	(erf) = vpow2.f32 v21  }
0x109: {  	v23 =	vld [tilespmem:s3+$0x2810];
	v22 =	vmax.f32 v22, $0.0e+00;
	v32 =	vadd.f32 $1.000000000e+00, v27;
	(xrf2) =	vadd.scan.msk.f32 $0xffff, v28  }
0x10a: {  	v30 =	vadd.f32 v31, v30;
	v29 =	vmul.f32 v22, v4;
	v25 =	vld [tilespmem:s3+$0x5810];
	v33, _, _ =	vpop (xrf2)  }
0x10b: {  	v27 =	vld [tilespmem:s3+$0x2820];
	v21 =	vmax.f32 v24, $0.0e+00;
	v31 =	vsub.f32 $0.0e+00, v33;
	(erf) = vrcp.f32 v32;
	v24 =	vpop (erf)  }
0x10c: {  	s10 =	simm.s32 $0x5C0;
	s2 =	sshll.u32 s29, $0x1;
	v28 =	vld [tilespmem:s3+$0x5820];
	v32 =	vmul.f32 v21, v5;
	v26 =	vmul.f32 v24, v26  }
.LBB2_10:
0x10d: {  	p1 =	sne.s32 s10, $0x5FC0;
	v33 =	vld [tilespmem:s3+$0x2830];
	v31 =	vmul.f32 $1.442695020e+00, v31;
	v34 =	vmul.f32 v24, v7;
	v35 =	vmovc v19;
	v19 =	vmax.f32 v30, $0.0e+00;
	v7 =	vmovc v10  }
0x10e: {  	v36 =	vmul.f32 v24, v9;
	v30 =	vld [tilespmem:s3+$0x5830];
	v29 =	vadd.f32 v32, v29;
	v32 =	vmul.f32 v19, v6;
	[tilespmem:s31+$0x8830] =	vst v26  }
0x10f: {  	v10 =	vmovc v12;
	v12 =	vmovc v14;
	v14 =	vmov v18;
	v18 =	vmov v22;
	v24 =	vbroadcast v31, $0xF;
	[tilespmem:s31+$0x8810] =	vst v34  }
0x110: {  	v9 =	vmovc v8;
	v8 =	vmovc v13;
	v13 =	vmov v16;
	v16 =	vmov v20;
	v22 =	vadd.f32 v32, v29;
	[tilespmem:s31+$0x8820] =	vst v36;
	s31 =	smov.u32 s30;
	s30 =	smov.u32 s0;
	s0 =	smov.u32 s4  }
.Ltmp10:
0x111: {  	s11 =	sshra.s32 s10, $0x2;
	v29 =	vadd.f32 v25, v23;
	s4 =	smov.u32 s1;
	v27 =	vadd.f32 v28, v27;
	(erf) = vpow2.f32 v24;
	v20 =	vpop (erf);
	(pc) =	sbr.rel @p1 .LBB2_10-.Ltmp10, $4  }
0x112: {  	s1 =	smov.u32 s13;
	s13 =	smov.u32 s3;
	s3 =	smov.u32 s11;
	v23 =	vld [tilespmem:s11+$0x2810];
	(xrf2) =	vadd.scan.msk.f32 $0xffff, v22;
	v28 =	vadd.f32 $1.000000000e+00, v20;
	v20 =	vmov v21  }
0x113: {  	v22 =	vmax.f32 v29, $0.0e+00;
	v25 =	vld [tilespmem:s3+$0x5810];
	v21 =	vmax.f32 v27, $0.0e+00;
	v30 =	vadd.f32 v30, v33;
	v26, _, _ =	vpop (xrf2)  }
0x114: {  	v29 =	vmul.f32 v22, v4;
	v27 =	vld [tilespmem:s3+$0x2820];
	v31 =	vsub.f32 $0.0e+00, v26;
	(erf) = vrcp.f32 v28;
	v24 =	vpop (erf)  }
0x115: {  	s10 =	sadd.s32 $0xC0, s10;
	v32 =	vmul.f32 v21, v5;
	v28 =	vld [tilespmem:s3+$0x5820];
	v26 =	vmul.f32 v24, v11;
	v11 =	vmovc v15;
	v15 =	vmovc v17;
	v17 =	vmov v35  }
0x116: {  	v33 =	vld [tilespmem:s3+$0x2830]  }
0x117: {  	v34 =	vld [tilespmem:s3+$0x5830];
	_ =	sdelay $0x2  }
0x118: {  	v30 =	vmax.f32 v30, $0.0e+00;
	v23 =	vadd.f32 v25, v23;
	v61 =	vadd.f32 v28, v27  }
0x119: {  	v62 =	vadd.f32 v32, v29;
	v63 =	vmul.f32 v30, v6  }
0x11a: {  	v23 =	vmax.f32 v23, $0.0e+00;
	v36 =	vadd.f32 v34, v33;
	v25 =	vmax.f32 v61, $0.0e+00  }
0x11b: {  	v37 =	vmul.f32 v23, v4;
	v38 =	vmul.f32 v25, v5  }
0x11c: {  	v27 =	vadd.f32 v63, v62;
	v39 =	vmax.f32 v36, $0.0e+00  }
0x11d: {  	v40 =	vmul.f32 $1.442695020e+00, v31;
	v42 =	vmul.f32 v39, v6;
	v41 =	vadd.f32 v38, v37  }
0x11e: {  	(xrf2) =	vadd.scan.msk.f32 $0xffff, v27;
	v43, _, _ =	vpop (xrf2)  }
0x11f: {  	v29 =	vbroadcast v40, $0xF;
	v27 =	vsub.f32 $0.0e+00, v43;
	v31 =	vadd.f32 v42, v41;
	_ =	sdelay $0x1  }
0x120: {  	(erf) = vpow2.f32 v29;
	v44 =	vpop (erf);
	v27 =	vmul.f32 $1.442695020e+00, v27;
	(xrf2) =	vadd.scan.msk.f32 $0xffff, v31  }
0x121: {  	v29 =	vadd.f32 $1.000000000e+00, v44  }
0x122: {  	v27 =	vbroadcast v27, $0xF  }
0x123: {  	(erf) = vrcp.f32 v29  }
0x124: {  	(erf) = vpow2.f32 v27;
	_ =	sdelay $0x2  }
0x125: {  	v45, _, _ =	vpop (xrf2)  }
0x126: {  	v46 =	vpop (erf);
	v27 =	vsub.f32 $0.0e+00, v45  }
0x127: {  	v47 =	vpop (erf)  }
0x128: {  	v27 =	vmul.f32 $1.442695020e+00, v27;
	v48, _, _ =	vpop (xrf2)  }
0x129: {  	v31 =	vadd.f32 $1.000000000e+00, v47;
	v32 =	vsub.f32 $0.0e+00, v48  }
0x12a: {  	v49 =	vpop (erf);
	v27 =	vbroadcast v27, $0xF  }
0x12b: {  	(erf) = vrcp.f32 v31;
	v50 =	vpop (erf);
	v32 =	vmul.f32 $1.442695020e+00, v32  }
0x12c: {  	(erf) = vpow2.f32 v27;
	v51 =	vadd.f32 $1.000000000e+00, v50  }
0x12d: {  	v52 =	vbroadcast v32, $0xF  }
0x12e: {  	(erf) = vrcp.f32 v51  }
0x12f: {  	(erf) = vpow2.f32 v52;
	_ =	sdelay $0x2  }
0x130: {  	v7 =	vmul.f32 v24, v7;
	_ =	sdelay $0x1  }
0x131: {  	v9 =	vmul.f32 v24, v9;
	[tilespmem:s31+$0x8810] =	vst v7;
	v7 =	vmul.f32 v46, v11;
	v53 =	vpop (erf)  }
0x132: {  	[tilespmem:s31+$0x8830] =	vst v26;
	v54 =	vpop (erf)  }
0x133: {  	[tilespmem:s31+$0x8820] =	vst v9;
	v56 =	vmul.f32 v46, v10;
	v55 =	vadd.f32 $1.000000000e+00, v54  }
0x134: {  	v8 =	vmul.f32 v46, v8;
	[tilespmem:s30+$0x8830] =	vst v7;
	v57 =	vpop (erf)  }
0x135: {  	[tilespmem:s30+$0x8810] =	vst v56;
	v58 =	vmul.f32 v49, v15;
	(erf) = vrcp.f32 v55;
	v7 =	vpop (erf)  }
0x136: {  	[tilespmem:s30+$0x8820] =	vst v8;
	v8 =	vmul.f32 v49, v12;
	v7 =	vadd.f32 $1.000000000e+00, v7  }
0x137: {  	v59 =	vmul.f32 v49, v13;
	[tilespmem:s0+$0x8830] =	vst v58  }
0x138: {  	[tilespmem:s0+$0x8810] =	vst v8;
	(erf) = vrcp.f32 v7;
	v7 =	vmul.f32 v53, v17  }
0x139: {  	[tilespmem:s0+$0x8820] =	vst v59  }
0x13a: {  	v8 =	vmul.f32 v53, v14;
	[tilespmem:s4+$0x8830] =	vst v7;
	v7 =	vmul.f32 v57, v19  }
0x13b: {  	v60 =	vmul.f32 v53, v16  }
0x13c: {  	[tilespmem:s4+$0x8810] =	vst v8  }
0x13d: {  	[tilespmem:s4+$0x8820] =	vst v60;
	v8 =	vmul.f32 v57, v18  }
0x13e: {  	[tilespmem:s1+$0x8830] =	vst v7;
	v7 =	vpop (erf)  }
0x13f: {  	[tilespmem:s1+$0x8810] =	vst v8;
	v8 =	vmul.f32 v7, v30  }
0x140: {  	v61 =	vmul.f32 v57, v20;
	_ =	sdelay $0x1  }
0x141: {  	[tilespmem:s1+$0x8820] =	vst v61;
	v62 =	vmul.f32 v7, v22  }
0x142: {  	v7 =	vmul.f32 v7, v21;
	[tilespmem:s13+$0x8830] =	vst v8;
	v8 =	vpop (erf)  }
.Ltmp11:
0x143: {  	[tilespmem:s13+$0x8810] =	vst v62;
	v63 =	vmul.f32 v8, v39;
	(pc) =	sbr.rel @p0 .LBB2_15-.Ltmp11, $4  }
0x144: {  	[tilespmem:s13+$0x8820] =	vst v7;
	v7 =	vmul.f32 v8, v23  }
0x145: {  	v8 =	vmul.f32 v8, v25;
	[tilespmem:s3+$0x8830] =	vst v63  }
0x146: {  	[tilespmem:s3+$0x8810] =	vst v7  }
0x147: {  	[tilespmem:s3+$0x8820] =	vst v8  }
0x148: {  	s0 =	sadd.s32 $0x2, s2  }
0x149: {  	p0 =	sge.s32 s0, s26  }
0x14a: {  	s0 =	sshll.u32 @!p0 s0, $0x7  }
0x14b: {  	s2 =	simm.s32 @!p0 $0x80;
	s3 =	simm.s32 @!p0 $0x2830;
	s1 =	sadd.s32 @!p0 $0xFA0, s0  }
0x14c: {  	[tilespmem:s3], [sflag:$0x1] =	stream.indirect.gather @!p0 [hbm4b:s5+s2], $0x30, s1, s2, $0xb8;
	[tilespmem:$0x1DE78] =	vst v63  }
0x14d: {  	s0 =	sadd.s32 @!p0 $0x17A8, s0;
	s1 =	simm.s32 @!p0 $0x5830  }
0x14e: {  	[tilespmem:s1], [sflag:$0x1] =	stream.indirect.gather @!p0 [hbm4b:s6+s2], $0x30, s0, s2, $0xb8;
	[tilespmem:$0x1DE78] =	vst v63  }
0x14f: {  	_ =	swait.ge [sflag:s22], $0x1800  }
0x150: {  	[sflag:s22] =	ssyncset.done $0x0  }
0x151: {  	[sflag:s22] =	ssyncadd.s32 $0xFFFFE800  }
0x152: {  	_ =	swait.ge [sflag:s22], $0x1800  }
0x153: {  	[sflag:s22] =	ssyncset.done $0x0  }
0x154: {  	s31 =	simm.s32 $0x20;
	[sflag:s22] =	ssyncadd.s32 $0xFFFFE800  }
0x155: {  	v7 =	vld [tilespmem:s31+$0x4010]  }
0x156: {  	v8 =	vld [tilespmem:s31+$0x7010]  }
0x157: {  	v9 =	vld [tilespmem:s31+$0x4020]  }
0x158: {  	v10 =	vld [tilespmem:s31+$0x7020];
	_ =	sdelay $0x1  }
0x159: {  	v11 =	vld [tilespmem:s31+$0x4030]  }
0x15a: {  	v12 =	vld [tilespmem:s31+$0x7030]  }
0x15b: {  	s30 =	simm.s32 $0x50  }
0x15c: {  	v13 =	vld [tilespmem:s30+$0x7010];
	v7 =	vadd.f32 v8, v7;
	v8 =	vadd.f32 v10, v9  }
0x15d: {  	v15 =	vld [tilespmem:s30+$0x7020]  }
0x15e: {  	v10 =	vld [tilespmem:s30+$0x4010];
	v7 =	vmax.f32 v7, $0.0e+00;
	v9 =	vmax.f32 v8, $0.0e+00  }
0x15f: {  	v8 =	vadd.f32 v12, v11;
	v11 =	vld [tilespmem:s30+$0x4020];
	v12 =	vmul.f32 v7, v4;
	v14 =	vmul.f32 v9, v5  }
0x160: {  	v16 =	vld [tilespmem:s30+$0x4030]  }
0x161: {  	v26 =	vmax.f32 v8, $0.0e+00;
	v8 =	vadd.f32 v14, v12;
	v14 =	vld [tilespmem:s30+$0x7030]  }
0x162: {  	v12 =	vmul.f32 v26, v6  }
0x163: {  	v10 =	vadd.f32 v13, v10  }
0x164: {  	v8 =	vadd.f32 v12, v8;
	v11 =	vadd.f32 v15, v11;
	_ =	sdelay $0x1  }
0x165: {  	s0 =	simm.s32 $0x80;
	v10 =	vmax.f32 v10, $0.0e+00;
	(xrf2) =	vadd.scan.msk.f32 $0xffff, v8;
	v8 =	vmax.f32 v11, $0.0e+00;
	v11 =	vadd.f32 v14, v16  }
0x166: {  	v17 =	vld [tilespmem:s0+$0x7020];
	v13 =	vmul.f32 v10, v4;
	v14 =	vmul.f32 v8, v5  }
0x167: {  	v18 =	vld [tilespmem:s0+$0x4030];
	v11 =	vmax.f32 v11, $0.0e+00  }
0x168: {  	v12 =	vld [tilespmem:s0+$0x4010];
	v13 =	vadd.f32 v14, v13;
	v14 =	vmul.f32 v11, v6  }
0x169: {  	v15 =	vld [tilespmem:s0+$0x7010]  }
0x16a: {  	v16 =	vld [tilespmem:s0+$0x4020];
	v13 =	vadd.f32 v14, v13  }
0x16b: {  	v14 =	vld [tilespmem:s0+$0x7030]  }
0x16c: {  	s4 =	simm.s32 $0xB0;
	(xrf2) =	vadd.scan.msk.f32 $0xffff, v13  }
0x16d: {  	v19 =	vld [tilespmem:s4+$0x4010]  }
0x16e: {  	v20 =	vld [tilespmem:s4+$0x4020];
	v12 =	vadd.f32 v15, v12  }
0x16f: {  	v15 =	vadd.f32 v17, v16;
	v16 =	vld [tilespmem:s4+$0x7010];
	v13, _, _ =	vpop (xrf2)  }
0x170: {  	v12 =	vmax.f32 v12, $0.0e+00;
	v17 =	vsub.f32 $0.0e+00, v13;
	v14 =	vadd.f32 v14, v18;
	v18 =	vld [tilespmem:s4+$0x7020]  }
0x171: {  	v21 =	vmul.f32 v12, v4;
	v13 =	vmax.f32 v15, $0.0e+00  }
0x172: {  	v22 =	vmul.f32 v13, v5;
	v17 =	vmul.f32 $1.442695020e+00, v17  }
0x173: {  	v23 =	vld [tilespmem:s4+$0x4030];
	v15 =	vmax.f32 v14, $0.0e+00  }
0x174: {  	v24 =	vld [tilespmem:s4+$0x7030];
	v14 =	vbroadcast v17, $0xF;
	v17 =	vadd.f32 v22, v21;
	v21 =	vmul.f32 v15, v6  }
0x175: {  	v16 =	vadd.f32 v16, v19;
	v18 =	vadd.f32 v18, v20  }
0x176: {  	(erf) = vpow2.f32 v14;
	v17 =	vadd.f32 v21, v17;
	v19, _, _ =	vpop (xrf2)  }
0x177: {  	s1 =	simm.s32 $0xE0;
	v14 =	vmax.f32 v16, $0.0e+00;
	v16 =	vmax.f32 v18, $0.0e+00;
	v18 =	vsub.f32 $0.0e+00, v19  }
0x178: {  	v22 =	vld [tilespmem:s1+$0x7010];
	(xrf2) =	vadd.scan.msk.f32 $0xffff, v17  }
0x179: {  	v17 =	vadd.f32 v24, v23;
	v19 =	vld [tilespmem:s1+$0x4010];
	v18 =	vmul.f32 $1.442695020e+00, v18  }
0x17a: {  	v20 =	vmul.f32 v14, v4;
	v21 =	vmul.f32 v16, v5  }
0x17b: {  	v23 =	vld [tilespmem:s1+$0x4020];
	v17 =	vmax.f32 v17, $0.0e+00;
	v18 =	vbroadcast v18, $0xF  }
0x17c: {  	v24 =	vld [tilespmem:s1+$0x7020];
	v20 =	vadd.f32 v21, v20;
	v21 =	vmul.f32 v17, v6  }
0x17d: {  	v25 =	vld [tilespmem:s1+$0x4030]  }
0x17e: {  	v20 =	vadd.f32 v21, v20;
	v21 =	vld [tilespmem:s1+$0x7030];
	v19 =	vadd.f32 v22, v19  }
0x17f: {  	s13 =	simm.s32 $0x110;
	(erf) = vpow2.f32 v18;
	v18 =	vpop (erf)  }
0x180: {  	v27 =	vld [tilespmem:s13+$0x4010];
	v18 =	vadd.f32 $1.000000000e+00, v18  }
0x181: {  	v22 =	vld [tilespmem:s13+$0x7010];
	(xrf2) =	vadd.scan.msk.f32 $0xffff, v20;
	v20 =	vadd.f32 v24, v23  }
0x182: {  	v23 =	vld [tilespmem:s13+$0x4020];
	(erf) = vrcp.f32 v18;
	v18 =	vmax.f32 v19, $0.0e+00;
	v19, _, _ =	vpop (xrf2)  }
0x183: {  	v24 =	vld [tilespmem:s13+$0x7020];
	v20 =	vmax.f32 v20, $0.0e+00;
	v21 =	vadd.f32 v21, v25;
	v25 =	vsub.f32 $0.0e+00, v19  }
0x184: {  	v29 =	vmul.f32 v20, v5;
	v28 =	vmul.f32 v18, v4  }
0x185: {  	v30 =	vld [tilespmem:s13+$0x4030];
	v19 =	vmax.f32 v21, $0.0e+00;
	v21 =	vmul.f32 $1.442695020e+00, v25  }
0x186: {  	v31 =	vld [tilespmem:s13+$0x7030];
	v25 =	vadd.f32 v29, v28;
	v28 =	vmul.f32 v19, v6  }
0x187: {  	v22 =	vadd.f32 v22, v27;
	v21 =	vbroadcast v21, $0xF  }
0x188: {  	v24 =	vadd.f32 v24, v23;
	v28 =	vadd.f32 v28, v25  }
0x189: {  	s3 =	simm.s32 $0x140;
	v27 =	vpop (erf);
	(erf) = vpow2.f32 v21  }
0x18a: {  	v23 =	vld [tilespmem:s3+$0x4010];
	v22 =	vmax.f32 v22, $0.0e+00;
	v32 =	vadd.f32 $1.000000000e+00, v27;
	(xrf2) =	vadd.scan.msk.f32 $0xffff, v28  }
0x18b: {  	v30 =	vadd.f32 v31, v30;
	v29 =	vmul.f32 v22, v4;
	v25 =	vld [tilespmem:s3+$0x7010];
	v33, _, _ =	vpop (xrf2)  }
0x18c: {  	v27 =	vld [tilespmem:s3+$0x4020];
	v21 =	vmax.f32 v24, $0.0e+00;
	v31 =	vsub.f32 $0.0e+00, v33;
	(erf) = vrcp.f32 v32;
	v24 =	vpop (erf)  }
0x18d: {  	s2 =	simm.s32 $0x5C0;
	v28 =	vld [tilespmem:s3+$0x7020];
	v32 =	vmul.f32 v21, v5;
	v26 =	vmul.f32 v24, v26  }
.LBB2_13:
0x18e: {  	p0 =	sne.s32 s2, $0x5FC0;
	v33 =	vld [tilespmem:s3+$0x4030];
	v31 =	vmul.f32 $1.442695020e+00, v31;
	v34 =	vmul.f32 v24, v7;
	v35 =	vmovc v19;
	v19 =	vmax.f32 v30, $0.0e+00;
	v7 =	vmovc v10  }
0x18f: {  	v29 =	vadd.f32 v32, v29;
	v36 =	vmul.f32 v24, v9;
	v30 =	vld [tilespmem:s3+$0x7030];
	v32 =	vmul.f32 v19, v6;
	[tilespmem:s31+$0xA030] =	vst v26  }
0x190: {  	v10 =	vmovc v12;
	v12 =	vmovc v14;
	v14 =	vmov v18;
	v18 =	vmov v22;
	v24 =	vbroadcast v31, $0xF;
	[tilespmem:s31+$0xA010] =	vst v34  }
0x191: {  	v9 =	vmovc v8;
	v8 =	vmovc v13;
	v13 =	vmov v16;
	v16 =	vmov v20;
	v22 =	vadd.f32 v32, v29;
	[tilespmem:s31+$0xA020] =	vst v36;
	s31 =	smov.u32 s30;
	s30 =	smov.u32 s0;
	s0 =	smov.u32 s4  }
.Ltmp12:
0x192: {  	s10 =	sshra.s32 s2, $0x2;
	v27 =	vadd.f32 v28, v27;
	v29 =	vadd.f32 v25, v23;
	s4 =	smov.u32 s1;
	(erf) = vpow2.f32 v24;
	v20 =	vpop (erf);
	(pc) =	sbr.rel @p0 .LBB2_13-.Ltmp12, $4  }
0x193: {  	s1 =	smov.u32 s13;
	s13 =	smov.u32 s3;
	s3 =	smov.u32 s10;
	v23 =	vld [tilespmem:s10+$0x4010];
	(xrf2) =	vadd.scan.msk.f32 $0xffff, v22;
	v28 =	vadd.f32 $1.000000000e+00, v20;
	v20 =	vmov v21  }
0x194: {  	v22 =	vmax.f32 v29, $0.0e+00;
	v21 =	vmax.f32 v27, $0.0e+00;
	v25 =	vld [tilespmem:s3+$0x7010];
	v30 =	vadd.f32 v30, v33;
	v26, _, _ =	vpop (xrf2)  }
0x195: {  	v29 =	vmul.f32 v22, v4;
	v27 =	vld [tilespmem:s3+$0x4020];
	v31 =	vsub.f32 $0.0e+00, v26;
	(erf) = vrcp.f32 v28;
	v24 =	vpop (erf)  }
0x196: {  	s2 =	sadd.s32 $0xC0, s2;
	v32 =	vmul.f32 v21, v5;
	v28 =	vld [tilespmem:s3+$0x7020];
	v26 =	vmul.f32 v24, v11;
	v11 =	vmovc v15;
	v15 =	vmovc v17;
	v17 =	vmov v35  }
.Ltmp13:
0x197: {  	_ = 	snop;
	(pc) =	sbr.rel .LBB2_14-.Ltmp13, $1  }
0x198: {  	_ =	sdelay $0x3  }
.LBB2_17:
0x199: {  	[bflag:$0x0] =	sbarrier.arrive $0xFFFF  }
0x19a: {  	s0 =	rddreg [dreg:$0x5]  }
0x19b: {  	[hbm:s0], [sflag:s15] =	dma.local [spmem:s16], $0x24C0  }
0x19c: {  	_ =	swait.ge [sflag:s14], $0x24C0  }
0x19d: {  	[sflag:s14] =	ssyncset.done $0x0  }
0x19e: {  	[sflag:s14] =	ssyncadd.s32 $0xFFFFDB40  }
0x19f: {  	[bflag:$0x0] =	sbarrier.arrive $0xFFFF  }
0x1a0: {  	s31 =	rddreg [dreg:$0x2]  }
0x1a1: {  	[spmem:s16], [sflag:s15] =	dma.local [hbm:s31], $0x24C0  }
.Ltmp14:
0x1a2: {  	_ =	swait.ge [sflag:s14], $0x24C0;
	(pc) =	sbr.rel .LBB2_18-.Ltmp14, $4  }
0x1a3: {  	[sflag:s14] =	ssyncset.done $0x0  }
0x1a4: {  	[sflag:s14] =	ssyncadd.s32 $0xFFFFDB40  }
0x1a5: {  	[bflag:$0x0] =	sbarrier.arrive $0xFFFF  }
0x1a6: {  	s24 =	simm.s32 $0x0;
	s25 =	simm.s32 $0x0  }
.LBB2_30:
0x1a7: {  	s25 =	sadd.s32 $0x1, s25  }
0x1a8: {  	p0 =	sne.s32 s25, $0x32  }
.Ltmp15:
0x1a9: {  	_ = 	snop;
	(pc) =	sbr.rel @!p0 .LBB2_31-.Ltmp15, $1  }
0x1aa: {  	_ =	sdelay $0x3  }
.LBB2_18:
0x1ab: {  	s0 =	smul.u32 $0x7D0, s25;
	_ =	sdelay $0x1  }
0x1ac: {  	s0 =	sadd.s32 s9, s0  }
0x1ad: {  	s0 =	sshrl.u32 s0, $0x3  }
0x1ae: {  	s1 =	sadd.s32 s7, s0  }
0x1af: {  	[tilespmem:s24], [sflag:$0x3] =	stream.linear.gather [hbm4b:s1+s24], $0x7D0, $0x38;
	[tilespmem:$0x1DE78] =	vst v63  }
0x1b0: {  	_ =	swait.ge [sflag:s14], $0x7D0  }
0x1b1: {  	[sflag:s14] =	ssyncset.done $0x0  }
0x1b2: {  	s0 =	sadd.s32 s8, s0;
	[sflag:s14] =	ssyncadd.s32 $0xFFFFF830  }
0x1b3: {  	[tilespmem:s17], [sflag:$0x3] =	stream.linear.gather [hbm4b:s0+s24], $0x7D0, $0x38;
	[tilespmem:$0x1DE78] =	vst v63  }
0x1b4: {  	_ =	swait.ge [sflag:s14], $0x7D0  }
0x1b5: {  	[sflag:s14] =	ssyncset.done $0x0  }
0x1b6: {  	s0 =	simm.s32 $0x0;
	[sflag:s14] =	ssyncadd.s32 $0xFFFFF830  }
.LBB2_19:
0x1b7: {  	p0 =	sne.s32 s0, $0x7F0  }
.Ltmp16:
0x1b8: {  	_ = 	snop;
	(pc) =	sbr.rel @p0 .LBB2_19-.Ltmp16, $3  }
0x1b9: {  	_ =	sdelay $0x1  }
0x1ba: {  	s1 =	sand.u32 $0x7F0, s0  }
0x1bb: {  	s0 =	sadd.s32 $0x10, s0;
	[tilespmem:s1+$0x1FB0] =	vst v3  }
0x1bc: {  	s1 =	simm.s32 $0x0  }
0x1bd: {  	v7 =	vld [tilespmem:s1+$0x7D0];
	_ =	sdelay $0x4  }
0x1be: {  	v8 =	vadd.s32 v1, v7  }
0x1bf: {  	v9 =	vsub.s32 $0x61A7, v8  }
0x1c0: {  	v9 =	vor.u32 v8, v9  }
0x1c1: {  	v10 =	vshrl.u32 v9, $0x1F  }
0x1c2: {  	v11 =	vxor.u32 $0x1, v10  }
0x1c3: {  	(xrf0) =	vadd.scan.msk.s32 $0xffff, v11;
	_ =	sdelay $0x1  }
0x1c4: {  	s0 =	simm.s32 $0x0  }
0x1c5: {  	v12 =	vmov s0  }
0x1c6: {  	v12 =	vadd.s32 $0xFFFFFFFF, v12  }
0x1c7: {  	v12 =	vbroadcast v12, $0x0  }
0x1c8: {  	v13, _, _ =	vpop (xrf0)  }
0x1c9: {  	v12 =	vadd.s32 v13, v12;
	(v2sf) =	vpush v13, $0xF  }
0x1ca: {  	v12 =	vmul.u32 v11, v12  }
0x1cb: {  	v10 =	vshll.u32 v10, $0xB  }
0x1cc: {  	v14 =	vld [tilespmem:s1+$0x0];
	v10 =	vadd.s32 v10, v12;
	_ =	sdelay $0x3  }
0x1cd: {  	v9 =	vshra.s32 v9, $0x1F;
	v8 =	vmul.u32 v8, v11  }
0x1ce: {  	v9 =	vand.u32 $0x6200, v9;
	[tilespmem:v10+s18+$0x0] =	vst.idx.msk $0xffff, v14  }
0x1cf: {  	[tilespmem:v10+s19+$0x0] =	vst.idx.msk $0xffff, v7;
	v7 =	vadd.s32 v9, v8  }
0x1d0: {  	s2 =	simm.s32 $0x10;
	s1 =	simm.s32 $0x80;
	[tilespmem:v10+s20+$0x0] =	vst.idx.msk $0xffff, v7  }
.LBB2_21:
0x1d1: {  	p0 =	sne.s32 s1, $0x1F00;
	v7 =	vld [tilespmem:s2+$0x7D0]  }
0x1d2: {  	v8 =	vld [tilespmem:s2+$0x0];
	_ =	sdelay $0x2  }
0x1d3: {  	s2 =	spop (v2sf)  }
0x1d4: {  	v9 =	vadd.s32 v1, v7;
	s0 =	sadd.s32 s0, s2  }
0x1d5: {  	v10 =	vsub.s32 $0x61A7, v9;
	v11 =	vmov s0  }
0x1d6: {  	v10 =	vor.u32 v9, v10;
	v11 =	vadd.s32 $0xFFFFFFFF, v11  }
0x1d7: {  	v12 =	vshrl.u32 v10, $0x1F;
	v11 =	vbroadcast v11, $0x0;
	v10 =	vshra.s32 v10, $0x1F  }
0x1d8: {  	v13 =	vxor.u32 $0x1, v12;
	v12 =	vshll.u32 v12, $0xB  }
0x1d9: {  	v9 =	vmul.u32 v9, v13;
	(xrf0) =	vadd.scan.msk.s32 $0xffff, v13;
	_ =	sdelay $0x5  }
0x1da: {  	v14, _, _ =	vpop (xrf0)  }
0x1db: {  	v11 =	vadd.s32 v14, v11;
	(v2sf) =	vpush v14, $0xF  }
0x1dc: {  	v11 =	vmul.u32 v13, v11;
	_ =	sdelay $0x1  }
0x1dd: {  	v11 =	vadd.s32 v12, v11;
	_ =	sdelay $0x2  }
.Ltmp17:
0x1de: {  	(pc) =	sbr.rel @p0 .LBB2_21-.Ltmp17, $4  }
0x1df: {  	_ = 	snop  }
0x1e0: {  	[tilespmem:v11+s18+$0x0] =	vst.idx.msk $0xffff, v8;
	v8 =	vand.u32 $0x6200, v10  }
0x1e1: {  	[tilespmem:v11+s19+$0x0] =	vst.idx.msk $0xffff, v7;
	v7 =	vadd.s32 v8, v9  }
0x1e2: {  	s2 =	sshra.s32 s1, $0x2;
	s1 =	sadd.s32 $0x40, s1;
	[tilespmem:v11+s20+$0x0] =	vst.idx.msk $0xffff, v7  }
0x1e3: {  	v7 =	vld [tilespmem:s2+$0x7D0];
	_ =	sdelay $0x4  }
0x1e4: {  	v8 =	vadd.s32 v1, v7  }
0x1e5: {  	v9 =	vsub.s32 $0x61A7, v8  }
0x1e6: {  	v9 =	vor.u32 v8, v9  }
0x1e7: {  	v10 =	vshrl.u32 v9, $0x1F  }
0x1e8: {  	v11 =	vxor.u32 $0x1, v10  }
0x1e9: {  	(xrf0) =	vadd.scan.msk.s32 $0xffff, v11;
	_ =	sdelay $0x5  }
0x1ea: {  	v12, _, _ =	vpop (xrf0)  }
0x1eb: {  	(v2sf) =	vpush v12, $0xF;
	_ =	sdelay $0x9  }
0x1ec: {  	s1 =	spop (v2sf)  }
0x1ed: {  	s0 =	sadd.s32 s0, s1  }
0x1ee: {  	v13 =	vmov s0  }
0x1ef: {  	v13 =	vadd.s32 $0xFFFFFFFF, v13  }
0x1f0: {  	v13 =	vbroadcast v13, $0x0  }
0x1f1: {  	s3 =	spop (v2sf)  }
0x1f2: {  	v12 =	vadd.s32 v12, v13;
	s0 =	sadd.s32 s0, s3  }
0x1f3: {  	v12 =	vmul.u32 v11, v12;
	s0 =	sadd.s32 $0x7F, s0  }
0x1f4: {  	v10 =	vshll.u32 v10, $0xB;
	s4 =	sand.u32 $0x7F, s0  }
0x1f5: {  	v63 =	vld [tilespmem:s2+$0x0];
	v10 =	vadd.s32 v10, v12;
	s10 =	sshra.s32 s0, $0x1F;
	p0 =	slt.s32 s0, $0x1;
	p1 =	sne.s32 s4, $0x0  }
0x1f6: {  	s11 =	sshrl.u32 s10, $0x19;
	p0 =	por !p0, !p1  }
0x1f7: {  	s1 =	simm.s32 $0x1;
	s0 =	sadd.s32 s11, s0;
	p0 =	por !p0, !p0  }
0x1f8: {  	s0 =	sshra.s32 s0, $0x7;
	s1 =	simm.s32 @!p0 $0x0  }
0x1f9: {  	v9 =	vshra.s32 v9, $0x1F;
	v8 =	vmul.u32 v8, v11;
	s26 =	ssub.s32 s0, s1  }
0x1fa: {  	v9 =	vand.u32 $0x6200, v9;
	[tilespmem:v10+s18+$0x0] =	vst.idx.msk $0xffff, v63;
	p0 =	slt.s32 s26, $0x1  }
0x1fb: {  	[tilespmem:v10+s19+$0x0] =	vst.idx.msk $0xffff, v7;
	v7 =	vadd.s32 v9, v8;
	s13 =	sadd.s32 $0x1, s26;
	p5 =	slt.s32 s26, $0x0;
	s0 =	simm.s32 @!p0 $0x80  }
0x1fc: {  	[tilespmem:v10+s20+$0x0] =	vst.idx.msk $0xffff, v7;
	s1 =	simm.s32 @!p0 $0xFA0;
	s2 =	simm.s32 @!p0 $0x2830;
	s30 =	sand.u32 $0x1, s13  }
0x1fd: {  	[tilespmem:s2], [sflag:$0x1] =	stream.indirect.gather @!p0 [hbm4b:s5+s0], $0x30, s1, s0, $0xb8;
	[tilespmem:$0x1DE78] =	vst v63  }
0x1fe: {  	s1 =	simm.s32 @!p0 $0x17A8;
	s2 =	simm.s32 @!p0 $0x5830;
	p6 =	seq.s32 s30, $0x1  }
0x1ff: {  	[tilespmem:s2], [sflag:$0x1] =	stream.indirect.gather @!p0 [hbm4b:s6+s0], $0x30, s1, s0, $0xb8;
	[tilespmem:$0x1DE78] =	vst v63  }
0x200: {  	s31 =	sshrl.u32 s13, $0x1F;
	p0 =	por !p5, !p6  }
0x201: {  	s0 =	sadd.s32 s31, s13;
	s1 =	simm.s32 $0x1;
	p0 =	por !p0, !p0  }
0x202: {  	s0 =	sshra.s32 s0, $0x1;
	s1 =	simm.s32 @!p0 $0x0  }
0x203: {  	s28 =	ssub.s32 s0, s1  }
0x204: {  	p0 =	slt.s32 s28, $0x1  }
.Ltmp18:
0x205: {  	_ = 	snop;
	(pc) =	sbr.rel @!p0 .LBB2_23-.Ltmp18, $4  }
.Ltmp19:
0x206: {  	_ = 	snop;
	(pc) =	sbr.rel @p0 .LBB2_30-.Ltmp19, $4  }
0x207: {  	_ = 	snop  }
0x208: {  	_ = 	snop  }
0x209: {  	s29 =	simm.s32 $0x0  }
0x20a: {  	_ = 	snop  }
.LBB2_28:
0x20b: {  	v33 =	vld [tilespmem:s3+$0x4030]  }
0x20c: {  	v34 =	vld [tilespmem:s3+$0x7030];
	_ =	sdelay $0x2  }
0x20d: {  	v30 =	vmax.f32 v30, $0.0e+00;
	v23 =	vadd.f32 v25, v23;
	v61 =	vadd.f32 v28, v27  }
0x20e: {  	v62 =	vadd.f32 v32, v29;
	v63 =	vmul.f32 v30, v6  }
0x20f: {  	v23 =	vmax.f32 v23, $0.0e+00;
	v25 =	vmax.f32 v61, $0.0e+00;
	v36 =	vadd.f32 v34, v33  }
0x210: {  	v37 =	vmul.f32 v23, v4;
	v38 =	vmul.f32 v25, v5  }
0x211: {  	v27 =	vadd.f32 v63, v62;
	v39 =	vmax.f32 v36, $0.0e+00  }
0x212: {  	v40 =	vmul.f32 $1.442695020e+00, v31;
	v41 =	vadd.f32 v38, v37;
	v42 =	vmul.f32 v39, v6  }
0x213: {  	v43, _, _ =	vpop (xrf2);
	(xrf2) =	vadd.scan.msk.f32 $0xffff, v27  }
0x214: {  	v29 =	vbroadcast v40, $0xF;
	v27 =	vsub.f32 $0.0e+00, v43;
	v31 =	vadd.f32 v42, v41;
	_ =	sdelay $0x1  }
0x215: {  	v44 =	vpop (erf);
	(erf) = vpow2.f32 v29;
	v27 =	vmul.f32 $1.442695020e+00, v27;
	(xrf2) =	vadd.scan.msk.f32 $0xffff, v31  }
0x216: {  	v29 =	vadd.f32 $1.000000000e+00, v44  }
0x217: {  	v27 =	vbroadcast v27, $0xF  }
0x218: {  	(erf) = vrcp.f32 v29  }
0x219: {  	(erf) = vpow2.f32 v27;
	_ =	sdelay $0x2  }
0x21a: {  	v45, _, _ =	vpop (xrf2)  }
0x21b: {  	v46 =	vpop (erf);
	v27 =	vsub.f32 $0.0e+00, v45  }
0x21c: {  	v47 =	vpop (erf)  }
0x21d: {  	v27 =	vmul.f32 $1.442695020e+00, v27;
	v48, _, _ =	vpop (xrf2)  }
0x21e: {  	v31 =	vadd.f32 $1.000000000e+00, v47;
	v32 =	vsub.f32 $0.0e+00, v48  }
0x21f: {  	v49 =	vpop (erf);
	v27 =	vbroadcast v27, $0xF  }
0x220: {  	(erf) = vrcp.f32 v31;
	v50 =	vpop (erf);
	v32 =	vmul.f32 $1.442695020e+00, v32  }
0x221: {  	v51 =	vadd.f32 $1.000000000e+00, v50;
	(erf) = vpow2.f32 v27  }
0x222: {  	v52 =	vbroadcast v32, $0xF  }
0x223: {  	(erf) = vrcp.f32 v51  }
0x224: {  	(erf) = vpow2.f32 v52;
	_ =	sdelay $0x2  }
0x225: {  	v7 =	vmul.f32 v24, v7;
	_ =	sdelay $0x1  }
0x226: {  	v9 =	vmul.f32 v24, v9;
	[tilespmem:s31+$0xA010] =	vst v7;
	v7 =	vmul.f32 v46, v11;
	v53 =	vpop (erf)  }
0x227: {  	[tilespmem:s31+$0xA030] =	vst v26;
	v54 =	vpop (erf)  }
0x228: {  	[tilespmem:s31+$0xA020] =	vst v9;
	v56 =	vmul.f32 v46, v10;
	v55 =	vadd.f32 $1.000000000e+00, v54  }
0x229: {  	v8 =	vmul.f32 v46, v8;
	[tilespmem:s30+$0xA030] =	vst v7;
	v57 =	vpop (erf)  }
0x22a: {  	[tilespmem:s30+$0xA010] =	vst v56;
	v58 =	vmul.f32 v49, v15;
	(erf) = vrcp.f32 v55;
	v7 =	vpop (erf)  }
0x22b: {  	[tilespmem:s30+$0xA020] =	vst v8;
	v8 =	vmul.f32 v49, v12;
	v7 =	vadd.f32 $1.000000000e+00, v7  }
0x22c: {  	v59 =	vmul.f32 v49, v13;
	[tilespmem:s0+$0xA030] =	vst v58  }
0x22d: {  	[tilespmem:s0+$0xA010] =	vst v8;
	(erf) = vrcp.f32 v7;
	v7 =	vmul.f32 v53, v17  }
0x22e: {  	[tilespmem:s0+$0xA020] =	vst v59  }
0x22f: {  	v8 =	vmul.f32 v53, v14;
	[tilespmem:s4+$0xA030] =	vst v7;
	v7 =	vmul.f32 v57, v19  }
0x230: {  	v60 =	vmul.f32 v53, v16  }
0x231: {  	[tilespmem:s4+$0xA010] =	vst v8  }
0x232: {  	[tilespmem:s4+$0xA020] =	vst v60;
	v8 =	vmul.f32 v57, v18  }
0x233: {  	[tilespmem:s1+$0xA030] =	vst v7;
	v7 =	vpop (erf)  }
0x234: {  	[tilespmem:s1+$0xA010] =	vst v8;
	v8 =	vmul.f32 v7, v30  }
0x235: {  	v61 =	vmul.f32 v57, v20;
	_ =	sdelay $0x1  }
0x236: {  	[tilespmem:s1+$0xA020] =	vst v61;
	v62 =	vmul.f32 v7, v22  }
0x237: {  	v7 =	vmul.f32 v7, v21;
	[tilespmem:s13+$0xA030] =	vst v8;
	v8 =	vpop (erf)  }
0x238: {  	[tilespmem:s13+$0xA010] =	vst v62;
	v63 =	vmul.f32 v8, v39  }
0x239: {  	[tilespmem:s13+$0xA020] =	vst v7;
	v7 =	vmul.f32 v8, v23  }
0x23a: {  	v8 =	vmul.f32 v8, v25;
	[tilespmem:s3+$0xA030] =	vst v63  }
0x23b: {  	[tilespmem:s3+$0xA010] =	vst v7  }
0x23c: {  	[tilespmem:s3+$0xA020] =	vst v8  }
.LBB2_29:
0x23d: {  	s29 =	sadd.s32 $0x1, s29  }
0x23e: {  	p0 =	sne.s32 s29, s28  }
.Ltmp20:
0x23f: {  	_ = 	snop;
	(pc) =	sbr.rel @!p0 .LBB2_30-.Ltmp20, $1  }
0x240: {  	_ =	sdelay $0x3  }
.LBB2_23:
0x241: {  	s0 =	sshllo.u32 s29, $0x1  }
0x242: {  	p0 =	sge.s32 s0, s26  }
0x243: {  	s0 =	sshll.u32 @!p0 s0, $0x7  }
0x244: {  	s2 =	simm.s32 @!p0 $0x80;
	s3 =	simm.s32 @!p0 $0x4030;
	s1 =	sadd.s32 @!p0 $0xFA0, s0  }
0x245: {  	[tilespmem:s3], [sflag:$0x2] =	stream.indirect.gather @!p0 [hbm4b:s5+s2], $0x30, s1, s2, $0xb8;
	[tilespmem:$0x1DE78] =	vst v63  }
0x246: {  	s0 =	sadd.s32 @!p0 $0x17A8, s0;
	s1 =	simm.s32 @!p0 $0x7030  }
0x247: {  	[tilespmem:s1], [sflag:$0x2] =	stream.indirect.gather @!p0 [hbm4b:s6+s2], $0x30, s0, s2, $0xb8;
	[tilespmem:$0x1DE78] =	vst v63  }
0x248: {  	_ =	swait.ge [sflag:s21], $0x1800  }
0x249: {  	[sflag:s21] =	ssyncset.done $0x0  }
0x24a: {  	[sflag:s21] =	ssyncadd.s32 $0xFFFFE800  }
0x24b: {  	_ =	swait.ge [sflag:s21], $0x1800  }
0x24c: {  	[sflag:s21] =	ssyncset.done $0x0  }
0x24d: {  	s31 =	simm.s32 $0x20;
	[sflag:s21] =	ssyncadd.s32 $0xFFFFE800  }
0x24e: {  	v7 =	vld [tilespmem:s31+$0x2810]  }
0x24f: {  	v8 =	vld [tilespmem:s31+$0x5810]  }
0x250: {  	v9 =	vld [tilespmem:s31+$0x2820]  }
0x251: {  	v10 =	vld [tilespmem:s31+$0x5820];
	_ =	sdelay $0x1  }
0x252: {  	v11 =	vld [tilespmem:s31+$0x2830]  }
0x253: {  	v12 =	vld [tilespmem:s31+$0x5830]  }
0x254: {  	s30 =	simm.s32 $0x50  }
0x255: {  	v13 =	vld [tilespmem:s30+$0x5810];
	v7 =	vadd.f32 v8, v7;
	v8 =	vadd.f32 v10, v9  }
0x256: {  	v15 =	vld [tilespmem:s30+$0x5820]  }
0x257: {  	v10 =	vld [tilespmem:s30+$0x2810];
	v7 =	vmax.f32 v7, $0.0e+00;
	v9 =	vmax.f32 v8, $0.0e+00  }
0x258: {  	v8 =	vadd.f32 v12, v11;
	v11 =	vld [tilespmem:s30+$0x2820];
	v12 =	vmul.f32 v7, v4;
	v14 =	vmul.f32 v9, v5  }
0x259: {  	v16 =	vld [tilespmem:s30+$0x2830]  }
0x25a: {  	v26 =	vmax.f32 v8, $0.0e+00;
	v8 =	vadd.f32 v14, v12;
	v14 =	vld [tilespmem:s30+$0x5830]  }
0x25b: {  	v12 =	vmul.f32 v26, v6  }
0x25c: {  	v10 =	vadd.f32 v13, v10  }
0x25d: {  	v8 =	vadd.f32 v12, v8;
	v11 =	vadd.f32 v15, v11;
	_ =	sdelay $0x1  }
0x25e: {  	s0 =	simm.s32 $0x80;
	v10 =	vmax.f32 v10, $0.0e+00;
	(xrf2) =	vadd.scan.msk.f32 $0xffff, v8;
	v8 =	vmax.f32 v11, $0.0e+00;
	v11 =	vadd.f32 v14, v16  }
0x25f: {  	v17 =	vld [tilespmem:s0+$0x5820];
	v13 =	vmul.f32 v10, v4;
	v14 =	vmul.f32 v8, v5  }
0x260: {  	v18 =	vld [tilespmem:s0+$0x2830];
	v11 =	vmax.f32 v11, $0.0e+00  }
0x261: {  	v12 =	vld [tilespmem:s0+$0x2810];
	v13 =	vadd.f32 v14, v13;
	v14 =	vmul.f32 v11, v6  }
0x262: {  	v15 =	vld [tilespmem:s0+$0x5810]  }
0x263: {  	v16 =	vld [tilespmem:s0+$0x2820];
	v13 =	vadd.f32 v14, v13  }
0x264: {  	v14 =	vld [tilespmem:s0+$0x5830]  }
0x265: {  	s4 =	simm.s32 $0xB0;
	(xrf2) =	vadd.scan.msk.f32 $0xffff, v13  }
0x266: {  	v19 =	vld [tilespmem:s4+$0x2810]  }
0x267: {  	v20 =	vld [tilespmem:s4+$0x2820];
	v12 =	vadd.f32 v15, v12  }
0x268: {  	v15 =	vadd.f32 v17, v16;
	v16 =	vld [tilespmem:s4+$0x5810];
	v13, _, _ =	vpop (xrf2)  }
0x269: {  	v12 =	vmax.f32 v12, $0.0e+00;
	v17 =	vsub.f32 $0.0e+00, v13;
	v14 =	vadd.f32 v14, v18;
	v18 =	vld [tilespmem:s4+$0x5820]  }
0x26a: {  	v21 =	vmul.f32 v12, v4;
	v13 =	vmax.f32 v15, $0.0e+00  }
0x26b: {  	v22 =	vmul.f32 v13, v5;
	v17 =	vmul.f32 $1.442695020e+00, v17  }
0x26c: {  	v23 =	vld [tilespmem:s4+$0x2830];
	v15 =	vmax.f32 v14, $0.0e+00  }
0x26d: {  	v24 =	vld [tilespmem:s4+$0x5830];
	v14 =	vbroadcast v17, $0xF;
	v17 =	vadd.f32 v22, v21;
	v21 =	vmul.f32 v15, v6  }
0x26e: {  	v16 =	vadd.f32 v16, v19;
	v18 =	vadd.f32 v18, v20  }
0x26f: {  	(erf) = vpow2.f32 v14;
	v17 =	vadd.f32 v21, v17;
	v19, _, _ =	vpop (xrf2)  }
0x270: {  	s1 =	simm.s32 $0xE0;
	v14 =	vmax.f32 v16, $0.0e+00;
	v16 =	vmax.f32 v18, $0.0e+00;
	v18 =	vsub.f32 $0.0e+00, v19  }
0x271: {  	v22 =	vld [tilespmem:s1+$0x5810];
	(xrf2) =	vadd.scan.msk.f32 $0xffff, v17  }
0x272: {  	v17 =	vadd.f32 v24, v23;
	v19 =	vld [tilespmem:s1+$0x2810];
	v18 =	vmul.f32 $1.442695020e+00, v18  }
0x273: {  	v20 =	vmul.f32 v14, v4;
	v21 =	vmul.f32 v16, v5  }
0x274: {  	v23 =	vld [tilespmem:s1+$0x2820];
	v17 =	vmax.f32 v17, $0.0e+00;
	v18 =	vbroadcast v18, $0xF  }
0x275: {  	v24 =	vld [tilespmem:s1+$0x5820];
	v20 =	vadd.f32 v21, v20;
	v21 =	vmul.f32 v17, v6  }
0x276: {  	v25 =	vld [tilespmem:s1+$0x2830]  }
0x277: {  	v20 =	vadd.f32 v21, v20;
	v21 =	vld [tilespmem:s1+$0x5830];
	v19 =	vadd.f32 v22, v19  }
0x278: {  	s13 =	simm.s32 $0x110;
	(erf) = vpow2.f32 v18;
	v18 =	vpop (erf)  }
0x279: {  	v27 =	vld [tilespmem:s13+$0x2810];
	v18 =	vadd.f32 $1.000000000e+00, v18  }
0x27a: {  	v22 =	vld [tilespmem:s13+$0x5810];
	(xrf2) =	vadd.scan.msk.f32 $0xffff, v20;
	v20 =	vadd.f32 v24, v23  }
0x27b: {  	v23 =	vld [tilespmem:s13+$0x2820];
	(erf) = vrcp.f32 v18;
	v18 =	vmax.f32 v19, $0.0e+00;
	v19, _, _ =	vpop (xrf2)  }
0x27c: {  	v24 =	vld [tilespmem:s13+$0x5820];
	v20 =	vmax.f32 v20, $0.0e+00;
	v21 =	vadd.f32 v21, v25;
	v25 =	vsub.f32 $0.0e+00, v19  }
0x27d: {  	v29 =	vmul.f32 v20, v5;
	v28 =	vmul.f32 v18, v4  }
0x27e: {  	v30 =	vld [tilespmem:s13+$0x2830];
	v19 =	vmax.f32 v21, $0.0e+00;
	v21 =	vmul.f32 $1.442695020e+00, v25  }
0x27f: {  	v31 =	vld [tilespmem:s13+$0x5830];
	v25 =	vadd.f32 v29, v28;
	v28 =	vmul.f32 v19, v6  }
0x280: {  	v22 =	vadd.f32 v22, v27;
	v21 =	vbroadcast v21, $0xF  }
0x281: {  	v24 =	vadd.f32 v24, v23;
	v28 =	vadd.f32 v28, v25  }
0x282: {  	s3 =	simm.s32 $0x140;
	v27 =	vpop (erf);
	(erf) = vpow2.f32 v21  }
0x283: {  	v23 =	vld [tilespmem:s3+$0x2810];
	v22 =	vmax.f32 v22, $0.0e+00;
	v32 =	vadd.f32 $1.000000000e+00, v27;
	(xrf2) =	vadd.scan.msk.f32 $0xffff, v28  }
0x284: {  	v30 =	vadd.f32 v31, v30;
	v29 =	vmul.f32 v22, v4;
	v25 =	vld [tilespmem:s3+$0x5810];
	v33, _, _ =	vpop (xrf2)  }
0x285: {  	v27 =	vld [tilespmem:s3+$0x2820];
	v21 =	vmax.f32 v24, $0.0e+00;
	v31 =	vsub.f32 $0.0e+00, v33;
	(erf) = vrcp.f32 v32;
	v24 =	vpop (erf)  }
0x286: {  	s10 =	simm.s32 $0x5C0;
	s2 =	sshll.u32 s29, $0x1;
	v28 =	vld [tilespmem:s3+$0x5820];
	v32 =	vmul.f32 v21, v5;
	v26 =	vmul.f32 v24, v26  }
.LBB2_24:
0x287: {  	p1 =	sne.s32 s10, $0x5FC0;
	v33 =	vld [tilespmem:s3+$0x2830];
	v31 =	vmul.f32 $1.442695020e+00, v31;
	v34 =	vmul.f32 v24, v7;
	v35 =	vmovc v19;
	v19 =	vmax.f32 v30, $0.0e+00;
	v7 =	vmovc v10  }
0x288: {  	v36 =	vmul.f32 v24, v9;
	v30 =	vld [tilespmem:s3+$0x5830];
	v29 =	vadd.f32 v32, v29;
	v32 =	vmul.f32 v19, v6;
	[tilespmem:s31+$0x8830] =	vst v26  }
0x289: {  	v10 =	vmovc v12;
	v12 =	vmovc v14;
	v14 =	vmov v18;
	v18 =	vmov v22;
	v24 =	vbroadcast v31, $0xF;
	[tilespmem:s31+$0x8810] =	vst v34  }
0x28a: {  	v9 =	vmovc v8;
	v8 =	vmovc v13;
	v13 =	vmov v16;
	v16 =	vmov v20;
	v22 =	vadd.f32 v32, v29;
	[tilespmem:s31+$0x8820] =	vst v36;
	s31 =	smov.u32 s30;
	s30 =	smov.u32 s0;
	s0 =	smov.u32 s4  }
.Ltmp21:
0x28b: {  	s11 =	sshra.s32 s10, $0x2;
	v29 =	vadd.f32 v25, v23;
	s4 =	smov.u32 s1;
	v27 =	vadd.f32 v28, v27;
	(erf) = vpow2.f32 v24;
	v20 =	vpop (erf);
	(pc) =	sbr.rel @p1 .LBB2_24-.Ltmp21, $4  }
0x28c: {  	s1 =	smov.u32 s13;
	s13 =	smov.u32 s3;
	s3 =	smov.u32 s11;
	v23 =	vld [tilespmem:s11+$0x2810];
	(xrf2) =	vadd.scan.msk.f32 $0xffff, v22;
	v28 =	vadd.f32 $1.000000000e+00, v20;
	v20 =	vmov v21  }
0x28d: {  	v22 =	vmax.f32 v29, $0.0e+00;
	v25 =	vld [tilespmem:s3+$0x5810];
	v21 =	vmax.f32 v27, $0.0e+00;
	v30 =	vadd.f32 v30, v33;
	v26, _, _ =	vpop (xrf2)  }
0x28e: {  	v29 =	vmul.f32 v22, v4;
	v27 =	vld [tilespmem:s3+$0x2820];
	v31 =	vsub.f32 $0.0e+00, v26;
	(erf) = vrcp.f32 v28;
	v24 =	vpop (erf)  }
0x28f: {  	s10 =	sadd.s32 $0xC0, s10;
	v32 =	vmul.f32 v21, v5;
	v28 =	vld [tilespmem:s3+$0x5820];
	v26 =	vmul.f32 v24, v11;
	v11 =	vmovc v15;
	v15 =	vmovc v17;
	v17 =	vmov v35  }
0x290: {  	v33 =	vld [tilespmem:s3+$0x2830]  }
0x291: {  	v34 =	vld [tilespmem:s3+$0x5830];
	_ =	sdelay $0x2  }
0x292: {  	v30 =	vmax.f32 v30, $0.0e+00;
	v23 =	vadd.f32 v25, v23;
	v61 =	vadd.f32 v28, v27  }
0x293: {  	v62 =	vadd.f32 v32, v29;
	v63 =	vmul.f32 v30, v6  }
0x294: {  	v23 =	vmax.f32 v23, $0.0e+00;
	v36 =	vadd.f32 v34, v33;
	v25 =	vmax.f32 v61, $0.0e+00  }
0x295: {  	v37 =	vmul.f32 v23, v4;
	v38 =	vmul.f32 v25, v5  }
0x296: {  	v27 =	vadd.f32 v63, v62;
	v39 =	vmax.f32 v36, $0.0e+00  }
0x297: {  	v40 =	vmul.f32 $1.442695020e+00, v31;
	v42 =	vmul.f32 v39, v6;
	v41 =	vadd.f32 v38, v37  }
0x298: {  	(xrf2) =	vadd.scan.msk.f32 $0xffff, v27;
	v43, _, _ =	vpop (xrf2)  }
0x299: {  	v29 =	vbroadcast v40, $0xF;
	v27 =	vsub.f32 $0.0e+00, v43;
	v31 =	vadd.f32 v42, v41;
	_ =	sdelay $0x1  }
0x29a: {  	(erf) = vpow2.f32 v29;
	v44 =	vpop (erf);
	v27 =	vmul.f32 $1.442695020e+00, v27;
	(xrf2) =	vadd.scan.msk.f32 $0xffff, v31  }
0x29b: {  	v29 =	vadd.f32 $1.000000000e+00, v44  }
0x29c: {  	v27 =	vbroadcast v27, $0xF  }
0x29d: {  	(erf) = vrcp.f32 v29  }
0x29e: {  	(erf) = vpow2.f32 v27;
	_ =	sdelay $0x2  }
0x29f: {  	v45, _, _ =	vpop (xrf2)  }
0x2a0: {  	v46 =	vpop (erf);
	v27 =	vsub.f32 $0.0e+00, v45  }
0x2a1: {  	v47 =	vpop (erf)  }
0x2a2: {  	v27 =	vmul.f32 $1.442695020e+00, v27;
	v48, _, _ =	vpop (xrf2)  }
0x2a3: {  	v31 =	vadd.f32 $1.000000000e+00, v47;
	v32 =	vsub.f32 $0.0e+00, v48  }
0x2a4: {  	v49 =	vpop (erf);
	v27 =	vbroadcast v27, $0xF  }
0x2a5: {  	(erf) = vrcp.f32 v31;
	v50 =	vpop (erf);
	v32 =	vmul.f32 $1.442695020e+00, v32  }
0x2a6: {  	(erf) = vpow2.f32 v27;
	v51 =	vadd.f32 $1.000000000e+00, v50  }
0x2a7: {  	v52 =	vbroadcast v32, $0xF  }
0x2a8: {  	(erf) = vrcp.f32 v51  }
0x2a9: {  	(erf) = vpow2.f32 v52;
	_ =	sdelay $0x2  }
0x2aa: {  	v7 =	vmul.f32 v24, v7;
	_ =	sdelay $0x1  }
0x2ab: {  	v9 =	vmul.f32 v24, v9;
	[tilespmem:s31+$0x8810] =	vst v7;
	v7 =	vmul.f32 v46, v11;
	v53 =	vpop (erf)  }
0x2ac: {  	[tilespmem:s31+$0x8830] =	vst v26;
	v54 =	vpop (erf)  }
0x2ad: {  	[tilespmem:s31+$0x8820] =	vst v9;
	v56 =	vmul.f32 v46, v10;
	v55 =	vadd.f32 $1.000000000e+00, v54  }
0x2ae: {  	v8 =	vmul.f32 v46, v8;
	[tilespmem:s30+$0x8830] =	vst v7;
	v57 =	vpop (erf)  }
0x2af: {  	[tilespmem:s30+$0x8810] =	vst v56;
	v58 =	vmul.f32 v49, v15;
	(erf) = vrcp.f32 v55;
	v7 =	vpop (erf)  }
0x2b0: {  	[tilespmem:s30+$0x8820] =	vst v8;
	v8 =	vmul.f32 v49, v12;
	v7 =	vadd.f32 $1.000000000e+00, v7  }
0x2b1: {  	v59 =	vmul.f32 v49, v13;
	[tilespmem:s0+$0x8830] =	vst v58  }
0x2b2: {  	[tilespmem:s0+$0x8810] =	vst v8;
	(erf) = vrcp.f32 v7;
	v7 =	vmul.f32 v53, v17  }
0x2b3: {  	[tilespmem:s0+$0x8820] =	vst v59  }
0x2b4: {  	v8 =	vmul.f32 v53, v14;
	[tilespmem:s4+$0x8830] =	vst v7;
	v7 =	vmul.f32 v57, v19  }
0x2b5: {  	v60 =	vmul.f32 v53, v16  }
0x2b6: {  	[tilespmem:s4+$0x8810] =	vst v8  }
0x2b7: {  	[tilespmem:s4+$0x8820] =	vst v60;
	v8 =	vmul.f32 v57, v18  }
0x2b8: {  	[tilespmem:s1+$0x8830] =	vst v7;
	v7 =	vpop (erf)  }
0x2b9: {  	[tilespmem:s1+$0x8810] =	vst v8;
	v8 =	vmul.f32 v7, v30  }
0x2ba: {  	v61 =	vmul.f32 v57, v20;
	_ =	sdelay $0x1  }
0x2bb: {  	[tilespmem:s1+$0x8820] =	vst v61;
	v62 =	vmul.f32 v7, v22  }
0x2bc: {  	v7 =	vmul.f32 v7, v21;
	[tilespmem:s13+$0x8830] =	vst v8;
	v8 =	vpop (erf)  }
.Ltmp22:
0x2bd: {  	[tilespmem:s13+$0x8810] =	vst v62;
	v63 =	vmul.f32 v8, v39;
	(pc) =	sbr.rel @p0 .LBB2_29-.Ltmp22, $4  }
0x2be: {  	[tilespmem:s13+$0x8820] =	vst v7;
	v7 =	vmul.f32 v8, v23  }
0x2bf: {  	v8 =	vmul.f32 v8, v25;
	[tilespmem:s3+$0x8830] =	vst v63  }
0x2c0: {  	[tilespmem:s3+$0x8810] =	vst v7  }
0x2c1: {  	[tilespmem:s3+$0x8820] =	vst v8  }
0x2c2: {  	s0 =	sadd.s32 $0x2, s2  }
0x2c3: {  	p0 =	sge.s32 s0, s26  }
0x2c4: {  	s0 =	sshll.u32 @!p0 s0, $0x7  }
0x2c5: {  	s2 =	simm.s32 @!p0 $0x80;
	s3 =	simm.s32 @!p0 $0x2830;
	s1 =	sadd.s32 @!p0 $0xFA0, s0  }
0x2c6: {  	[tilespmem:s3], [sflag:$0x1] =	stream.indirect.gather @!p0 [hbm4b:s5+s2], $0x30, s1, s2, $0xb8;
	[tilespmem:$0x1DE78] =	vst v63  }
0x2c7: {  	s0 =	sadd.s32 @!p0 $0x17A8, s0;
	s1 =	simm.s32 @!p0 $0x5830  }
0x2c8: {  	[tilespmem:s1], [sflag:$0x1] =	stream.indirect.gather @!p0 [hbm4b:s6+s2], $0x30, s0, s2, $0xb8;
	[tilespmem:$0x1DE78] =	vst v63  }
0x2c9: {  	_ =	swait.ge [sflag:s22], $0x1800  }
0x2ca: {  	[sflag:s22] =	ssyncset.done $0x0  }
0x2cb: {  	[sflag:s22] =	ssyncadd.s32 $0xFFFFE800  }
0x2cc: {  	_ =	swait.ge [sflag:s22], $0x1800  }
0x2cd: {  	[sflag:s22] =	ssyncset.done $0x0  }
0x2ce: {  	s31 =	simm.s32 $0x20;
	[sflag:s22] =	ssyncadd.s32 $0xFFFFE800  }
0x2cf: {  	v7 =	vld [tilespmem:s31+$0x4010]  }
0x2d0: {  	v8 =	vld [tilespmem:s31+$0x7010]  }
0x2d1: {  	v9 =	vld [tilespmem:s31+$0x4020]  }
0x2d2: {  	v10 =	vld [tilespmem:s31+$0x7020];
	_ =	sdelay $0x1  }
0x2d3: {  	v11 =	vld [tilespmem:s31+$0x4030]  }
0x2d4: {  	v12 =	vld [tilespmem:s31+$0x7030]  }
0x2d5: {  	s30 =	simm.s32 $0x50  }
0x2d6: {  	v13 =	vld [tilespmem:s30+$0x7010];
	v7 =	vadd.f32 v8, v7;
	v8 =	vadd.f32 v10, v9  }
0x2d7: {  	v15 =	vld [tilespmem:s30+$0x7020]  }
0x2d8: {  	v10 =	vld [tilespmem:s30+$0x4010];
	v7 =	vmax.f32 v7, $0.0e+00;
	v9 =	vmax.f32 v8, $0.0e+00  }
0x2d9: {  	v8 =	vadd.f32 v12, v11;
	v11 =	vld [tilespmem:s30+$0x4020];
	v12 =	vmul.f32 v7, v4;
	v14 =	vmul.f32 v9, v5  }
0x2da: {  	v16 =	vld [tilespmem:s30+$0x4030]  }
0x2db: {  	v26 =	vmax.f32 v8, $0.0e+00;
	v8 =	vadd.f32 v14, v12;
	v14 =	vld [tilespmem:s30+$0x7030]  }
0x2dc: {  	v12 =	vmul.f32 v26, v6  }
0x2dd: {  	v10 =	vadd.f32 v13, v10  }
0x2de: {  	v8 =	vadd.f32 v12, v8;
	v11 =	vadd.f32 v15, v11;
	_ =	sdelay $0x1  }
0x2df: {  	s0 =	simm.s32 $0x80;
	v10 =	vmax.f32 v10, $0.0e+00;
	(xrf2) =	vadd.scan.msk.f32 $0xffff, v8;
	v8 =	vmax.f32 v11, $0.0e+00;
	v11 =	vadd.f32 v14, v16  }
0x2e0: {  	v17 =	vld [tilespmem:s0+$0x7020];
	v13 =	vmul.f32 v10, v4;
	v14 =	vmul.f32 v8, v5  }
0x2e1: {  	v18 =	vld [tilespmem:s0+$0x4030];
	v11 =	vmax.f32 v11, $0.0e+00  }
0x2e2: {  	v12 =	vld [tilespmem:s0+$0x4010];
	v13 =	vadd.f32 v14, v13;
	v14 =	vmul.f32 v11, v6  }
0x2e3: {  	v15 =	vld [tilespmem:s0+$0x7010]  }
0x2e4: {  	v16 =	vld [tilespmem:s0+$0x4020];
	v13 =	vadd.f32 v14, v13  }
0x2e5: {  	v14 =	vld [tilespmem:s0+$0x7030]  }
0x2e6: {  	s4 =	simm.s32 $0xB0;
	(xrf2) =	vadd.scan.msk.f32 $0xffff, v13  }
0x2e7: {  	v19 =	vld [tilespmem:s4+$0x4010]  }
0x2e8: {  	v20 =	vld [tilespmem:s4+$0x4020];
	v12 =	vadd.f32 v15, v12  }
0x2e9: {  	v15 =	vadd.f32 v17, v16;
	v16 =	vld [tilespmem:s4+$0x7010];
	v13, _, _ =	vpop (xrf2)  }
0x2ea: {  	v12 =	vmax.f32 v12, $0.0e+00;
	v17 =	vsub.f32 $0.0e+00, v13;
	v14 =	vadd.f32 v14, v18;
	v18 =	vld [tilespmem:s4+$0x7020]  }
0x2eb: {  	v21 =	vmul.f32 v12, v4;
	v13 =	vmax.f32 v15, $0.0e+00  }
0x2ec: {  	v22 =	vmul.f32 v13, v5;
	v17 =	vmul.f32 $1.442695020e+00, v17  }
0x2ed: {  	v23 =	vld [tilespmem:s4+$0x4030];
	v15 =	vmax.f32 v14, $0.0e+00  }
0x2ee: {  	v24 =	vld [tilespmem:s4+$0x7030];
	v14 =	vbroadcast v17, $0xF;
	v17 =	vadd.f32 v22, v21;
	v21 =	vmul.f32 v15, v6  }
0x2ef: {  	v16 =	vadd.f32 v16, v19;
	v18 =	vadd.f32 v18, v20  }
0x2f0: {  	(erf) = vpow2.f32 v14;
	v17 =	vadd.f32 v21, v17;
	v19, _, _ =	vpop (xrf2)  }
0x2f1: {  	s1 =	simm.s32 $0xE0;
	v14 =	vmax.f32 v16, $0.0e+00;
	v16 =	vmax.f32 v18, $0.0e+00;
	v18 =	vsub.f32 $0.0e+00, v19  }
0x2f2: {  	v22 =	vld [tilespmem:s1+$0x7010];
	(xrf2) =	vadd.scan.msk.f32 $0xffff, v17  }
0x2f3: {  	v17 =	vadd.f32 v24, v23;
	v19 =	vld [tilespmem:s1+$0x4010];
	v18 =	vmul.f32 $1.442695020e+00, v18  }
0x2f4: {  	v20 =	vmul.f32 v14, v4;
	v21 =	vmul.f32 v16, v5  }
0x2f5: {  	v23 =	vld [tilespmem:s1+$0x4020];
	v17 =	vmax.f32 v17, $0.0e+00;
	v18 =	vbroadcast v18, $0xF  }
0x2f6: {  	v24 =	vld [tilespmem:s1+$0x7020];
	v20 =	vadd.f32 v21, v20;
	v21 =	vmul.f32 v17, v6  }
0x2f7: {  	v25 =	vld [tilespmem:s1+$0x4030]  }
0x2f8: {  	v20 =	vadd.f32 v21, v20;
	v21 =	vld [tilespmem:s1+$0x7030];
	v19 =	vadd.f32 v22, v19  }
0x2f9: {  	s13 =	simm.s32 $0x110;
	(erf) = vpow2.f32 v18;
	v18 =	vpop (erf)  }
0x2fa: {  	v27 =	vld [tilespmem:s13+$0x4010];
	v18 =	vadd.f32 $1.000000000e+00, v18  }
0x2fb: {  	v22 =	vld [tilespmem:s13+$0x7010];
	(xrf2) =	vadd.scan.msk.f32 $0xffff, v20;
	v20 =	vadd.f32 v24, v23  }
0x2fc: {  	v23 =	vld [tilespmem:s13+$0x4020];
	(erf) = vrcp.f32 v18;
	v18 =	vmax.f32 v19, $0.0e+00;
	v19, _, _ =	vpop (xrf2)  }
0x2fd: {  	v24 =	vld [tilespmem:s13+$0x7020];
	v20 =	vmax.f32 v20, $0.0e+00;
	v21 =	vadd.f32 v21, v25;
	v25 =	vsub.f32 $0.0e+00, v19  }
0x2fe: {  	v29 =	vmul.f32 v20, v5;
	v28 =	vmul.f32 v18, v4  }
0x2ff: {  	v30 =	vld [tilespmem:s13+$0x4030];
	v19 =	vmax.f32 v21, $0.0e+00;
	v21 =	vmul.f32 $1.442695020e+00, v25  }
0x300: {  	v31 =	vld [tilespmem:s13+$0x7030];
	v25 =	vadd.f32 v29, v28;
	v28 =	vmul.f32 v19, v6  }
0x301: {  	v22 =	vadd.f32 v22, v27;
	v21 =	vbroadcast v21, $0xF  }
0x302: {  	v24 =	vadd.f32 v24, v23;
	v28 =	vadd.f32 v28, v25  }
0x303: {  	s3 =	simm.s32 $0x140;
	v27 =	vpop (erf);
	(erf) = vpow2.f32 v21  }
0x304: {  	v23 =	vld [tilespmem:s3+$0x4010];
	v22 =	vmax.f32 v22, $0.0e+00;
	v32 =	vadd.f32 $1.000000000e+00, v27;
	(xrf2) =	vadd.scan.msk.f32 $0xffff, v28  }
0x305: {  	v30 =	vadd.f32 v31, v30;
	v29 =	vmul.f32 v22, v4;
	v25 =	vld [tilespmem:s3+$0x7010];
	v33, _, _ =	vpop (xrf2)  }
0x306: {  	v27 =	vld [tilespmem:s3+$0x4020];
	v21 =	vmax.f32 v24, $0.0e+00;
	v31 =	vsub.f32 $0.0e+00, v33;
	(erf) = vrcp.f32 v32;
	v24 =	vpop (erf)  }
0x307: {  	s2 =	simm.s32 $0x5C0;
	v28 =	vld [tilespmem:s3+$0x7020];
	v32 =	vmul.f32 v21, v5;
	v26 =	vmul.f32 v24, v26  }
.LBB2_27:
0x308: {  	p0 =	sne.s32 s2, $0x5FC0;
	v33 =	vld [tilespmem:s3+$0x4030];
	v31 =	vmul.f32 $1.442695020e+00, v31;
	v34 =	vmul.f32 v24, v7;
	v35 =	vmovc v19;
	v19 =	vmax.f32 v30, $0.0e+00;
	v7 =	vmovc v10  }
0x309: {  	v29 =	vadd.f32 v32, v29;
	v36 =	vmul.f32 v24, v9;
	v30 =	vld [tilespmem:s3+$0x7030];
	v32 =	vmul.f32 v19, v6;
	[tilespmem:s31+$0xA030] =	vst v26  }
0x30a: {  	v10 =	vmovc v12;
	v12 =	vmovc v14;
	v14 =	vmov v18;
	v18 =	vmov v22;
	v24 =	vbroadcast v31, $0xF;
	[tilespmem:s31+$0xA010] =	vst v34  }
0x30b: {  	v9 =	vmovc v8;
	v8 =	vmovc v13;
	v13 =	vmov v16;
	v16 =	vmov v20;
	v22 =	vadd.f32 v32, v29;
	[tilespmem:s31+$0xA020] =	vst v36;
	s31 =	smov.u32 s30;
	s30 =	smov.u32 s0;
	s0 =	smov.u32 s4  }
.Ltmp23:
0x30c: {  	s10 =	sshra.s32 s2, $0x2;
	v27 =	vadd.f32 v28, v27;
	v29 =	vadd.f32 v25, v23;
	s4 =	smov.u32 s1;
	(erf) = vpow2.f32 v24;
	v20 =	vpop (erf);
	(pc) =	sbr.rel @p0 .LBB2_27-.Ltmp23, $4  }
0x30d: {  	s1 =	smov.u32 s13;
	s13 =	smov.u32 s3;
	s3 =	smov.u32 s10;
	v23 =	vld [tilespmem:s10+$0x4010];
	(xrf2) =	vadd.scan.msk.f32 $0xffff, v22;
	v28 =	vadd.f32 $1.000000000e+00, v20;
	v20 =	vmov v21  }
0x30e: {  	v22 =	vmax.f32 v29, $0.0e+00;
	v21 =	vmax.f32 v27, $0.0e+00;
	v25 =	vld [tilespmem:s3+$0x7010];
	v30 =	vadd.f32 v30, v33;
	v26, _, _ =	vpop (xrf2)  }
0x30f: {  	v29 =	vmul.f32 v22, v4;
	v27 =	vld [tilespmem:s3+$0x4020];
	v31 =	vsub.f32 $0.0e+00, v26;
	(erf) = vrcp.f32 v28;
	v24 =	vpop (erf)  }
0x310: {  	s2 =	sadd.s32 $0xC0, s2;
	v32 =	vmul.f32 v21, v5;
	v28 =	vld [tilespmem:s3+$0x7020];
	v26 =	vmul.f32 v24, v11;
	v11 =	vmovc v15;
	v15 =	vmovc v17;
	v17 =	vmov v35  }
.Ltmp24:
0x311: {  	_ = 	snop;
	(pc) =	sbr.rel .LBB2_28-.Ltmp24, $1  }
0x312: {  	_ =	sdelay $0x3  }
.LBB2_32:
0x313: {  	_ =	sfence.sel $0x180000  }
0x314: {  	[bflag:$0x0] =	sbarrier.arrive $0xFFFF  }
0x315: {  	_ =	strace $0x90000047  }
0x316: {  	s0 =	stileid.u32;
	[bflag:$0x2] =	sbarrier.arrive $0xFFFF  }
0x317: {  	p0 =	sne.s32 s0, $0x0;
	s0 =	rddreg [dreg:$0x4]  }
0x318: {  	s0 =	sadd.s32 @!p0 $0x100000, s0  }
0x319: {  	[sflag:s0] =	ssyncadd.tile.s32 @!p0 $0x1;
	_ =	shalt  }
.Lfunc_end2:
_tile_overlayer_lowered:
.L_overlay_start_2:
0x31a: {  	(tag) =	ssettag $0x2  }
0x31b: {  	s0 =	rddreg [dreg:$0x0];
	s2 =	stileid.u32  }
0x31c: {  	s1 =	rddreg [dreg:$0x1];
	p0 =	sne.s32 s2, $0x0  }
0x31d: {  	s3 =	rddreg [dreg:$0x2];
	[bflag:$0x3] =	sbarrier.arrive $0xFFFF;
	s2 =	simm.s32 @!p0 $0x1C03  }
0x31e: {  	[timem:s3], [sflag:s2] =	dma.local @!p0 [hbm:s0], s1  }
0x31f: {  	s0 =	simm.s32 @!p0 $0x3  }
0x320: {  	_ =	swait.ge @!p0 [sflag:s0], s1  }
0x321: {  	s1 =	ssub.s32 @!p0 $0x0, s1;
	[sflag:s0] =	ssyncset.done @!p0 $0x0  }
0x322: {  	[sflag:s0] =	ssyncadd.s32 @!p0 s1  }
0x323: {  	[bflag:$0x3] =	sbarrier.arrive $0xFFFF  }
0x324: {  	_ =	shalt  }

</sc_bundles>
